<compile_context>
chip_gen: v7x
topology: tpu7x:2x2x1
jax: 0.10.2.dev20260603
libtpu: 0.0.44.dev20260713+nightly
codegen_flags: <defaults>
</compile_context>

<pallas_src>
import functools
import jax
import jax.numpy as jnp
from jax import lax
from jax.experimental import pallas as pl
from jax.experimental.pallas import tpu as pltpu, tpu_sc as plsc

N = 10000
D = 128
H = 128
NW = 32
NS = 16
LANES = 128
NB = 10240
SR = NB // NS
RB = 1000


def _mesh():
    return plsc.VectorSubcoreMesh(core_axis_name="c", subcore_axis_name="s")



def _deg_body(ch, dst2d, out, dstbuf, hist, accv, sbuf, shared):
    cid = lax.axis_index("c")
    sid = lax.axis_index("s")
    wid = sid * 2 + cid
    zeros = jnp.zeros((16,), jnp.float32)
    ones = jnp.ones((16,), jnp.float32)

    def zero_body(i, carry):
        hist[pl.ds(i * 16, 16)] = zeros
        return carry
    lax.fori_loop(0, NB // 16, zero_body, 0)

    pltpu.sync_copy(dst2d.at[pl.ds(wid * ch, ch)], dstbuf)

    def hist_body(j, carry):
        for k in range(LANES // 16):
            idx = dstbuf[j, pl.ds(k * 16, 16)]
            plsc.addupdate_scatter(hist, [idx], ones)
        return carry
    lax.fori_loop(0, ch, hist_body, 0)

    pltpu.sync_copy(hist, shared.at[sid])
    plsc.subcore_barrier()
    pltpu.sync_copy(shared.at[:, pl.ds(sid * SR, SR)], sbuf)

    def sum_body(c, carry):
        v = sbuf[0, pl.ds(c * 16, 16)]
        for r in range(1, NS):
            v = v + sbuf[r, pl.ds(c * 16, 16)]
        accv[pl.ds(c * 16, 16)] = v
        return carry
    lax.fori_loop(0, SR // 16, sum_body, 0)

    pltpu.sync_copy(accv, out.at[cid, pl.ds(sid * SR, SR)])


def _deg_hist(dst2d, ch):
    kfn = pl.kernel(
        functools.partial(_deg_body, ch),
        out_type=jax.ShapeDtypeStruct((2, NB), jnp.float32),
        mesh=_mesh(),
        scratch_types=[
            pltpu.VMEM((ch, LANES), jnp.int32),
            pltpu.VMEM((NB,), jnp.float32),
            pltpu.VMEM((SR,), jnp.float32),
            pltpu.VMEM((NS, SR), jnp.float32),
            pltpu.VMEM_SHARED((NS, NB), jnp.float32),
        ],
        compiler_params=pltpu.CompilerParams(needs_layout_passes=False),
    )
    return kfn(dst2d)



def _agg_kernel(ch, wd, src2d, dst2d, y):
    ch0 = 152
    ch1 = 2 * ch - ch0

    def body(src2d, dst2d, y, out0, out1, srcbuf, dstbuf, gbuf0,
             gbuf1, zbuf, acc, sem0, sem1):
        cid = lax.axis_index("c")
        sid = lax.axis_index("s")

        zeros = jnp.zeros((16,), jnp.float32)

        def zrow(r, carry):
            for c in range(wd // 16):
                zbuf[r, pl.ds(c * 16, 16)] = zeros
            return carry
        lax.fori_loop(0, 64, zrow, 0)

        def zstripe(t, carry):
            pltpu.sync_copy(zbuf, acc.at[pl.ds(sid * SR + t * 64, 64)])
            return carry
        lax.fori_loop(0, SR // 64, zstripe, 0)
        plsc.subcore_barrier()

        nseg = jnp.where(cid == 0, ch0 // 8, ch1 // 8)
        tbase = jnp.where(cid == 0, sid * ch0, NS * ch0 + sid * ch1)

        def seg_body(g, carry):
            base = tbase + g * 8
            pltpu.sync_copy(src2d.at[pl.ds(base, 8)], srcbuf)
            pltpu.sync_copy(dst2d.at[pl.ds(base, 8)], dstbuf)
            pltpu.async_copy(y.at[srcbuf.at[0]], gbuf0, sem0)
            for j2 in range(4):
                b = 2 * j2
                pltpu.async_copy(y.at[srcbuf.at[b + 1]], gbuf1, sem1)
                pltpu.make_async_copy(
                    y.at[srcbuf.at[b]], gbuf0, sem0).wait()
                pltpu.sync_copy(gbuf0, acc.at[dstbuf.at[b]], add=True)
                if b + 2 < 8:
                    pltpu.async_copy(y.at[srcbuf.at[b + 2]], gbuf0, sem0)
                pltpu.make_async_copy(
                    y.at[srcbuf.at[b + 1]], gbuf1, sem1).wait()
                pltpu.sync_copy(gbuf1, acc.at[dstbuf.at[b + 1]], add=True)
            return carry
        lax.fori_loop(0, nseg, seg_body, 0)

        plsc.subcore_barrier()

        @pl.when(cid == 0)
        def _():
            pltpu.sync_copy(acc.at[pl.ds(sid * SR, SR)],
                            out0.at[pl.ds(sid * SR, SR)])

        @pl.when(cid == 1)
        def _():
            pltpu.sync_copy(acc.at[pl.ds(sid * SR, SR)],
                            out1.at[pl.ds(sid * SR, SR)])

    kfn = pl.kernel(
        body,
        out_type=(jax.ShapeDtypeStruct((NB, wd), jnp.float32),
                  jax.ShapeDtypeStruct((NB, wd), jnp.float32)),
        mesh=_mesh(),
        scratch_types=[
            pltpu.VMEM((8, LANES), jnp.int32),
            pltpu.VMEM((8, LANES), jnp.int32),
            pltpu.VMEM((LANES, wd), jnp.float32),
            pltpu.VMEM((LANES, wd), jnp.float32),
            pltpu.VMEM((64, wd), jnp.float32),
            pltpu.VMEM_SHARED((NB, wd), jnp.float32),
            pltpu.SemaphoreType.DMA,
            pltpu.SemaphoreType.DMA,
        ],
    )
    return kfn(src2d, dst2d, y)



def _tc1_body(x, w1, degp, y, xw, dis):
    mm = jnp.dot(x[...], w1[...], preferred_element_type=jnp.float32)
    deg = degp[0] + degp[1] + 1.0
    di = lax.rsqrt(deg)
    xw[...] = mm
    y[...] = mm * di
    dis[...] = di


def _tc1(x, w1, degp):
    grid = (N // RB,)
    return pl.pallas_call(
        _tc1_body,
        grid=grid,
        in_specs=[
            pl.BlockSpec((RB, D), lambda i: (i, 0)),
            pl.BlockSpec((D, H), lambda i: (0, 0)),
            pl.BlockSpec((2, RB, 1), lambda i: (0, i, 0)),
        ],
        out_specs=[
            pl.BlockSpec((RB, H), lambda i: (i, 0)),
            pl.BlockSpec((RB, H), lambda i: (i, 0)),
            pl.BlockSpec((RB, 1), lambda i: (i, 0)),
        ],
        out_shape=[
            jax.ShapeDtypeStruct((N, H), jnp.float32),
            jax.ShapeDtypeStruct((N, H), jnp.float32),
            jax.ShapeDtypeStruct((N, 1), jnp.float32),
        ],
    )(x, w1, degp)


def _tc2_body(zp0, zp1, xw, dis, b1, w2p, y2):
    di = dis[...]
    z = zp0[...] + zp1[...]
    h = jnp.maximum(z * di + xw[...] * (di * di) + b1[...], 0.0)
    mm = jnp.dot(h, w2p[...], preferred_element_type=jnp.float32)
    y2[...] = mm * di


def _tc2(zp0, zp1, xw, dis, b1, w2p, wo):
    grid = (N // RB,)
    return pl.pallas_call(
        _tc2_body,
        grid=grid,
        in_specs=[
            pl.BlockSpec((RB, H), lambda i: (i, 0)),
            pl.BlockSpec((RB, H), lambda i: (i, 0)),
            pl.BlockSpec((RB, H), lambda i: (i, 0)),
            pl.BlockSpec((RB, 1), lambda i: (i, 0)),
            pl.BlockSpec((1, H), lambda i: (0, 0)),
            pl.BlockSpec((H, wo), lambda i: (0, 0)),
        ],
        out_specs=pl.BlockSpec((RB, wo), lambda i: (i, 0)),
        out_shape=jax.ShapeDtypeStruct((N, wo), jnp.float32),
    )(zp0, zp1, xw, dis, b1, w2p)



def _agg2_kernel(ch2, src2d, dst2d, y2c0, y2c1, disp, b2p):
    def body(src2d, dst2d, y2c0, y2c1, disp, b2p, out,
             srcbuf, dstbuf, ybuf0, ybuf1, acc0, acc1, dbuf, bbuf,
             sbuf, obuf, shared):
        sid = lax.axis_index("s")

        pltpu.sync_copy(src2d.at[pl.ds(sid * ch2, ch2)], srcbuf)
        pltpu.sync_copy(dst2d.at[pl.ds(sid * ch2, ch2)], dstbuf)
        pltpu.sync_copy(y2c0, ybuf0)
        pltpu.sync_copy(y2c1, ybuf1)

        zeros = jnp.zeros((16,), jnp.float32)

        def zero_body(i, carry):
            acc0[pl.ds(i * 16, 16)] = zeros
            acc1[pl.ds(i * 16, 16)] = zeros
            return carry
        lax.fori_loop(0, NB // 16, zero_body, 0)

        @pl.when(sid == 0)
        def _():
            def seed_body(i, carry):
                acc0[pl.ds(i * 16, 16)] = ybuf0[pl.ds(i * 16, 16)]
                acc1[pl.ds(i * 16, 16)] = ybuf1[pl.ds(i * 16, 16)]
                return carry
            lax.fori_loop(0, N // 16, seed_body, 0)

        def edge_body(j, carry):
            for k in range(LANES // 16):
                s = srcbuf[j, pl.ds(k * 16, 16)]
                d = dstbuf[j, pl.ds(k * 16, 16)]
                v0 = plsc.load_gather(ybuf0, [s])
                v1 = plsc.load_gather(ybuf1, [s])
                plsc.addupdate_scatter(acc0, [d], v0)
                plsc.addupdate_scatter(acc1, [d], v1)
            return carry
        lax.fori_loop(0, ch2, edge_body, 0)

        pltpu.sync_copy(acc0, shared.at[sid, 0])
        pltpu.sync_copy(acc1, shared.at[sid, 1])
        plsc.subcore_barrier()

        pltpu.sync_copy(disp.at[pl.ds(sid * SR, SR)], dbuf)
        pltpu.sync_copy(b2p, bbuf)
        zi = jnp.zeros((16,), jnp.int32)
        b2_0 = plsc.load_gather(bbuf, [zi])
        b2_1 = plsc.load_gather(bbuf, [zi + 1])

        for col, bias in ((0, b2_0), (1, b2_1)):
            pltpu.sync_copy(shared.at[:, col, pl.ds(sid * SR, SR)], sbuf)

            def sum_body(c, carry):
                v = sbuf[0, pl.ds(c * 16, 16)]
                for r in range(1, NS):
                    v = v + sbuf[r, pl.ds(c * 16, 16)]
                obuf[pl.ds(c * 16, 16)] = v * dbuf[pl.ds(c * 16, 16)] + bias
                return carry
            lax.fori_loop(0, SR // 16, sum_body, 0)
            pltpu.sync_copy(obuf, out.at[col, pl.ds(sid * SR, SR)])

    kfn = pl.kernel(
        body,
        out_type=jax.ShapeDtypeStruct((2, NB), jnp.float32),
        mesh=plsc.VectorSubcoreMesh(
            core_axis_name="c", subcore_axis_name="s", num_cores=1),
        scratch_types=[
            pltpu.VMEM((ch2, LANES), jnp.int32),
            pltpu.VMEM((ch2, LANES), jnp.int32),
            pltpu.VMEM((N, ), jnp.float32),
            pltpu.VMEM((N, ), jnp.float32),
            pltpu.VMEM((NB,), jnp.float32),
            pltpu.VMEM((NB,), jnp.float32),
            pltpu.VMEM((SR,), jnp.float32),
            pltpu.VMEM((16,), jnp.float32),
            pltpu.VMEM((NS, SR), jnp.float32),
            pltpu.VMEM((SR,), jnp.float32),
            pltpu.VMEM_SHARED((NS, 2, NB), jnp.float32),
        ],
        compiler_params=pltpu.CompilerParams(needs_layout_passes=False),
    )
    return kfn(src2d, dst2d, y2c0, y2c1, disp, b2p)



@jax.jit
def kernel(x, edge_index, W1, b1, W2, b2):
    E = edge_index.shape[1]
    out_dim = W2.shape[1]
    WO = 16

    ch = -(-E // (NW * LANES))
    ch = ((ch + 7) // 8) * 8
    e_pad = NW * ch * LANES
    src = edge_index[0].astype(jnp.int32)
    dst = edge_index[1].astype(jnp.int32)
    pad = e_pad - E
    src = jnp.concatenate([src, jnp.zeros((pad,), jnp.int32)])
    dst = jnp.concatenate([dst, jnp.full((pad,), N, jnp.int32)])
    src2d = src.reshape(NW * ch, LANES)
    dst2d = dst.reshape(NW * ch, LANES)

    degp = _deg_hist(dst2d, ch)
    y, xw, dis = _tc1(x, W1, degp.reshape(2, NB, 1))
    zp0, zp1 = _agg_kernel(ch, H, src2d, dst2d, y)
    w2p = jnp.zeros((H, WO), jnp.float32).at[:, :out_dim].set(W2)
    y2 = _tc2(zp0, zp1, xw, dis, b1.reshape(1, H), w2p, WO)
    y2c0 = y2[:, 0].reshape(N)
    y2c1 = y2[:, 1].reshape(N)
    disp = jnp.zeros((NB,), jnp.float32).at[:N].set(dis[:, 0])
    b2p = jnp.zeros((16,), jnp.float32).at[:out_dim].set(b2)
    ch2 = NW * ch // NS
    outT = _agg2_kernel(ch2, src2d, dst2d, y2c0, y2c1, disp, b2p)
    return outT[:, :N].T

# --- scband reference (transcript-rebuilt; emitter-appended) ---
"""Pipeline reference for scband-gcn-12180527252117 (READ-ONLY COPY).

The authoritative reference and input builder live on the scoring server;
editing this copy changes nothing except your own understanding.
"""

import jax, jax.numpy as jnp
import numpy as np

N = 10000
E = 320000
D = 128
H = 128
OUT = 2


def gcn_conv(x, edge_index, W, b):
    num_nodes = x.shape[0]
    src = edge_index[0]
    dst = edge_index[1]
    # add self-loops (PyG GCNConv default: add_self_loops=True)
    loop = jnp.arange(num_nodes, dtype=src.dtype)
    src = jnp.concatenate([src, loop])
    dst = jnp.concatenate([dst, loop])
    # symmetric normalization D^{-1/2} (A+I) D^{-1/2}
    deg = jnp.zeros((num_nodes,), dtype=jnp.float32).at[dst].add(1.0)
    deg_inv_sqrt = jnp.where(deg > 0, jax.lax.rsqrt(jnp.maximum(deg, 1e-12)), 0.0)
    norm = deg_inv_sqrt[src] * deg_inv_sqrt[dst]
    # linear transform then propagate: gather messages from src, scatter-add to dst
    xw = x @ W
    msg = jnp.take(xw, src, axis=0) * norm[:, None]
    out = jnp.zeros((num_nodes, W.shape[1]), dtype=jnp.float32).at[dst].add(msg)
    return out + b


def setup_inputs(seed: int = 0):
    key = jax.random.key(seed)
    k1, k2, k3, k4 = jax.random.split(key, 4)
    x = jax.random.normal(k1, (N, D), dtype=jnp.float32)
    edge_index = jax.random.randint(k2, (2, E), 0, N)
    W1 = jax.random.normal(k3, (D, H), dtype=jnp.float32) * (1.0 / np.sqrt(D))
    b1 = jnp.zeros((H,), dtype=jnp.float32)
    W2 = jax.random.normal(k4, (H, OUT), dtype=jnp.float32) * (1.0 / np.sqrt(H))
    b2 = jnp.zeros((OUT,), dtype=jnp.float32)
    return {"x": x, "edge_index": edge_index, "W1": W1, "b1": b1, "W2": W2, "b2": b2}


def reference(x, edge_index, W1, b1, W2, b2):
    h = gcn_conv(x, edge_index, W1, b1)
    h = jax.nn.relu(h)
    out = gcn_conv(h, edge_index, W2, b2)
    return out

if __name__ == "__main__":
    import jax
    _d = setup_inputs()
    print(jax.jit(kernel)(*tuple(_d.values())))

</pallas_src>

<mosaic_0001>
#map = affine_map<(d0, d1) -> (0, 0)>
#map1 = affine_map<(d0, d1) -> (0)>
module attributes {stable_mosaic.version = 14 : i64} {
  func.func @body(%arg0: i32, %arg1: i32, %arg2: memref<2560x128xi32, #tpu.memory_space<hbm>>, %arg3: memref<2560x128xi32, #tpu.memory_space<hbm>>, %arg4: memref<10000xf32, #tpu.memory_space<hbm>>, %arg5: memref<10000xf32, #tpu.memory_space<hbm>>, %arg6: memref<10240xf32, #tpu.memory_space<hbm>>, %arg7: memref<16xf32, #tpu.memory_space<hbm>>, %arg8: memref<2x10240xf32, #tpu.memory_space<hbm>>, %arg9: memref<160x128xi32, #tpu.memory_space<vmem>>, %arg10: memref<160x128xi32, #tpu.memory_space<vmem>>, %arg11: memref<10000xf32, #tpu.memory_space<vmem>>, %arg12: memref<10000xf32, #tpu.memory_space<vmem>>, %arg13: memref<10240xf32, #tpu.memory_space<vmem>>, %arg14: memref<10240xf32, #tpu.memory_space<vmem>>, %arg15: memref<640xf32, #tpu.memory_space<vmem>>, %arg16: memref<16xf32, #tpu.memory_space<vmem>>, %arg17: memref<16x640xf32, #tpu.memory_space<vmem>>, %arg18: memref<640xf32, #tpu.memory_space<vmem>>, %arg19: memref<16x2x10240xf32, #tpu.memory_space<vmem_shared>>) attributes {dimension_semantics = [#tpu.dimension_semantics<core_parallel>, #tpu.dimension_semantics<subcore_parallel>], iteration_bounds = array<i64: 1, 16>, scalar_prefetch = 0 : i64, scratch_operands = 11 : i64, tpu.core_type = #tpu.core_type<sc_vector_subcore>, window_params = [{transform_indices = #map}, {transform_indices = #map}, {transform_indices = #map1}, {transform_indices = #map1}, {transform_indices = #map1}, {transform_indices = #map1}, {transform_indices = #map}]} {
    %mul3A = arith.constant 160 : i32
    %mul3A_0 = arith.muli %arg1, %mul3A : i32
    "tpu.region"() ({
      %run_scoped3A_49 = tpu.sem_alloc : memref<!tpu.dma_semaphore, #tpu.memory_space<semaphore_mem>>
      %dma_start3A = arith.constant 0 : i32
      %dma_start3A_50 = tpu.memref_slice %arg2[%mul3A_0, %dma_start3A] : memref<2560x128xi32, #tpu.memory_space<hbm>> -> memref<160x128xi32, #tpu.memory_space<hbm>>
      %dma_start3A_51 = arith.constant 0 : i32
      %dma_start3A_52 = tpu.memref_slice %arg2[%mul3A_0, %dma_start3A_51] : memref<2560x128xi32, #tpu.memory_space<hbm>> -> memref<160x128xi32, #tpu.memory_space<hbm>>
      tpu.enqueue_dma source(%dma_start3A_52 : memref<160x128xi32, #tpu.memory_space<hbm>>) target(%arg9 : memref<160x128xi32, #tpu.memory_space<vmem>>) target_semaphore(%run_scoped3A_49 : memref<!tpu.dma_semaphore, #tpu.memory_space<semaphore_mem>>)
      %dma_wait3A = arith.constant 0 : i32
      %dma_wait3A_53 = tpu.memref_slice %arg2[%mul3A_0, %dma_wait3A] : memref<2560x128xi32, #tpu.memory_space<hbm>> -> memref<160x128xi32, #tpu.memory_space<hbm>>
      %dma_wait3A_54 = arith.constant 0 : i32
      %dma_wait3A_55 = tpu.memref_slice %arg2[%mul3A_0, %dma_wait3A_54] : memref<2560x128xi32, #tpu.memory_space<hbm>> -> memref<160x128xi32, #tpu.memory_space<hbm>>
      tpu.wait_dma2 semaphore(%run_scoped3A_49 : memref<!tpu.dma_semaphore, #tpu.memory_space<semaphore_mem>>) src(%dma_wait3A_55 : memref<160x128xi32, #tpu.memory_space<hbm>>) dst(%arg9 : memref<160x128xi32, #tpu.memory_space<vmem>>)
      tpu.yield
    }) : () -> ()
    %mul3A_1 = arith.constant 160 : i32
    %mul3A_2 = arith.muli %arg1, %mul3A_1 : i32
    "tpu.region"() ({
      %run_scoped3A_49 = tpu.sem_alloc : memref<!tpu.dma_semaphore, #tpu.memory_space<semaphore_mem>>
      %dma_start3A = arith.constant 0 : i32
      %dma_start3A_50 = tpu.memref_slice %arg3[%mul3A_2, %dma_start3A] : memref<2560x128xi32, #tpu.memory_space<hbm>> -> memref<160x128xi32, #tpu.memory_space<hbm>>
      %dma_start3A_51 = arith.constant 0 : i32
      %dma_start3A_52 = tpu.memref_slice %arg3[%mul3A_2, %dma_start3A_51] : memref<2560x128xi32, #tpu.memory_space<hbm>> -> memref<160x128xi32, #tpu.memory_space<hbm>>
      tpu.enqueue_dma source(%dma_start3A_52 : memref<160x128xi32, #tpu.memory_space<hbm>>) target(%arg10 : memref<160x128xi32, #tpu.memory_space<vmem>>) target_semaphore(%run_scoped3A_49 : memref<!tpu.dma_semaphore, #tpu.memory_space<semaphore_mem>>)
      %dma_wait3A = arith.constant 0 : i32
      %dma_wait3A_53 = tpu.memref_slice %arg3[%mul3A_2, %dma_wait3A] : memref<2560x128xi32, #tpu.memory_space<hbm>> -> memref<160x128xi32, #tpu.memory_space<hbm>>
      %dma_wait3A_54 = arith.constant 0 : i32
      %dma_wait3A_55 = tpu.memref_slice %arg3[%mul3A_2, %dma_wait3A_54] : memref<2560x128xi32, #tpu.memory_space<hbm>> -> memref<160x128xi32, #tpu.memory_space<hbm>>
      tpu.wait_dma2 semaphore(%run_scoped3A_49 : memref<!tpu.dma_semaphore, #tpu.memory_space<semaphore_mem>>) src(%dma_wait3A_55 : memref<160x128xi32, #tpu.memory_space<hbm>>) dst(%arg10 : memref<160x128xi32, #tpu.memory_space<vmem>>)
      tpu.yield
    }) : () -> ()
    "tpu.region"() ({
      %run_scoped3A_49 = tpu.sem_alloc : memref<!tpu.dma_semaphore, #tpu.memory_space<semaphore_mem>>
      tpu.enqueue_dma source(%arg4 : memref<10000xf32, #tpu.memory_space<hbm>>) target(%arg11 : memref<10000xf32, #tpu.memory_space<vmem>>) target_semaphore(%run_scoped3A_49 : memref<!tpu.dma_semaphore, #tpu.memory_space<semaphore_mem>>)
      tpu.wait_dma2 semaphore(%run_scoped3A_49 : memref<!tpu.dma_semaphore, #tpu.memory_space<semaphore_mem>>) src(%arg4 : memref<10000xf32, #tpu.memory_space<hbm>>) dst(%arg11 : memref<10000xf32, #tpu.memory_space<vmem>>)
      tpu.yield
    }) : () -> ()
    "tpu.region"() ({
      %run_scoped3A_49 = tpu.sem_alloc : memref<!tpu.dma_semaphore, #tpu.memory_space<semaphore_mem>>
      tpu.enqueue_dma source(%arg5 : memref<10000xf32, #tpu.memory_space<hbm>>) target(%arg12 : memref<10000xf32, #tpu.memory_space<vmem>>) target_semaphore(%run_scoped3A_49 : memref<!tpu.dma_semaphore, #tpu.memory_space<semaphore_mem>>)
      tpu.wait_dma2 semaphore(%run_scoped3A_49 : memref<!tpu.dma_semaphore, #tpu.memory_space<semaphore_mem>>) src(%arg5 : memref<10000xf32, #tpu.memory_space<hbm>>) dst(%arg12 : memref<10000xf32, #tpu.memory_space<vmem>>)
      tpu.yield
    }) : () -> ()
    %broadcast_in_dim3A = arith.constant 0.000000e+00 : f32
    %broadcast_in_dim3A_3 = vector.broadcast %broadcast_in_dim3A : f32 to vector<16xf32>
    %scan3A = arith.constant 0 : i32
    %scan3A_4 = arith.constant 0 : i32
    %scan3A_5 = arith.constant 640 : i32
    %scan3A_6 = arith.addi %scan3A_4, %scan3A_5 : i32
    %scan3A_7 = arith.constant 1 : i32
    scf.for %scan3A_49 = %scan3A_4 to %scan3A_6 step %scan3A_7  : i32 {
      %mul3A_50 = arith.constant 16 : i32
      %mul3A_51 = arith.muli %scan3A_49, %mul3A_50 : i32
      %swap3A = arith.index_cast %mul3A_51 : i32 to index
      %swap3A_52 = tpu.vector_load %arg13[%swap3A] {strides = array<i32>} : memref<10240xf32, #tpu.memory_space<vmem>>, vector<16xf32>,
      tpu.vector_store %arg13[%swap3A], %broadcast_in_dim3A_3 {strides = array<i32>} : memref<10240xf32, #tpu.memory_space<vmem>>, vector<16xf32>,
      %mul3A_53 = arith.constant 16 : i32
      %mul3A_54 = arith.muli %scan3A_49, %mul3A_53 : i32
      %swap3A_55 = arith.index_cast %mul3A_54 : i32 to index
      %swap3A_56 = tpu.vector_load %arg14[%swap3A_55] {strides = array<i32>} : memref<10240xf32, #tpu.memory_space<vmem>>, vector<16xf32>,
      tpu.vector_store %arg14[%swap3A_55], %broadcast_in_dim3A_3 {strides = array<i32>} : memref<10240xf32, #tpu.memory_space<vmem>>, vector<16xf32>,
    }
    %scan3A_8 = arith.constant 640 : i32
    %eq3A = arith.constant 0 : i32
    %eq3A_9 = arith.cmpi eq, %arg1, %eq3A : i32
    %convert_element_type3A = arith.extui %eq3A_9 : i1 to i32
    %cond3A = arith.constant 0 : i32
    %cond3A_10 = arith.cmpi ne, %convert_element_type3A, %cond3A : i32
    scf.if %cond3A_10 {
      %scan3A_49 = arith.constant 0 : i32
      %scan3A_50 = arith.constant 0 : i32
      %scan3A_51 = arith.constant 625 : i32
      %scan3A_52 = arith.addi %scan3A_50, %scan3A_51 : i32
      %scan3A_53 = arith.constant 1 : i32
      scf.for %scan3A_55 = %scan3A_50 to %scan3A_52 step %scan3A_53  : i32 {
        %mul3A_56 = arith.constant 16 : i32
        %mul3A_57 = arith.muli %scan3A_55, %mul3A_56 : i32
        %get3A = arith.index_cast %mul3A_57 : i32 to index
        %get3A_58 = tpu.vector_load %arg11[%get3A] {strides = array<i32>} : memref<10000xf32, #tpu.memory_space<vmem>>, vector<16xf32>,
        %mul3A_59 = arith.constant 16 : i32
        %mul3A_60 = arith.muli %scan3A_55, %mul3A_59 : i32
        %swap3A = arith.index_cast %mul3A_60 : i32 to index
        %swap3A_61 = tpu.vector_load %arg13[%swap3A] {strides = array<i32>} : memref<10240xf32, #tpu.memory_space<vmem>>, vector<16xf32>,
        tpu.vector_store %arg13[%swap3A], %get3A_58 {strides = array<i32>} : memref<10240xf32, #tpu.memory_space<vmem>>, vector<16xf32>,
        %mul3A_62 = arith.constant 16 : i32
        %mul3A_63 = arith.muli %scan3A_55, %mul3A_62 : i32
        %get3A_64 = arith.index_cast %mul3A_63 : i32 to index
        %get3A_65 = tpu.vector_load %arg12[%get3A_64] {strides = array<i32>} : memref<10000xf32, #tpu.memory_space<vmem>>, vector<16xf32>,
        %mul3A_66 = arith.constant 16 : i32
        %mul3A_67 = arith.muli %scan3A_55, %mul3A_66 : i32
        %swap3A_68 = arith.index_cast %mul3A_67 : i32 to index
        %swap3A_69 = tpu.vector_load %arg14[%swap3A_68] {strides = array<i32>} : memref<10240xf32, #tpu.memory_space<vmem>>, vector<16xf32>,
        tpu.vector_store %arg14[%swap3A_68], %get3A_65 {strides = array<i32>} : memref<10240xf32, #tpu.memory_space<vmem>>, vector<16xf32>,
      }
      %scan3A_54 = arith.constant 625 : i32
    } else {
    }
    %scan3A_11 = arith.constant 0 : i32
    %scan3A_12 = arith.constant 0 : i32
    %scan3A_13 = arith.constant 160 : i32
    %scan3A_14 = arith.addi %scan3A_12, %scan3A_13 : i32
    %scan3A_15 = arith.constant 1 : i32
    scf.for %scan3A_49 = %scan3A_12 to %scan3A_14 step %scan3A_15  : i32 {
      %get3A = arith.index_cast %scan3A_49 : i32 to index
      %get3A_50 = arith.constant 0 : index
      %get3A_51 = tpu.vector_load %arg9[%get3A, %get3A_50] {strides = array<i32>} : memref<160x128xi32, #tpu.memory_space<vmem>>, vector<16xi32>,
      %get3A_52 = arith.index_cast %scan3A_49 : i32 to index
      %get3A_53 = arith.constant 0 : index
      %get3A_54 = tpu.vector_load %arg10[%get3A_52, %get3A_53] {strides = array<i32>} : memref<160x128xi32, #tpu.memory_space<vmem>>, vector<16xi32>,
      %gather3A_55 = tpu.vector_load_idx %arg11[%get3A_51] : memref<10000xf32, #tpu.memory_space<vmem>>[vector<16xi32>], vector<16xf32>,
      %gather3A_56 = tpu.vector_load_idx %arg12[%get3A_51] : memref<10000xf32, #tpu.memory_space<vmem>>[vector<16xi32>], vector<16xf32>,
      tpu.vector_store_idx %arg13[%get3A_54], %gather3A_55 {add = true} : memref<10240xf32, #tpu.memory_space<vmem>>[vector<16xi32>], vector<16xf32>,
      tpu.vector_store_idx %arg14[%get3A_54], %gather3A_56 {add = true} : memref<10240xf32, #tpu.memory_space<vmem>>[vector<16xi32>], vector<16xf32>,
      %get3A_57 = arith.index_cast %scan3A_49 : i32 to index
      %get3A_58 = arith.constant 16 : index
      %get3A_59 = tpu.vector_load %arg9[%get3A_57, %get3A_58] {strides = array<i32>} : memref<160x128xi32, #tpu.memory_space<vmem>>, vector<16xi32>,
      %get3A_60 = arith.index_cast %scan3A_49 : i32 to index
      %get3A_61 = arith.constant 16 : index
      %get3A_62 = tpu.vector_load %arg10[%get3A_60, %get3A_61] {strides = array<i32>} : memref<160x128xi32, #tpu.memory_space<vmem>>, vector<16xi32>,
      %gather3A_63 = tpu.vector_load_idx %arg11[%get3A_59] : memref<10000xf32, #tpu.memory_space<vmem>>[vector<16xi32>], vector<16xf32>,
      %gather3A_64 = tpu.vector_load_idx %arg12[%get3A_59] : memref<10000xf32, #tpu.memory_space<vmem>>[vector<16xi32>], vector<16xf32>,
      tpu.vector_store_idx %arg13[%get3A_62], %gather3A_63 {add = true} : memref<10240xf32, #tpu.memory_space<vmem>>[vector<16xi32>], vector<16xf32>,
      tpu.vector_store_idx %arg14[%get3A_62], %gather3A_64 {add = true} : memref<10240xf32, #tpu.memory_space<vmem>>[vector<16xi32>], vector<16xf32>,
      %get3A_65 = arith.index_cast %scan3A_49 : i32 to index
      %get3A_66 = arith.constant 32 : index
      %get3A_67 = tpu.vector_load %arg9[%get3A_65, %get3A_66] {strides = array<i32>} : memref<160x128xi32, #tpu.memory_space<vmem>>, vector<16xi32>,
      %get3A_68 = arith.index_cast %scan3A_49 : i32 to index
      %get3A_69 = arith.constant 32 : index
      %get3A_70 = tpu.vector_load %arg10[%get3A_68, %get3A_69] {strides = array<i32>} : memref<160x128xi32, #tpu.memory_space<vmem>>, vector<16xi32>,
      %gather3A_71 = tpu.vector_load_idx %arg11[%get3A_67] : memref<10000xf32, #tpu.memory_space<vmem>>[vector<16xi32>], vector<16xf32>,
      %gather3A_72 = tpu.vector_load_idx %arg12[%get3A_67] : memref<10000xf32, #tpu.memory_space<vmem>>[vector<16xi32>], vector<16xf32>,
      tpu.vector_store_idx %arg13[%get3A_70], %gather3A_71 {add = true} : memref<10240xf32, #tpu.memory_space<vmem>>[vector<16xi32>], vector<16xf32>,
      tpu.vector_store_idx %arg14[%get3A_70], %gather3A_72 {add = true} : memref<10240xf32, #tpu.memory_space<vmem>>[vector<16xi32>], vector<16xf32>,
      %get3A_73 = arith.index_cast %scan3A_49 : i32 to index
      %get3A_74 = arith.constant 48 : index
      %get3A_75 = tpu.vector_load %arg9[%get3A_73, %get3A_74] {strides = array<i32>} : memref<160x128xi32, #tpu.memory_space<vmem>>, vector<16xi32>,
      %get3A_76 = arith.index_cast %scan3A_49 : i32 to index
      %get3A_77 = arith.constant 48 : index
      %get3A_78 = tpu.vector_load %arg10[%get3A_76, %get3A_77] {strides = array<i32>} : memref<160x128xi32, #tpu.memory_space<vmem>>, vector<16xi32>,
      %gather3A_79 = tpu.vector_load_idx %arg11[%get3A_75] : memref<10000xf32, #tpu.memory_space<vmem>>[vector<16xi32>], vector<16xf32>,
      %gather3A_80 = tpu.vector_load_idx %arg12[%get3A_75] : memref<10000xf32, #tpu.memory_space<vmem>>[vector<16xi32>], vector<16xf32>,
      tpu.vector_store_idx %arg13[%get3A_78], %gather3A_79 {add = true} : memref<10240xf32, #tpu.memory_space<vmem>>[vector<16xi32>], vector<16xf32>,
      tpu.vector_store_idx %arg14[%get3A_78], %gather3A_80 {add = true} : memref<10240xf32, #tpu.memory_space<vmem>>[vector<16xi32>], vector<16xf32>,
      %get3A_81 = arith.index_cast %scan3A_49 : i32 to index
      %get3A_82 = arith.constant 64 : index
      %get3A_83 = tpu.vector_load %arg9[%get3A_81, %get3A_82] {strides = array<i32>} : memref<160x128xi32, #tpu.memory_space<vmem>>, vector<16xi32>,
      %get3A_84 = arith.index_cast %scan3A_49 : i32 to index
      %get3A_85 = arith.constant 64 : index
      %get3A_86 = tpu.vector_load %arg10[%get3A_84, %get3A_85] {strides = array<i32>} : memref<160x128xi32, #tpu.memory_space<vmem>>, vector<16xi32>,
      %gather3A_87 = tpu.vector_load_idx %arg11[%get3A_83] : memref<10000xf32, #tpu.memory_space<vmem>>[vector<16xi32>], vector<16xf32>,
      %gather3A_88 = tpu.vector_load_idx %arg12[%get3A_83] : memref<10000xf32, #tpu.memory_space<vmem>>[vector<16xi32>], vector<16xf32>,
      tpu.vector_store_idx %arg13[%get3A_86], %gather3A_87 {add = true} : memref<10240xf32, #tpu.memory_space<vmem>>[vector<16xi32>], vector<16xf32>,
      tpu.vector_store_idx %arg14[%get3A_86], %gather3A_88 {add = true} : memref<10240xf32, #tpu.memory_space<vmem>>[vector<16xi32>], vector<16xf32>,
      %get3A_89 = arith.index_cast %scan3A_49 : i32 to index
      %get3A_90 = arith.constant 80 : index
      %get3A_91 = tpu.vector_load %arg9[%get3A_89, %get3A_90] {strides = array<i32>} : memref<160x128xi32, #tpu.memory_space<vmem>>, vector<16xi32>,
      %get3A_92 = arith.index_cast %scan3A_49 : i32 to index
      %get3A_93 = arith.constant 80 : index
      %get3A_94 = tpu.vector_load %arg10[%get3A_92, %get3A_93] {strides = array<i32>} : memref<160x128xi32, #tpu.memory_space<vmem>>, vector<16xi32>,
      %gather3A_95 = tpu.vector_load_idx %arg11[%get3A_91] : memref<10000xf32, #tpu.memory_space<vmem>>[vector<16xi32>], vector<16xf32>,
      %gather3A_96 = tpu.vector_load_idx %arg12[%get3A_91] : memref<10000xf32, #tpu.memory_space<vmem>>[vector<16xi32>], vector<16xf32>,
      tpu.vector_store_idx %arg13[%get3A_94], %gather3A_95 {add = true} : memref<10240xf32, #tpu.memory_space<vmem>>[vector<16xi32>], vector<16xf32>,
      tpu.vector_store_idx %arg14[%get3A_94], %gather3A_96 {add = true} : memref<10240xf32, #tpu.memory_space<vmem>>[vector<16xi32>], vector<16xf32>,
      %get3A_97 = arith.index_cast %scan3A_49 : i32 to index
      %get3A_98 = arith.constant 96 : index
      %get3A_99 = tpu.vector_load %arg9[%get3A_97, %get3A_98] {strides = array<i32>} : memref<160x128xi32, #tpu.memory_space<vmem>>, vector<16xi32>,
      %get3A_100 = arith.index_cast %scan3A_49 : i32 to index
      %get3A_101 = arith.constant 96 : index
      %get3A_102 = tpu.vector_load %arg10[%get3A_100, %get3A_101] {strides = array<i32>} : memref<160x128xi32, #tpu.memory_space<vmem>>, vector<16xi32>,
      %gather3A_103 = tpu.vector_load_idx %arg11[%get3A_99] : memref<10000xf32, #tpu.memory_space<vmem>>[vector<16xi32>], vector<16xf32>,
      %gather3A_104 = tpu.vector_load_idx %arg12[%get3A_99] : memref<10000xf32, #tpu.memory_space<vmem>>[vector<16xi32>], vector<16xf32>,
      tpu.vector_store_idx %arg13[%get3A_102], %gather3A_103 {add = true} : memref<10240xf32, #tpu.memory_space<vmem>>[vector<16xi32>], vector<16xf32>,
      tpu.vector_store_idx %arg14[%get3A_102], %gather3A_104 {add = true} : memref<10240xf32, #tpu.memory_space<vmem>>[vector<16xi32>], vector<16xf32>,
      %get3A_105 = arith.index_cast %scan3A_49 : i32 to index
      %get3A_106 = arith.constant 112 : index
      %get3A_107 = tpu.vector_load %arg9[%get3A_105, %get3A_106] {strides = array<i32>} : memref<160x128xi32, #tpu.memory_space<vmem>>, vector<16xi32>,
      %get3A_108 = arith.index_cast %scan3A_49 : i32 to index
      %get3A_109 = arith.constant 112 : index
      %get3A_110 = tpu.vector_load %arg10[%get3A_108, %get3A_109] {strides = array<i32>} : memref<160x128xi32, #tpu.memory_space<vmem>>, vector<16xi32>,
      %gather3A_111 = tpu.vector_load_idx %arg11[%get3A_107] : memref<10000xf32, #tpu.memory_space<vmem>>[vector<16xi32>], vector<16xf32>,
      %gather3A_112 = tpu.vector_load_idx %arg12[%get3A_107] : memref<10000xf32, #tpu.memory_space<vmem>>[vector<16xi32>], vector<16xf32>,
      tpu.vector_store_idx %arg13[%get3A_110], %gather3A_111 {add = true} : memref<10240xf32, #tpu.memory_space<vmem>>[vector<16xi32>], vector<16xf32>,
      tpu.vector_store_idx %arg14[%get3A_110], %gather3A_112 {add = true} : memref<10240xf32, #tpu.memory_space<vmem>>[vector<16xi32>], vector<16xf32>,
    }
    %scan3A_16 = arith.constant 160 : i32
    %run_scoped3A = arith.constant 0 : i32
    "tpu.region"() ({
      %run_scoped3A_49 = tpu.sem_alloc : memref<!tpu.dma_semaphore, #tpu.memory_space<semaphore_mem>>
      %dma_start3A = arith.constant 0 : i32
      %dma_start3A_50 = tpu.memref_slice %arg19[%arg1, %run_scoped3A, %dma_start3A] : memref<16x2x10240xf32, #tpu.memory_space<vmem_shared>> -> memref<1x1x10240xf32, #tpu.memory_space<vmem_shared>>
      %dma_start3A_51 = tpu.memref_squeeze %dma_start3A_50 : memref<1x1x10240xf32, #tpu.memory_space<vmem_shared>> -> memref<10240xf32, #tpu.memory_space<vmem_shared>>
      %dma_start3A_52 = arith.constant 0 : i32
      %dma_start3A_53 = tpu.memref_slice %arg19[%arg1, %run_scoped3A, %dma_start3A_52] : memref<16x2x10240xf32, #tpu.memory_space<vmem_shared>> -> memref<1x1x10240xf32, #tpu.memory_space<vmem_shared>>
      %dma_start3A_54 = tpu.memref_squeeze %dma_start3A_53 : memref<1x1x10240xf32, #tpu.memory_space<vmem_shared>> -> memref<10240xf32, #tpu.memory_space<vmem_shared>>
      tpu.enqueue_dma source(%arg13 : memref<10240xf32, #tpu.memory_space<vmem>>) target(%dma_start3A_54 : memref<10240xf32, #tpu.memory_space<vmem_shared>>) target_semaphore(%run_scoped3A_49 : memref<!tpu.dma_semaphore, #tpu.memory_space<semaphore_mem>>)
      %dma_wait3A = arith.constant 0 : i32
      %dma_wait3A_55 = tpu.memref_slice %arg19[%arg1, %run_scoped3A, %dma_wait3A] : memref<16x2x10240xf32, #tpu.memory_space<vmem_shared>> -> memref<1x1x10240xf32, #tpu.memory_space<vmem_shared>>
      %dma_wait3A_56 = tpu.memref_squeeze %dma_wait3A_55 : memref<1x1x10240xf32, #tpu.memory_space<vmem_shared>> -> memref<10240xf32, #tpu.memory_space<vmem_shared>>
      %dma_wait3A_57 = arith.constant 0 : i32
      %dma_wait3A_58 = tpu.memref_slice %arg19[%arg1, %run_scoped3A, %dma_wait3A_57] : memref<16x2x10240xf32, #tpu.memory_space<vmem_shared>> -> memref<1x1x10240xf32, #tpu.memory_space<vmem_shared>>
      %dma_wait3A_59 = tpu.memref_squeeze %dma_wait3A_58 : memref<1x1x10240xf32, #tpu.memory_space<vmem_shared>> -> memref<10240xf32, #tpu.memory_space<vmem_shared>>
      tpu.wait_dma2 semaphore(%run_scoped3A_49 : memref<!tpu.dma_semaphore, #tpu.memory_space<semaphore_mem>>) src(%arg13 : memref<10240xf32, #tpu.memory_space<vmem>>) dst(%dma_wait3A_59 : memref<10240xf32, #tpu.memory_space<vmem_shared>>)
      tpu.yield
    }) : () -> ()
    %run_scoped3A_17 = arith.constant 1 : i32
    "tpu.region"() ({
      %run_scoped3A_49 = tpu.sem_alloc : memref<!tpu.dma_semaphore, #tpu.memory_space<semaphore_mem>>
      %dma_start3A = arith.constant 0 : i32
      %dma_start3A_50 = tpu.memref_slice %arg19[%arg1, %run_scoped3A_17, %dma_start3A] : memref<16x2x10240xf32, #tpu.memory_space<vmem_shared>> -> memref<1x1x10240xf32, #tpu.memory_space<vmem_shared>>
      %dma_start3A_51 = tpu.memref_squeeze %dma_start3A_50 : memref<1x1x10240xf32, #tpu.memory_space<vmem_shared>> -> memref<10240xf32, #tpu.memory_space<vmem_shared>>
      %dma_start3A_52 = arith.constant 0 : i32
      %dma_start3A_53 = tpu.memref_slice %arg19[%arg1, %run_scoped3A_17, %dma_start3A_52] : memref<16x2x10240xf32, #tpu.memory_space<vmem_shared>> -> memref<1x1x10240xf32, #tpu.memory_space<vmem_shared>>
      %dma_start3A_54 = tpu.memref_squeeze %dma_start3A_53 : memref<1x1x10240xf32, #tpu.memory_space<vmem_shared>> -> memref<10240xf32, #tpu.memory_space<vmem_shared>>
      tpu.enqueue_dma source(%arg14 : memref<10240xf32, #tpu.memory_space<vmem>>) target(%dma_start3A_54 : memref<10240xf32, #tpu.memory_space<vmem_shared>>) target_semaphore(%run_scoped3A_49 : memref<!tpu.dma_semaphore, #tpu.memory_space<semaphore_mem>>)
      %dma_wait3A = arith.constant 0 : i32
      %dma_wait3A_55 = tpu.memref_slice %arg19[%arg1, %run_scoped3A_17, %dma_wait3A] : memref<16x2x10240xf32, #tpu.memory_space<vmem_shared>> -> memref<1x1x10240xf32, #tpu.memory_space<vmem_shared>>
      %dma_wait3A_56 = tpu.memref_squeeze %dma_wait3A_55 : memref<1x1x10240xf32, #tpu.memory_space<vmem_shared>> -> memref<10240xf32, #tpu.memory_space<vmem_shared>>
      %dma_wait3A_57 = arith.constant 0 : i32
      %dma_wait3A_58 = tpu.memref_slice %arg19[%arg1, %run_scoped3A_17, %dma_wait3A_57] : memref<16x2x10240xf32, #tpu.memory_space<vmem_shared>> -> memref<1x1x10240xf32, #tpu.memory_space<vmem_shared>>
      %dma_wait3A_59 = tpu.memref_squeeze %dma_wait3A_58 : memref<1x1x10240xf32, #tpu.memory_space<vmem_shared>> -> memref<10240xf32, #tpu.memory_space<vmem_shared>>
      tpu.wait_dma2 semaphore(%run_scoped3A_49 : memref<!tpu.dma_semaphore, #tpu.memory_space<semaphore_mem>>) src(%arg14 : memref<10240xf32, #tpu.memory_space<vmem>>) dst(%dma_wait3A_59 : memref<10240xf32, #tpu.memory_space<vmem_shared>>)
      tpu.yield
    }) : () -> ()
    %barrier3A = arith.constant 0 : index
    tpu.barrier barrier_id(%barrier3A)
    %mul3A_18 = arith.constant 640 : i32
    %mul3A_19 = arith.muli %arg1, %mul3A_18 : i32
    "tpu.region"() ({
      %run_scoped3A_49 = tpu.sem_alloc : memref<!tpu.dma_semaphore, #tpu.memory_space<semaphore_mem>>
      %dma_start3A = tpu.memref_slice %arg6[%mul3A_19] : memref<10240xf32, #tpu.memory_space<hbm>> -> memref<640xf32, #tpu.memory_space<hbm>>
      %dma_start3A_50 = tpu.memref_slice %arg6[%mul3A_19] : memref<10240xf32, #tpu.memory_space<hbm>> -> memref<640xf32, #tpu.memory_space<hbm>>
      tpu.enqueue_dma source(%dma_start3A_50 : memref<640xf32, #tpu.memory_space<hbm>>) target(%arg15 : memref<640xf32, #tpu.memory_space<vmem>>) target_semaphore(%run_scoped3A_49 : memref<!tpu.dma_semaphore, #tpu.memory_space<semaphore_mem>>)
      %dma_wait3A = tpu.memref_slice %arg6[%mul3A_19] : memref<10240xf32, #tpu.memory_space<hbm>> -> memref<640xf32, #tpu.memory_space<hbm>>
      %dma_wait3A_51 = tpu.memref_slice %arg6[%mul3A_19] : memref<10240xf32, #tpu.memory_space<hbm>> -> memref<640xf32, #tpu.memory_space<hbm>>
      tpu.wait_dma2 semaphore(%run_scoped3A_49 : memref<!tpu.dma_semaphore, #tpu.memory_space<semaphore_mem>>) src(%dma_wait3A_51 : memref<640xf32, #tpu.memory_space<hbm>>) dst(%arg15 : memref<640xf32, #tpu.memory_space<vmem>>)
      tpu.yield
    }) : () -> ()
    "tpu.region"() ({
      %run_scoped3A_49 = tpu.sem_alloc : memref<!tpu.dma_semaphore, #tpu.memory_space<semaphore_mem>>
      tpu.enqueue_dma source(%arg7 : memref<16xf32, #tpu.memory_space<hbm>>) target(%arg16 : memref<16xf32, #tpu.memory_space<vmem>>) target_semaphore(%run_scoped3A_49 : memref<!tpu.dma_semaphore, #tpu.memory_space<semaphore_mem>>)
      tpu.wait_dma2 semaphore(%run_scoped3A_49 : memref<!tpu.dma_semaphore, #tpu.memory_space<semaphore_mem>>) src(%arg7 : memref<16xf32, #tpu.memory_space<hbm>>) dst(%arg16 : memref<16xf32, #tpu.memory_space<vmem>>)
      tpu.yield
    }) : () -> ()
    %broadcast_in_dim3A_20 = arith.constant 0 : i32
    %broadcast_in_dim3A_21 = vector.broadcast %broadcast_in_dim3A_20 : i32 to vector<16xi32>
    %gather3A = tpu.vector_load_idx %arg16[%broadcast_in_dim3A_21] : memref<16xf32, #tpu.memory_space<vmem>>[vector<16xi32>], vector<16xf32>,
    %add3A = arith.constant 1 : i32
    %add3A_22 = vector.broadcast %add3A : i32 to vector<16xi32>
    %add3A_23 = arith.addi %broadcast_in_dim3A_21, %add3A_22 : vector<16xi32>
    %gather3A_24 = tpu.vector_load_idx %arg16[%add3A_23] : memref<16xf32, #tpu.memory_space<vmem>>[vector<16xi32>], vector<16xf32>,
    %mul3A_25 = arith.constant 640 : i32
    %mul3A_26 = arith.muli %arg1, %mul3A_25 : i32
    %run_scoped3A_27 = arith.constant 0 : i32
    "tpu.region"() ({
      %run_scoped3A_49 = tpu.sem_alloc : memref<!tpu.dma_semaphore, #tpu.memory_space<semaphore_mem>>
      %dma_start3A = arith.constant 0 : i32
      %dma_start3A_50 = tpu.memref_slice %arg19[%dma_start3A, %run_scoped3A_27, %mul3A_26] : memref<16x2x10240xf32, #tpu.memory_space<vmem_shared>> -> memref<16x1x640xf32, #tpu.memory_space<vmem_shared>>
      %dma_start3A_51 = tpu.memref_squeeze %dma_start3A_50 : memref<16x1x640xf32, #tpu.memory_space<vmem_shared>> -> memref<16x640xf32, #tpu.memory_space<vmem_shared>>
      %dma_start3A_52 = arith.constant 0 : i32
      %dma_start3A_53 = tpu.memref_slice %arg19[%dma_start3A_52, %run_scoped3A_27, %mul3A_26] : memref<16x2x10240xf32, #tpu.memory_space<vmem_shared>> -> memref<16x1x640xf32, #tpu.memory_space<vmem_shared>>
      %dma_start3A_54 = tpu.memref_squeeze %dma_start3A_53 : memref<16x1x640xf32, #tpu.memory_space<vmem_shared>> -> memref<16x640xf32, #tpu.memory_space<vmem_shared>>
      tpu.enqueue_dma source(%dma_start3A_54 : memref<16x640xf32, #tpu.memory_space<vmem_shared>>) target(%arg17 : memref<16x640xf32, #tpu.memory_space<vmem>>) target_semaphore(%run_scoped3A_49 : memref<!tpu.dma_semaphore, #tpu.memory_space<semaphore_mem>>)
      %dma_wait3A = arith.constant 0 : i32
      %dma_wait3A_55 = tpu.memref_slice %arg19[%dma_wait3A, %run_scoped3A_27, %mul3A_26] : memref<16x2x10240xf32, #tpu.memory_space<vmem_shared>> -> memref<16x1x640xf32, #tpu.memory_space<vmem_shared>>
      %dma_wait3A_56 = tpu.memref_squeeze %dma_wait3A_55 : memref<16x1x640xf32, #tpu.memory_space<vmem_shared>> -> memref<16x640xf32, #tpu.memory_space<vmem_shared>>
      %dma_wait3A_57 = arith.constant 0 : i32
      %dma_wait3A_58 = tpu.memref_slice %arg19[%dma_wait3A_57, %run_scoped3A_27, %mul3A_26] : memref<16x2x10240xf32, #tpu.memory_space<vmem_shared>> -> memref<16x1x640xf32, #tpu.memory_space<vmem_shared>>
      %dma_wait3A_59 = tpu.memref_squeeze %dma_wait3A_58 : memref<16x1x640xf32, #tpu.memory_space<vmem_shared>> -> memref<16x640xf32, #tpu.memory_space<vmem_shared>>
      tpu.wait_dma2 semaphore(%run_scoped3A_49 : memref<!tpu.dma_semaphore, #tpu.memory_space<semaphore_mem>>) src(%dma_wait3A_59 : memref<16x640xf32, #tpu.memory_space<vmem_shared>>) dst(%arg17 : memref<16x640xf32, #tpu.memory_space<vmem>>)
      tpu.yield
    }) : () -> ()
    %scan3A_28 = arith.constant 0 : i32
    %scan3A_29 = arith.constant 0 : i32
    %scan3A_30 = arith.constant 40 : i32
    %scan3A_31 = arith.addi %scan3A_29, %scan3A_30 : i32
    %scan3A_32 = arith.constant 1 : i32
    scf.for %scan3A_49 = %scan3A_29 to %scan3A_31 step %scan3A_32  : i32 {
      %mul3A_50 = arith.constant 16 : i32
      %mul3A_51 = arith.muli %scan3A_49, %mul3A_50 : i32
      %get3A = arith.constant 0 : i32
      %get3A_52 = arith.index_cast %get3A : i32 to index
      %get3A_53 = arith.index_cast %mul3A_51 : i32 to index
      %get3A_54 = tpu.vector_load %arg17[%get3A_52, %get3A_53] {strides = array<i32>} : memref<16x640xf32, #tpu.memory_space<vmem>>, vector<16xf32>,
      %mul3A_55 = arith.constant 16 : i32
      %mul3A_56 = arith.muli %scan3A_49, %mul3A_55 : i32
      %get3A_57 = arith.constant 1 : i32
      %get3A_58 = arith.index_cast %get3A_57 : i32 to index
      %get3A_59 = arith.index_cast %mul3A_56 : i32 to index
      %get3A_60 = tpu.vector_load %arg17[%get3A_58, %get3A_59] {strides = array<i32>} : memref<16x640xf32, #tpu.memory_space<vmem>>, vector<16xf32>,
      %add3A_61 = arith.addf %get3A_54, %get3A_60 : vector<16xf32>
      %mul3A_62 = arith.constant 16 : i32
      %mul3A_63 = arith.muli %scan3A_49, %mul3A_62 : i32
      %get3A_64 = arith.constant 2 : i32
      %get3A_65 = arith.index_cast %get3A_64 : i32 to index
      %get3A_66 = arith.index_cast %mul3A_63 : i32 to index
      %get3A_67 = tpu.vector_load %arg17[%get3A_65, %get3A_66] {strides = array<i32>} : memref<16x640xf32, #tpu.memory_space<vmem>>, vector<16xf32>,
      %add3A_68 = arith.addf %add3A_61, %get3A_67 : vector<16xf32>
      %mul3A_69 = arith.constant 16 : i32
      %mul3A_70 = arith.muli %scan3A_49, %mul3A_69 : i32
      %get3A_71 = arith.constant 3 : i32
      %get3A_72 = arith.index_cast %get3A_71 : i32 to index
      %get3A_73 = arith.index_cast %mul3A_70 : i32 to index
      %get3A_74 = tpu.vector_load %arg17[%get3A_72, %get3A_73] {strides = array<i32>} : memref<16x640xf32, #tpu.memory_space<vmem>>, vector<16xf32>,
      %add3A_75 = arith.addf %add3A_68, %get3A_74 : vector<16xf32>
      %mul3A_76 = arith.constant 16 : i32
      %mul3A_77 = arith.muli %scan3A_49, %mul3A_76 : i32
      %get3A_78 = arith.constant 4 : i32
      %get3A_79 = arith.index_cast %get3A_78 : i32 to index
      %get3A_80 = arith.index_cast %mul3A_77 : i32 to index
      %get3A_81 = tpu.vector_load %arg17[%get3A_79, %get3A_80] {strides = array<i32>} : memref<16x640xf32, #tpu.memory_space<vmem>>, vector<16xf32>,
      %add3A_82 = arith.addf %add3A_75, %get3A_81 : vector<16xf32>
      %mul3A_83 = arith.constant 16 : i32
      %mul3A_84 = arith.muli %scan3A_49, %mul3A_83 : i32
      %get3A_85 = arith.constant 5 : i32
      %get3A_86 = arith.index_cast %get3A_85 : i32 to index
      %get3A_87 = arith.index_cast %mul3A_84 : i32 to index
      %get3A_88 = tpu.vector_load %arg17[%get3A_86, %get3A_87] {strides = array<i32>} : memref<16x640xf32, #tpu.memory_space<vmem>>, vector<16xf32>,
      %add3A_89 = arith.addf %add3A_82, %get3A_88 : vector<16xf32>
      %mul3A_90 = arith.constant 16 : i32
      %mul3A_91 = arith.muli %scan3A_49, %mul3A_90 : i32
      %get3A_92 = arith.constant 6 : i32
      %get3A_93 = arith.index_cast %get3A_92 : i32 to index
      %get3A_94 = arith.index_cast %mul3A_91 : i32 to index
      %get3A_95 = tpu.vector_load %arg17[%get3A_93, %get3A_94] {strides = array<i32>} : memref<16x640xf32, #tpu.memory_space<vmem>>, vector<16xf32>,
      %add3A_96 = arith.addf %add3A_89, %get3A_95 : vector<16xf32>
      %mul3A_97 = arith.constant 16 : i32
      %mul3A_98 = arith.muli %scan3A_49, %mul3A_97 : i32
      %get3A_99 = arith.constant 7 : i32
      %get3A_100 = arith.index_cast %get3A_99 : i32 to index
      %get3A_101 = arith.index_cast %mul3A_98 : i32 to index
      %get3A_102 = tpu.vector_load %arg17[%get3A_100, %get3A_101] {strides = array<i32>} : memref<16x640xf32, #tpu.memory_space<vmem>>, vector<16xf32>,
      %add3A_103 = arith.addf %add3A_96, %get3A_102 : vector<16xf32>
      %mul3A_104 = arith.constant 16 : i32
      %mul3A_105 = arith.muli %scan3A_49, %mul3A_104 : i32
      %get3A_106 = arith.constant 8 : i32
      %get3A_107 = arith.index_cast %get3A_106 : i32 to index
      %get3A_108 = arith.index_cast %mul3A_105 : i32 to index
      %get3A_109 = tpu.vector_load %arg17[%get3A_107, %get3A_108] {strides = array<i32>} : memref<16x640xf32, #tpu.memory_space<vmem>>, vector<16xf32>,
      %add3A_110 = arith.addf %add3A_103, %get3A_109 : vector<16xf32>
      %mul3A_111 = arith.constant 16 : i32
      %mul3A_112 = arith.muli %scan3A_49, %mul3A_111 : i32
      %get3A_113 = arith.constant 9 : i32
      %get3A_114 = arith.index_cast %get3A_113 : i32 to index
      %get3A_115 = arith.index_cast %mul3A_112 : i32 to index
      %get3A_116 = tpu.vector_load %arg17[%get3A_114, %get3A_115] {strides = array<i32>} : memref<16x640xf32, #tpu.memory_space<vmem>>, vector<16xf32>,
      %add3A_117 = arith.addf %add3A_110, %get3A_116 : vector<16xf32>
      %mul3A_118 = arith.constant 16 : i32
      %mul3A_119 = arith.muli %scan3A_49, %mul3A_118 : i32
      %get3A_120 = arith.constant 10 : i32
      %get3A_121 = arith.index_cast %get3A_120 : i32 to index
      %get3A_122 = arith.index_cast %mul3A_119 : i32 to index
      %get3A_123 = tpu.vector_load %arg17[%get3A_121, %get3A_122] {strides = array<i32>} : memref<16x640xf32, #tpu.memory_space<vmem>>, vector<16xf32>,
      %add3A_124 = arith.addf %add3A_117, %get3A_123 : vector<16xf32>
      %mul3A_125 = arith.constant 16 : i32
      %mul3A_126 = arith.muli %scan3A_49, %mul3A_125 : i32
      %get3A_127 = arith.constant 11 : i32
      %get3A_128 = arith.index_cast %get3A_127 : i32 to index
      %get3A_129 = arith.index_cast %mul3A_126 : i32 to index
      %get3A_130 = tpu.vector_load %arg17[%get3A_128, %get3A_129] {strides = array<i32>} : memref<16x640xf32, #tpu.memory_space<vmem>>, vector<16xf32>,
      %add3A_131 = arith.addf %add3A_124, %get3A_130 : vector<16xf32>
      %mul3A_132 = arith.constant 16 : i32
      %mul3A_133 = arith.muli %scan3A_49, %mul3A_132 : i32
      %get3A_134 = arith.constant 12 : i32
      %get3A_135 = arith.index_cast %get3A_134 : i32 to index
      %get3A_136 = arith.index_cast %mul3A_133 : i32 to index
      %get3A_137 = tpu.vector_load %arg17[%get3A_135, %get3A_136] {strides = array<i32>} : memref<16x640xf32, #tpu.memory_space<vmem>>, vector<16xf32>,
      %add3A_138 = arith.addf %add3A_131, %get3A_137 : vector<16xf32>
      %mul3A_139 = arith.constant 16 : i32
      %mul3A_140 = arith.muli %scan3A_49, %mul3A_139 : i32
      %get3A_141 = arith.constant 13 : i32
      %get3A_142 = arith.index_cast %get3A_141 : i32 to index
      %get3A_143 = arith.index_cast %mul3A_140 : i32 to index
      %get3A_144 = tpu.vector_load %arg17[%get3A_142, %get3A_143] {strides = array<i32>} : memref<16x640xf32, #tpu.memory_space<vmem>>, vector<16xf32>,
      %add3A_145 = arith.addf %add3A_138, %get3A_144 : vector<16xf32>
      %mul3A_146 = arith.constant 16 : i32
      %mul3A_147 = arith.muli %scan3A_49, %mul3A_146 : i32
      %get3A_148 = arith.constant 14 : i32
      %get3A_149 = arith.index_cast %get3A_148 : i32 to index
      %get3A_150 = arith.index_cast %mul3A_147 : i32 to index
      %get3A_151 = tpu.vector_load %arg17[%get3A_149, %get3A_150] {strides = array<i32>} : memref<16x640xf32, #tpu.memory_space<vmem>>, vector<16xf32>,
      %add3A_152 = arith.addf %add3A_145, %get3A_151 : vector<16xf32>
      %mul3A_153 = arith.constant 16 : i32
      %mul3A_154 = arith.muli %scan3A_49, %mul3A_153 : i32
      %get3A_155 = arith.constant 15 : i32
      %get3A_156 = arith.index_cast %get3A_155 : i32 to index
      %get3A_157 = arith.index_cast %mul3A_154 : i32 to index
      %get3A_158 = tpu.vector_load %arg17[%get3A_156, %get3A_157] {strides = array<i32>} : memref<16x640xf32, #tpu.memory_space<vmem>>, vector<16xf32>,
      %add3A_159 = arith.addf %add3A_152, %get3A_158 : vector<16xf32>
      %mul3A_160 = arith.constant 16 : i32
      %mul3A_161 = arith.muli %scan3A_49, %mul3A_160 : i32
      %get3A_162 = arith.index_cast %mul3A_161 : i32 to index
      %get3A_163 = tpu.vector_load %arg15[%get3A_162] {strides = array<i32>} : memref<640xf32, #tpu.memory_space<vmem>>, vector<16xf32>,
      %mul3A_164 = arith.mulf %add3A_159, %get3A_163 : vector<16xf32>
      %add3A_165 = arith.addf %mul3A_164, %gather3A : vector<16xf32>
      %mul3A_166 = arith.constant 16 : i32
      %mul3A_167 = arith.muli %scan3A_49, %mul3A_166 : i32
      %swap3A = arith.index_cast %mul3A_167 : i32 to index
      %swap3A_168 = tpu.vector_load %arg18[%swap3A] {strides = array<i32>} : memref<640xf32, #tpu.memory_space<vmem>>, vector<16xf32>,
      tpu.vector_store %arg18[%swap3A], %add3A_165 {strides = array<i32>} : memref<640xf32, #tpu.memory_space<vmem>>, vector<16xf32>,
    }
    %scan3A_33 = arith.constant 40 : i32
    %mul3A_34 = arith.constant 640 : i32
    %mul3A_35 = arith.muli %arg1, %mul3A_34 : i32
    %run_scoped3A_36 = arith.constant 0 : i32
    "tpu.region"() ({
      %run_scoped3A_49 = tpu.sem_alloc : memref<!tpu.dma_semaphore, #tpu.memory_space<semaphore_mem>>
      %dma_start3A = tpu.memref_slice %arg8[%run_scoped3A_36, %mul3A_35] : memref<2x10240xf32, #tpu.memory_space<hbm>> -> memref<1x640xf32, #tpu.memory_space<hbm>>
      %dma_start3A_50 = tpu.memref_squeeze %dma_start3A : memref<1x640xf32, #tpu.memory_space<hbm>> -> memref<640xf32, #tpu.memory_space<hbm>>
      %dma_start3A_51 = tpu.memref_slice %arg8[%run_scoped3A_36, %mul3A_35] : memref<2x10240xf32, #tpu.memory_space<hbm>> -> memref<1x640xf32, #tpu.memory_space<hbm>>
      %dma_start3A_52 = tpu.memref_squeeze %dma_start3A_51 : memref<1x640xf32, #tpu.memory_space<hbm>> -> memref<640xf32, #tpu.memory_space<hbm>>
      tpu.enqueue_dma source(%arg18 : memref<640xf32, #tpu.memory_space<vmem>>) target(%dma_start3A_52 : memref<640xf32, #tpu.memory_space<hbm>>) target_semaphore(%run_scoped3A_49 : memref<!tpu.dma_semaphore, #tpu.memory_space<semaphore_mem>>)
      %dma_wait3A = tpu.memref_slice %arg8[%run_scoped3A_36, %mul3A_35] : memref<2x10240xf32, #tpu.memory_space<hbm>> -> memref<1x640xf32, #tpu.memory_space<hbm>>
      %dma_wait3A_53 = tpu.memref_squeeze %dma_wait3A : memref<1x640xf32, #tpu.memory_space<hbm>> -> memref<640xf32, #tpu.memory_space<hbm>>
      %dma_wait3A_54 = tpu.memref_slice %arg8[%run_scoped3A_36, %mul3A_35] : memref<2x10240xf32, #tpu.memory_space<hbm>> -> memref<1x640xf32, #tpu.memory_space<hbm>>
      %dma_wait3A_55 = tpu.memref_squeeze %dma_wait3A_54 : memref<1x640xf32, #tpu.memory_space<hbm>> -> memref<640xf32, #tpu.memory_space<hbm>>
      tpu.wait_dma2 semaphore(%run_scoped3A_49 : memref<!tpu.dma_semaphore, #tpu.memory_space<semaphore_mem>>) src(%arg18 : memref<640xf32, #tpu.memory_space<vmem>>) dst(%dma_wait3A_55 : memref<640xf32, #tpu.memory_space<hbm>>)
      tpu.yield
    }) : () -> ()
    %mul3A_37 = arith.constant 640 : i32
    %mul3A_38 = arith.muli %arg1, %mul3A_37 : i32
    %run_scoped3A_39 = arith.constant 1 : i32
    "tpu.region"() ({
      %run_scoped3A_49 = tpu.sem_alloc : memref<!tpu.dma_semaphore, #tpu.memory_space<semaphore_mem>>
      %dma_start3A = arith.constant 0 : i32
      %dma_start3A_50 = tpu.memref_slice %arg19[%dma_start3A, %run_scoped3A_39, %mul3A_38] : memref<16x2x10240xf32, #tpu.memory_space<vmem_shared>> -> memref<16x1x640xf32, #tpu.memory_space<vmem_shared>>
      %dma_start3A_51 = tpu.memref_squeeze %dma_start3A_50 : memref<16x1x640xf32, #tpu.memory_space<vmem_shared>> -> memref<16x640xf32, #tpu.memory_space<vmem_shared>>
      %dma_start3A_52 = arith.constant 0 : i32
      %dma_start3A_53 = tpu.memref_slice %arg19[%dma_start3A_52, %run_scoped3A_39, %mul3A_38] : memref<16x2x10240xf32, #tpu.memory_space<vmem_shared>> -> memref<16x1x640xf32, #tpu.memory_space<vmem_shared>>
      %dma_start3A_54 = tpu.memref_squeeze %dma_start3A_53 : memref<16x1x640xf32, #tpu.memory_space<vmem_shared>> -> memref<16x640xf32, #tpu.memory_space<vmem_shared>>
      tpu.enqueue_dma source(%dma_start3A_54 : memref<16x640xf32, #tpu.memory_space<vmem_shared>>) target(%arg17 : memref<16x640xf32, #tpu.memory_space<vmem>>) target_semaphore(%run_scoped3A_49 : memref<!tpu.dma_semaphore, #tpu.memory_space<semaphore_mem>>)
      %dma_wait3A = arith.constant 0 : i32
      %dma_wait3A_55 = tpu.memref_slice %arg19[%dma_wait3A, %run_scoped3A_39, %mul3A_38] : memref<16x2x10240xf32, #tpu.memory_space<vmem_shared>> -> memref<16x1x640xf32, #tpu.memory_space<vmem_shared>>
      %dma_wait3A_56 = tpu.memref_squeeze %dma_wait3A_55 : memref<16x1x640xf32, #tpu.memory_space<vmem_shared>> -> memref<16x640xf32, #tpu.memory_space<vmem_shared>>
      %dma_wait3A_57 = arith.constant 0 : i32
      %dma_wait3A_58 = tpu.memref_slice %arg19[%dma_wait3A_57, %run_scoped3A_39, %mul3A_38] : memref<16x2x10240xf32, #tpu.memory_space<vmem_shared>> -> memref<16x1x640xf32, #tpu.memory_space<vmem_shared>>
      %dma_wait3A_59 = tpu.memref_squeeze %dma_wait3A_58 : memref<16x1x640xf32, #tpu.memory_space<vmem_shared>> -> memref<16x640xf32, #tpu.memory_space<vmem_shared>>
      tpu.wait_dma2 semaphore(%run_scoped3A_49 : memref<!tpu.dma_semaphore, #tpu.memory_space<semaphore_mem>>) src(%dma_wait3A_59 : memref<16x640xf32, #tpu.memory_space<vmem_shared>>) dst(%arg17 : memref<16x640xf32, #tpu.memory_space<vmem>>)
      tpu.yield
    }) : () -> ()
    %scan3A_40 = arith.constant 0 : i32
    %scan3A_41 = arith.constant 0 : i32
    %scan3A_42 = arith.constant 40 : i32
    %scan3A_43 = arith.addi %scan3A_41, %scan3A_42 : i32
    %scan3A_44 = arith.constant 1 : i32
    scf.for %scan3A_49 = %scan3A_41 to %scan3A_43 step %scan3A_44  : i32 {
      %mul3A_50 = arith.constant 16 : i32
      %mul3A_51 = arith.muli %scan3A_49, %mul3A_50 : i32
      %get3A = arith.constant 0 : i32
      %get3A_52 = arith.index_cast %get3A : i32 to index
      %get3A_53 = arith.index_cast %mul3A_51 : i32 to index
      %get3A_54 = tpu.vector_load %arg17[%get3A_52, %get3A_53] {strides = array<i32>} : memref<16x640xf32, #tpu.memory_space<vmem>>, vector<16xf32>,
      %mul3A_55 = arith.constant 16 : i32
      %mul3A_56 = arith.muli %scan3A_49, %mul3A_55 : i32
      %get3A_57 = arith.constant 1 : i32
      %get3A_58 = arith.index_cast %get3A_57 : i32 to index
      %get3A_59 = arith.index_cast %mul3A_56 : i32 to index
      %get3A_60 = tpu.vector_load %arg17[%get3A_58, %get3A_59] {strides = array<i32>} : memref<16x640xf32, #tpu.memory_space<vmem>>, vector<16xf32>,
      %add3A_61 = arith.addf %get3A_54, %get3A_60 : vector<16xf32>
      %mul3A_62 = arith.constant 16 : i32
      %mul3A_63 = arith.muli %scan3A_49, %mul3A_62 : i32
      %get3A_64 = arith.constant 2 : i32
      %get3A_65 = arith.index_cast %get3A_64 : i32 to index
      %get3A_66 = arith.index_cast %mul3A_63 : i32 to index
      %get3A_67 = tpu.vector_load %arg17[%get3A_65, %get3A_66] {strides = array<i32>} : memref<16x640xf32, #tpu.memory_space<vmem>>, vector<16xf32>,
      %add3A_68 = arith.addf %add3A_61, %get3A_67 : vector<16xf32>
      %mul3A_69 = arith.constant 16 : i32
      %mul3A_70 = arith.muli %scan3A_49, %mul3A_69 : i32
      %get3A_71 = arith.constant 3 : i32
      %get3A_72 = arith.index_cast %get3A_71 : i32 to index
      %get3A_73 = arith.index_cast %mul3A_70 : i32 to index
      %get3A_74 = tpu.vector_load %arg17[%get3A_72, %get3A_73] {strides = array<i32>} : memref<16x640xf32, #tpu.memory_space<vmem>>, vector<16xf32>,
      %add3A_75 = arith.addf %add3A_68, %get3A_74 : vector<16xf32>
      %mul3A_76 = arith.constant 16 : i32
      %mul3A_77 = arith.muli %scan3A_49, %mul3A_76 : i32
      %get3A_78 = arith.constant 4 : i32
      %get3A_79 = arith.index_cast %get3A_78 : i32 to index
      %get3A_80 = arith.index_cast %mul3A_77 : i32 to index
      %get3A_81 = tpu.vector_load %arg17[%get3A_79, %get3A_80] {strides = array<i32>} : memref<16x640xf32, #tpu.memory_space<vmem>>, vector<16xf32>,
      %add3A_82 = arith.addf %add3A_75, %get3A_81 : vector<16xf32>
      %mul3A_83 = arith.constant 16 : i32
      %mul3A_84 = arith.muli %scan3A_49, %mul3A_83 : i32
      %get3A_85 = arith.constant 5 : i32
      %get3A_86 = arith.index_cast %get3A_85 : i32 to index
      %get3A_87 = arith.index_cast %mul3A_84 : i32 to index
      %get3A_88 = tpu.vector_load %arg17[%get3A_86, %get3A_87] {strides = array<i32>} : memref<16x640xf32, #tpu.memory_space<vmem>>, vector<16xf32>,
      %add3A_89 = arith.addf %add3A_82, %get3A_88 : vector<16xf32>
      %mul3A_90 = arith.constant 16 : i32
      %mul3A_91 = arith.muli %scan3A_49, %mul3A_90 : i32
      %get3A_92 = arith.constant 6 : i32
      %get3A_93 = arith.index_cast %get3A_92 : i32 to index
      %get3A_94 = arith.index_cast %mul3A_91 : i32 to index
      %get3A_95 = tpu.vector_load %arg17[%get3A_93, %get3A_94] {strides = array<i32>} : memref<16x640xf32, #tpu.memory_space<vmem>>, vector<16xf32>,
      %add3A_96 = arith.addf %add3A_89, %get3A_95 : vector<16xf32>
      %mul3A_97 = arith.constant 16 : i32
      %mul3A_98 = arith.muli %scan3A_49, %mul3A_97 : i32
      %get3A_99 = arith.constant 7 : i32
      %get3A_100 = arith.index_cast %get3A_99 : i32 to index
      %get3A_101 = arith.index_cast %mul3A_98 : i32 to index
      %get3A_102 = tpu.vector_load %arg17[%get3A_100, %get3A_101] {strides = array<i32>} : memref<16x640xf32, #tpu.memory_space<vmem>>, vector<16xf32>,
      %add3A_103 = arith.addf %add3A_96, %get3A_102 : vector<16xf32>
      %mul3A_104 = arith.constant 16 : i32
      %mul3A_105 = arith.muli %scan3A_49, %mul3A_104 : i32
      %get3A_106 = arith.constant 8 : i32
      %get3A_107 = arith.index_cast %get3A_106 : i32 to index
      %get3A_108 = arith.index_cast %mul3A_105 : i32 to index
      %get3A_109 = tpu.vector_load %arg17[%get3A_107, %get3A_108] {strides = array<i32>} : memref<16x640xf32, #tpu.memory_space<vmem>>, vector<16xf32>,
      %add3A_110 = arith.addf %add3A_103, %get3A_109 : vector<16xf32>
      %mul3A_111 = arith.constant 16 : i32
      %mul3A_112 = arith.muli %scan3A_49, %mul3A_111 : i32
      %get3A_113 = arith.constant 9 : i32
      %get3A_114 = arith.index_cast %get3A_113 : i32 to index
      %get3A_115 = arith.index_cast %mul3A_112 : i32 to index
      %get3A_116 = tpu.vector_load %arg17[%get3A_114, %get3A_115] {strides = array<i32>} : memref<16x640xf32, #tpu.memory_space<vmem>>, vector<16xf32>,
      %add3A_117 = arith.addf %add3A_110, %get3A_116 : vector<16xf32>
      %mul3A_118 = arith.constant 16 : i32
      %mul3A_119 = arith.muli %scan3A_49, %mul3A_118 : i32
      %get3A_120 = arith.constant 10 : i32
      %get3A_121 = arith.index_cast %get3A_120 : i32 to index
      %get3A_122 = arith.index_cast %mul3A_119 : i32 to index
      %get3A_123 = tpu.vector_load %arg17[%get3A_121, %get3A_122] {strides = array<i32>} : memref<16x640xf32, #tpu.memory_space<vmem>>, vector<16xf32>,
      %add3A_124 = arith.addf %add3A_117, %get3A_123 : vector<16xf32>
      %mul3A_125 = arith.constant 16 : i32
      %mul3A_126 = arith.muli %scan3A_49, %mul3A_125 : i32
      %get3A_127 = arith.constant 11 : i32
      %get3A_128 = arith.index_cast %get3A_127 : i32 to index
      %get3A_129 = arith.index_cast %mul3A_126 : i32 to index
      %get3A_130 = tpu.vector_load %arg17[%get3A_128, %get3A_129] {strides = array<i32>} : memref<16x640xf32, #tpu.memory_space<vmem>>, vector<16xf32>,
      %add3A_131 = arith.addf %add3A_124, %get3A_130 : vector<16xf32>
      %mul3A_132 = arith.constant 16 : i32
      %mul3A_133 = arith.muli %scan3A_49, %mul3A_132 : i32
      %get3A_134 = arith.constant 12 : i32
      %get3A_135 = arith.index_cast %get3A_134 : i32 to index
      %get3A_136 = arith.index_cast %mul3A_133 : i32 to index
      %get3A_137 = tpu.vector_load %arg17[%get3A_135, %get3A_136] {strides = array<i32>} : memref<16x640xf32, #tpu.memory_space<vmem>>, vector<16xf32>,
      %add3A_138 = arith.addf %add3A_131, %get3A_137 : vector<16xf32>
      %mul3A_139 = arith.constant 16 : i32
      %mul3A_140 = arith.muli %scan3A_49, %mul3A_139 : i32
      %get3A_141 = arith.constant 13 : i32
      %get3A_142 = arith.index_cast %get3A_141 : i32 to index
      %get3A_143 = arith.index_cast %mul3A_140 : i32 to index
      %get3A_144 = tpu.vector_load %arg17[%get3A_142, %get3A_143] {strides = array<i32>} : memref<16x640xf32, #tpu.memory_space<vmem>>, vector<16xf32>,
      %add3A_145 = arith.addf %add3A_138, %get3A_144 : vector<16xf32>
      %mul3A_146 = arith.constant 16 : i32
      %mul3A_147 = arith.muli %scan3A_49, %mul3A_146 : i32
      %get3A_148 = arith.constant 14 : i32
      %get3A_149 = arith.index_cast %get3A_148 : i32 to index
      %get3A_150 = arith.index_cast %mul3A_147 : i32 to index
      %get3A_151 = tpu.vector_load %arg17[%get3A_149, %get3A_150] {strides = array<i32>} : memref<16x640xf32, #tpu.memory_space<vmem>>, vector<16xf32>,
      %add3A_152 = arith.addf %add3A_145, %get3A_151 : vector<16xf32>
      %mul3A_153 = arith.constant 16 : i32
      %mul3A_154 = arith.muli %scan3A_49, %mul3A_153 : i32
      %get3A_155 = arith.constant 15 : i32
      %get3A_156 = arith.index_cast %get3A_155 : i32 to index
      %get3A_157 = arith.index_cast %mul3A_154 : i32 to index
      %get3A_158 = tpu.vector_load %arg17[%get3A_156, %get3A_157] {strides = array<i32>} : memref<16x640xf32, #tpu.memory_space<vmem>>, vector<16xf32>,
      %add3A_159 = arith.addf %add3A_152, %get3A_158 : vector<16xf32>
      %mul3A_160 = arith.constant 16 : i32
      %mul3A_161 = arith.muli %scan3A_49, %mul3A_160 : i32
      %get3A_162 = arith.index_cast %mul3A_161 : i32 to index
      %get3A_163 = tpu.vector_load %arg15[%get3A_162] {strides = array<i32>} : memref<640xf32, #tpu.memory_space<vmem>>, vector<16xf32>,
      %mul3A_164 = arith.mulf %add3A_159, %get3A_163 : vector<16xf32>
      %add3A_165 = arith.addf %mul3A_164, %gather3A_24 : vector<16xf32>
      %mul3A_166 = arith.constant 16 : i32
      %mul3A_167 = arith.muli %scan3A_49, %mul3A_166 : i32
      %swap3A = arith.index_cast %mul3A_167 : i32 to index
      %swap3A_168 = tpu.vector_load %arg18[%swap3A] {strides = array<i32>} : memref<640xf32, #tpu.memory_space<vmem>>, vector<16xf32>,
      tpu.vector_store %arg18[%swap3A], %add3A_165 {strides = array<i32>} : memref<640xf32, #tpu.memory_space<vmem>>, vector<16xf32>,
    }
    %scan3A_45 = arith.constant 40 : i32
    %mul3A_46 = arith.constant 640 : i32
    %mul3A_47 = arith.muli %arg1, %mul3A_46 : i32
    %run_scoped3A_48 = arith.constant 1 : i32
    "tpu.region"() ({
      %run_scoped3A_49 = tpu.sem_alloc : memref<!tpu.dma_semaphore, #tpu.memory_space<semaphore_mem>>
      %dma_start3A = tpu.memref_slice %arg8[%run_scoped3A_48, %mul3A_47] : memref<2x10240xf32, #tpu.memory_space<hbm>> -> memref<1x640xf32, #tpu.memory_space<hbm>>
      %dma_start3A_50 = tpu.memref_squeeze %dma_start3A : memref<1x640xf32, #tpu.memory_space<hbm>> -> memref<640xf32, #tpu.memory_space<hbm>>
      %dma_start3A_51 = tpu.memref_slice %arg8[%run_scoped3A_48, %mul3A_47] : memref<2x10240xf32, #tpu.memory_space<hbm>> -> memref<1x640xf32, #tpu.memory_space<hbm>>
      %dma_start3A_52 = tpu.memref_squeeze %dma_start3A_51 : memref<1x640xf32, #tpu.memory_space<hbm>> -> memref<640xf32, #tpu.memory_space<hbm>>
      tpu.enqueue_dma source(%arg18 : memref<640xf32, #tpu.memory_space<vmem>>) target(%dma_start3A_52 : memref<640xf32, #tpu.memory_space<hbm>>) target_semaphore(%run_scoped3A_49 : memref<!tpu.dma_semaphore, #tpu.memory_space<semaphore_mem>>)
      %dma_wait3A = tpu.memref_slice %arg8[%run_scoped3A_48, %mul3A_47] : memref<2x10240xf32, #tpu.memory_space<hbm>> -> memref<1x640xf32, #tpu.memory_space<hbm>>
      %dma_wait3A_53 = tpu.memref_squeeze %dma_wait3A : memref<1x640xf32, #tpu.memory_space<hbm>> -> memref<640xf32, #tpu.memory_space<hbm>>
      %dma_wait3A_54 = tpu.memref_slice %arg8[%run_scoped3A_48, %mul3A_47] : memref<2x10240xf32, #tpu.memory_space<hbm>> -> memref<1x640xf32, #tpu.memory_space<hbm>>
      %dma_wait3A_55 = tpu.memref_squeeze %dma_wait3A_54 : memref<1x640xf32, #tpu.memory_space<hbm>> -> memref<640xf32, #tpu.memory_space<hbm>>
      tpu.wait_dma2 semaphore(%run_scoped3A_49 : memref<!tpu.dma_semaphore, #tpu.memory_space<semaphore_mem>>) src(%arg18 : memref<640xf32, #tpu.memory_space<vmem>>) dst(%dma_wait3A_55 : memref<640xf32, #tpu.memory_space<hbm>>)
      tpu.yield
    }) : () -> ()
    return
  }
}

#map = affine_map<(d0, d1) -> (0, 0)>
module attributes {stable_mosaic.version = 14 : i64} {
  func.func @_deg_body(%arg0: i32, %arg1: i32, %arg2: memref<2560x128xi32, #tpu.memory_space<hbm>>, %arg3: memref<2x10240xf32, #tpu.memory_space<hbm>>, %arg4: memref<80x128xi32, #tpu.memory_space<vmem>>, %arg5: memref<10240xf32, #tpu.memory_space<vmem>>, %arg6: memref<640xf32, #tpu.memory_space<vmem>>, %arg7: memref<16x640xf32, #tpu.memory_space<vmem>>, %arg8: memref<16x10240xf32, #tpu.memory_space<vmem_shared>>) attributes {dimension_semantics = [#tpu.dimension_semantics<core_parallel>, #tpu.dimension_semantics<subcore_parallel>], iteration_bounds = array<i64: 2, 16>, scalar_prefetch = 0 : i64, scratch_operands = 5 : i64, tpu.core_type = #tpu.core_type<sc_vector_subcore>, window_params = [{transform_indices = #map}, {transform_indices = #map}]} {
    %mul3A = arith.constant 2 : i32
    %mul3A_0 = arith.muli %arg1, %mul3A : i32
    %add3A = arith.addi %mul3A_0, %arg0 : i32
    %broadcast_in_dim3A = arith.constant 0.000000e+00 : f32
    %broadcast_in_dim3A_1 = vector.broadcast %broadcast_in_dim3A : f32 to vector<16xf32>
    %broadcast_in_dim3A_2 = arith.constant 1.000000e+00 : f32
    %broadcast_in_dim3A_3 = vector.broadcast %broadcast_in_dim3A_2 : f32 to vector<16xf32>
    %scan3A = arith.constant 0 : i32
    %scan3A_4 = arith.constant 0 : i32
    %scan3A_5 = arith.constant 640 : i32
    %scan3A_6 = arith.addi %scan3A_4, %scan3A_5 : i32
    %scan3A_7 = arith.constant 1 : i32
    scf.for %scan3A_27 = %scan3A_4 to %scan3A_6 step %scan3A_7  : i32 {
      %mul3A_28 = arith.constant 16 : i32
      %mul3A_29 = arith.muli %scan3A_27, %mul3A_28 : i32
      %swap3A = arith.index_cast %mul3A_29 : i32 to index
      %swap3A_30 = tpu.vector_load %arg5[%swap3A] {strides = array<i32>} : memref<10240xf32, #tpu.memory_space<vmem>>, vector<16xf32>,
      tpu.vector_store %arg5[%swap3A], %broadcast_in_dim3A_1 {strides = array<i32>} : memref<10240xf32, #tpu.memory_space<vmem>>, vector<16xf32>,
    }
    %scan3A_8 = arith.constant 640 : i32
    %mul3A_9 = arith.constant 80 : i32
    %mul3A_10 = arith.muli %add3A, %mul3A_9 : i32
    "tpu.region"() ({
      %run_scoped3A = tpu.sem_alloc : memref<!tpu.dma_semaphore, #tpu.memory_space<semaphore_mem>>
      %dma_start3A = arith.constant 0 : i32
      %dma_start3A_27 = tpu.memref_slice %arg2[%mul3A_10, %dma_start3A] : memref<2560x128xi32, #tpu.memory_space<hbm>> -> memref<80x128xi32, #tpu.memory_space<hbm>>
      %dma_start3A_28 = arith.constant 0 : i32
      %dma_start3A_29 = tpu.memref_slice %arg2[%mul3A_10, %dma_start3A_28] : memref<2560x128xi32, #tpu.memory_space<hbm>> -> memref<80x128xi32, #tpu.memory_space<hbm>>
      tpu.enqueue_dma source(%dma_start3A_29 : memref<80x128xi32, #tpu.memory_space<hbm>>) target(%arg4 : memref<80x128xi32, #tpu.memory_space<vmem>>) target_semaphore(%run_scoped3A : memref<!tpu.dma_semaphore, #tpu.memory_space<semaphore_mem>>)
      %dma_wait3A = arith.constant 0 : i32
      %dma_wait3A_30 = tpu.memref_slice %arg2[%mul3A_10, %dma_wait3A] : memref<2560x128xi32, #tpu.memory_space<hbm>> -> memref<80x128xi32, #tpu.memory_space<hbm>>
      %dma_wait3A_31 = arith.constant 0 : i32
      %dma_wait3A_32 = tpu.memref_slice %arg2[%mul3A_10, %dma_wait3A_31] : memref<2560x128xi32, #tpu.memory_space<hbm>> -> memref<80x128xi32, #tpu.memory_space<hbm>>
      tpu.wait_dma2 semaphore(%run_scoped3A : memref<!tpu.dma_semaphore, #tpu.memory_space<semaphore_mem>>) src(%dma_wait3A_32 : memref<80x128xi32, #tpu.memory_space<hbm>>) dst(%arg4 : memref<80x128xi32, #tpu.memory_space<vmem>>)
      tpu.yield
    }) : () -> ()
    %scan3A_11 = arith.constant 0 : i32
    %scan3A_12 = arith.constant 0 : i32
    %scan3A_13 = arith.constant 80 : i32
    %scan3A_14 = arith.addi %scan3A_12, %scan3A_13 : i32
    %scan3A_15 = arith.constant 1 : i32
    scf.for %scan3A_27 = %scan3A_12 to %scan3A_14 step %scan3A_15  : i32 {
      %get3A = arith.index_cast %scan3A_27 : i32 to index
      %get3A_28 = arith.constant 0 : index
      %get3A_29 = tpu.vector_load %arg4[%get3A, %get3A_28] {strides = array<i32>} : memref<80x128xi32, #tpu.memory_space<vmem>>, vector<16xi32>,
      tpu.vector_store_idx %arg5[%get3A_29], %broadcast_in_dim3A_3 {add = true} : memref<10240xf32, #tpu.memory_space<vmem>>[vector<16xi32>], vector<16xf32>,
      %get3A_30 = arith.index_cast %scan3A_27 : i32 to index
      %get3A_31 = arith.constant 16 : index
      %get3A_32 = tpu.vector_load %arg4[%get3A_30, %get3A_31] {strides = array<i32>} : memref<80x128xi32, #tpu.memory_space<vmem>>, vector<16xi32>,
      tpu.vector_store_idx %arg5[%get3A_32], %broadcast_in_dim3A_3 {add = true} : memref<10240xf32, #tpu.memory_space<vmem>>[vector<16xi32>], vector<16xf32>,
      %get3A_33 = arith.index_cast %scan3A_27 : i32 to index
      %get3A_34 = arith.constant 32 : index
      %get3A_35 = tpu.vector_load %arg4[%get3A_33, %get3A_34] {strides = array<i32>} : memref<80x128xi32, #tpu.memory_space<vmem>>, vector<16xi32>,
      tpu.vector_store_idx %arg5[%get3A_35], %broadcast_in_dim3A_3 {add = true} : memref<10240xf32, #tpu.memory_space<vmem>>[vector<16xi32>], vector<16xf32>,
      %get3A_36 = arith.index_cast %scan3A_27 : i32 to index
      %get3A_37 = arith.constant 48 : index
      %get3A_38 = tpu.vector_load %arg4[%get3A_36, %get3A_37] {strides = array<i32>} : memref<80x128xi32, #tpu.memory_space<vmem>>, vector<16xi32>,
      tpu.vector_store_idx %arg5[%get3A_38], %broadcast_in_dim3A_3 {add = true} : memref<10240xf32, #tpu.memory_space<vmem>>[vector<16xi32>], vector<16xf32>,
      %get3A_39 = arith.index_cast %scan3A_27 : i32 to index
      %get3A_40 = arith.constant 64 : index
      %get3A_41 = tpu.vector_load %arg4[%get3A_39, %get3A_40] {strides = array<i32>} : memref<80x128xi32, #tpu.memory_space<vmem>>, vector<16xi32>,
      tpu.vector_store_idx %arg5[%get3A_41], %broadcast_in_dim3A_3 {add = true} : memref<10240xf32, #tpu.memory_space<vmem>>[vector<16xi32>], vector<16xf32>,
      %get3A_42 = arith.index_cast %scan3A_27 : i32 to index
      %get3A_43 = arith.constant 80 : index
      %get3A_44 = tpu.vector_load %arg4[%get3A_42, %get3A_43] {strides = array<i32>} : memref<80x128xi32, #tpu.memory_space<vmem>>, vector<16xi32>,
      tpu.vector_store_idx %arg5[%get3A_44], %broadcast_in_dim3A_3 {add = true} : memref<10240xf32, #tpu.memory_space<vmem>>[vector<16xi32>], vector<16xf32>,
      %get3A_45 = arith.index_cast %scan3A_27 : i32 to index
      %get3A_46 = arith.constant 96 : index
      %get3A_47 = tpu.vector_load %arg4[%get3A_45, %get3A_46] {strides = array<i32>} : memref<80x128xi32, #tpu.memory_space<vmem>>, vector<16xi32>,
      tpu.vector_store_idx %arg5[%get3A_47], %broadcast_in_dim3A_3 {add = true} : memref<10240xf32, #tpu.memory_space<vmem>>[vector<16xi32>], vector<16xf32>,
      %get3A_48 = arith.index_cast %scan3A_27 : i32 to index
      %get3A_49 = arith.constant 112 : index
      %get3A_50 = tpu.vector_load %arg4[%get3A_48, %get3A_49] {strides = array<i32>} : memref<80x128xi32, #tpu.memory_space<vmem>>, vector<16xi32>,
      tpu.vector_store_idx %arg5[%get3A_50], %broadcast_in_dim3A_3 {add = true} : memref<10240xf32, #tpu.memory_space<vmem>>[vector<16xi32>], vector<16xf32>,
    }
    %scan3A_16 = arith.constant 80 : i32
    "tpu.region"() ({
      %run_scoped3A = tpu.sem_alloc : memref<!tpu.dma_semaphore, #tpu.memory_space<semaphore_mem>>
      %dma_start3A = arith.constant 0 : i32
      %dma_start3A_27 = tpu.memref_slice %arg8[%arg1, %dma_start3A] : memref<16x10240xf32, #tpu.memory_space<vmem_shared>> -> memref<1x10240xf32, #tpu.memory_space<vmem_shared>>
      %dma_start3A_28 = tpu.memref_squeeze %dma_start3A_27 : memref<1x10240xf32, #tpu.memory_space<vmem_shared>> -> memref<10240xf32, #tpu.memory_space<vmem_shared>>
      %dma_start3A_29 = arith.constant 0 : i32
      %dma_start3A_30 = tpu.memref_slice %arg8[%arg1, %dma_start3A_29] : memref<16x10240xf32, #tpu.memory_space<vmem_shared>> -> memref<1x10240xf32, #tpu.memory_space<vmem_shared>>
      %dma_start3A_31 = tpu.memref_squeeze %dma_start3A_30 : memref<1x10240xf32, #tpu.memory_space<vmem_shared>> -> memref<10240xf32, #tpu.memory_space<vmem_shared>>
      tpu.enqueue_dma source(%arg5 : memref<10240xf32, #tpu.memory_space<vmem>>) target(%dma_start3A_31 : memref<10240xf32, #tpu.memory_space<vmem_shared>>) target_semaphore(%run_scoped3A : memref<!tpu.dma_semaphore, #tpu.memory_space<semaphore_mem>>)
      %dma_wait3A = arith.constant 0 : i32
      %dma_wait3A_32 = tpu.memref_slice %arg8[%arg1, %dma_wait3A] : memref<16x10240xf32, #tpu.memory_space<vmem_shared>> -> memref<1x10240xf32, #tpu.memory_space<vmem_shared>>
      %dma_wait3A_33 = tpu.memref_squeeze %dma_wait3A_32 : memref<1x10240xf32, #tpu.memory_space<vmem_shared>> -> memref<10240xf32, #tpu.memory_space<vmem_shared>>
      %dma_wait3A_34 = arith.constant 0 : i32
      %dma_wait3A_35 = tpu.memref_slice %arg8[%arg1, %dma_wait3A_34] : memref<16x10240xf32, #tpu.memory_space<vmem_shared>> -> memref<1x10240xf32, #tpu.memory_space<vmem_shared>>
      %dma_wait3A_36 = tpu.memref_squeeze %dma_wait3A_35 : memref<1x10240xf32, #tpu.memory_space<vmem_shared>> -> memref<10240xf32, #tpu.memory_space<vmem_shared>>
      tpu.wait_dma2 semaphore(%run_scoped3A : memref<!tpu.dma_semaphore, #tpu.memory_space<semaphore_mem>>) src(%arg5 : memref<10240xf32, #tpu.memory_space<vmem>>) dst(%dma_wait3A_36 : memref<10240xf32, #tpu.memory_space<vmem_shared>>)
      tpu.yield
    }) : () -> ()
    %barrier3A = arith.constant 0 : index
    tpu.barrier barrier_id(%barrier3A)
    %mul3A_17 = arith.constant 640 : i32
    %mul3A_18 = arith.muli %arg1, %mul3A_17 : i32
    "tpu.region"() ({
      %run_scoped3A = tpu.sem_alloc : memref<!tpu.dma_semaphore, #tpu.memory_space<semaphore_mem>>
      %dma_start3A = arith.constant 0 : i32
      %dma_start3A_27 = tpu.memref_slice %arg8[%dma_start3A, %mul3A_18] : memref<16x10240xf32, #tpu.memory_space<vmem_shared>> -> memref<16x640xf32, #tpu.memory_space<vmem_shared>>
      %dma_start3A_28 = arith.constant 0 : i32
      %dma_start3A_29 = tpu.memref_slice %arg8[%dma_start3A_28, %mul3A_18] : memref<16x10240xf32, #tpu.memory_space<vmem_shared>> -> memref<16x640xf32, #tpu.memory_space<vmem_shared>>
      tpu.enqueue_dma source(%dma_start3A_29 : memref<16x640xf32, #tpu.memory_space<vmem_shared>>) target(%arg7 : memref<16x640xf32, #tpu.memory_space<vmem>>) target_semaphore(%run_scoped3A : memref<!tpu.dma_semaphore, #tpu.memory_space<semaphore_mem>>)
      %dma_wait3A = arith.constant 0 : i32
      %dma_wait3A_30 = tpu.memref_slice %arg8[%dma_wait3A, %mul3A_18] : memref<16x10240xf32, #tpu.memory_space<vmem_shared>> -> memref<16x640xf32, #tpu.memory_space<vmem_shared>>
      %dma_wait3A_31 = arith.constant 0 : i32
      %dma_wait3A_32 = tpu.memref_slice %arg8[%dma_wait3A_31, %mul3A_18] : memref<16x10240xf32, #tpu.memory_space<vmem_shared>> -> memref<16x640xf32, #tpu.memory_space<vmem_shared>>
      tpu.wait_dma2 semaphore(%run_scoped3A : memref<!tpu.dma_semaphore, #tpu.memory_space<semaphore_mem>>) src(%dma_wait3A_32 : memref<16x640xf32, #tpu.memory_space<vmem_shared>>) dst(%arg7 : memref<16x640xf32, #tpu.memory_space<vmem>>)
      tpu.yield
    }) : () -> ()
    %scan3A_19 = arith.constant 0 : i32
    %scan3A_20 = arith.constant 0 : i32
    %scan3A_21 = arith.constant 40 : i32
    %scan3A_22 = arith.addi %scan3A_20, %scan3A_21 : i32
    %scan3A_23 = arith.constant 1 : i32
    scf.for %scan3A_27 = %scan3A_20 to %scan3A_22 step %scan3A_23  : i32 {
      %mul3A_28 = arith.constant 16 : i32
      %mul3A_29 = arith.muli %scan3A_27, %mul3A_28 : i32
      %get3A = arith.constant 0 : i32
      %get3A_30 = arith.index_cast %get3A : i32 to index
      %get3A_31 = arith.index_cast %mul3A_29 : i32 to index
      %get3A_32 = tpu.vector_load %arg7[%get3A_30, %get3A_31] {strides = array<i32>} : memref<16x640xf32, #tpu.memory_space<vmem>>, vector<16xf32>,
      %mul3A_33 = arith.constant 16 : i32
      %mul3A_34 = arith.muli %scan3A_27, %mul3A_33 : i32
      %get3A_35 = arith.constant 1 : i32
      %get3A_36 = arith.index_cast %get3A_35 : i32 to index
      %get3A_37 = arith.index_cast %mul3A_34 : i32 to index
      %get3A_38 = tpu.vector_load %arg7[%get3A_36, %get3A_37] {strides = array<i32>} : memref<16x640xf32, #tpu.memory_space<vmem>>, vector<16xf32>,
      %add3A_39 = arith.addf %get3A_32, %get3A_38 : vector<16xf32>
      %mul3A_40 = arith.constant 16 : i32
      %mul3A_41 = arith.muli %scan3A_27, %mul3A_40 : i32
      %get3A_42 = arith.constant 2 : i32
      %get3A_43 = arith.index_cast %get3A_42 : i32 to index
      %get3A_44 = arith.index_cast %mul3A_41 : i32 to index
      %get3A_45 = tpu.vector_load %arg7[%get3A_43, %get3A_44] {strides = array<i32>} : memref<16x640xf32, #tpu.memory_space<vmem>>, vector<16xf32>,
      %add3A_46 = arith.addf %add3A_39, %get3A_45 : vector<16xf32>
      %mul3A_47 = arith.constant 16 : i32
      %mul3A_48 = arith.muli %scan3A_27, %mul3A_47 : i32
      %get3A_49 = arith.constant 3 : i32
      %get3A_50 = arith.index_cast %get3A_49 : i32 to index
      %get3A_51 = arith.index_cast %mul3A_48 : i32 to index
      %get3A_52 = tpu.vector_load %arg7[%get3A_50, %get3A_51] {strides = array<i32>} : memref<16x640xf32, #tpu.memory_space<vmem>>, vector<16xf32>,
      %add3A_53 = arith.addf %add3A_46, %get3A_52 : vector<16xf32>
      %mul3A_54 = arith.constant 16 : i32
      %mul3A_55 = arith.muli %scan3A_27, %mul3A_54 : i32
      %get3A_56 = arith.constant 4 : i32
      %get3A_57 = arith.index_cast %get3A_56 : i32 to index
      %get3A_58 = arith.index_cast %mul3A_55 : i32 to index
      %get3A_59 = tpu.vector_load %arg7[%get3A_57, %get3A_58] {strides = array<i32>} : memref<16x640xf32, #tpu.memory_space<vmem>>, vector<16xf32>,
      %add3A_60 = arith.addf %add3A_53, %get3A_59 : vector<16xf32>
      %mul3A_61 = arith.constant 16 : i32
      %mul3A_62 = arith.muli %scan3A_27, %mul3A_61 : i32
      %get3A_63 = arith.constant 5 : i32
      %get3A_64 = arith.index_cast %get3A_63 : i32 to index
      %get3A_65 = arith.index_cast %mul3A_62 : i32 to index
      %get3A_66 = tpu.vector_load %arg7[%get3A_64, %get3A_65] {strides = array<i32>} : memref<16x640xf32, #tpu.memory_space<vmem>>, vector<16xf32>,
      %add3A_67 = arith.addf %add3A_60, %get3A_66 : vector<16xf32>
      %mul3A_68 = arith.constant 16 : i32
      %mul3A_69 = arith.muli %scan3A_27, %mul3A_68 : i32
      %get3A_70 = arith.constant 6 : i32
      %get3A_71 = arith.index_cast %get3A_70 : i32 to index
      %get3A_72 = arith.index_cast %mul3A_69 : i32 to index
      %get3A_73 = tpu.vector_load %arg7[%get3A_71, %get3A_72] {strides = array<i32>} : memref<16x640xf32, #tpu.memory_space<vmem>>, vector<16xf32>,
      %add3A_74 = arith.addf %add3A_67, %get3A_73 : vector<16xf32>
      %mul3A_75 = arith.constant 16 : i32
      %mul3A_76 = arith.muli %scan3A_27, %mul3A_75 : i32
      %get3A_77 = arith.constant 7 : i32
      %get3A_78 = arith.index_cast %get3A_77 : i32 to index
      %get3A_79 = arith.index_cast %mul3A_76 : i32 to index
      %get3A_80 = tpu.vector_load %arg7[%get3A_78, %get3A_79] {strides = array<i32>} : memref<16x640xf32, #tpu.memory_space<vmem>>, vector<16xf32>,
      %add3A_81 = arith.addf %add3A_74, %get3A_80 : vector<16xf32>
      %mul3A_82 = arith.constant 16 : i32
      %mul3A_83 = arith.muli %scan3A_27, %mul3A_82 : i32
      %get3A_84 = arith.constant 8 : i32
      %get3A_85 = arith.index_cast %get3A_84 : i32 to index
      %get3A_86 = arith.index_cast %mul3A_83 : i32 to index
      %get3A_87 = tpu.vector_load %arg7[%get3A_85, %get3A_86] {strides = array<i32>} : memref<16x640xf32, #tpu.memory_space<vmem>>, vector<16xf32>,
      %add3A_88 = arith.addf %add3A_81, %get3A_87 : vector<16xf32>
      %mul3A_89 = arith.constant 16 : i32
      %mul3A_90 = arith.muli %scan3A_27, %mul3A_89 : i32
      %get3A_91 = arith.constant 9 : i32
      %get3A_92 = arith.index_cast %get3A_91 : i32 to index
      %get3A_93 = arith.index_cast %mul3A_90 : i32 to index
      %get3A_94 = tpu.vector_load %arg7[%get3A_92, %get3A_93] {strides = array<i32>} : memref<16x640xf32, #tpu.memory_space<vmem>>, vector<16xf32>,
      %add3A_95 = arith.addf %add3A_88, %get3A_94 : vector<16xf32>
      %mul3A_96 = arith.constant 16 : i32
      %mul3A_97 = arith.muli %scan3A_27, %mul3A_96 : i32
      %get3A_98 = arith.constant 10 : i32
      %get3A_99 = arith.index_cast %get3A_98 : i32 to index
      %get3A_100 = arith.index_cast %mul3A_97 : i32 to index
      %get3A_101 = tpu.vector_load %arg7[%get3A_99, %get3A_100] {strides = array<i32>} : memref<16x640xf32, #tpu.memory_space<vmem>>, vector<16xf32>,
      %add3A_102 = arith.addf %add3A_95, %get3A_101 : vector<16xf32>
      %mul3A_103 = arith.constant 16 : i32
      %mul3A_104 = arith.muli %scan3A_27, %mul3A_103 : i32
      %get3A_105 = arith.constant 11 : i32
      %get3A_106 = arith.index_cast %get3A_105 : i32 to index
      %get3A_107 = arith.index_cast %mul3A_104 : i32 to index
      %get3A_108 = tpu.vector_load %arg7[%get3A_106, %get3A_107] {strides = array<i32>} : memref<16x640xf32, #tpu.memory_space<vmem>>, vector<16xf32>,
      %add3A_109 = arith.addf %add3A_102, %get3A_108 : vector<16xf32>
      %mul3A_110 = arith.constant 16 : i32
      %mul3A_111 = arith.muli %scan3A_27, %mul3A_110 : i32
      %get3A_112 = arith.constant 12 : i32
      %get3A_113 = arith.index_cast %get3A_112 : i32 to index
      %get3A_114 = arith.index_cast %mul3A_111 : i32 to index
      %get3A_115 = tpu.vector_load %arg7[%get3A_113, %get3A_114] {strides = array<i32>} : memref<16x640xf32, #tpu.memory_space<vmem>>, vector<16xf32>,
      %add3A_116 = arith.addf %add3A_109, %get3A_115 : vector<16xf32>
      %mul3A_117 = arith.constant 16 : i32
      %mul3A_118 = arith.muli %scan3A_27, %mul3A_117 : i32
      %get3A_119 = arith.constant 13 : i32
      %get3A_120 = arith.index_cast %get3A_119 : i32 to index
      %get3A_121 = arith.index_cast %mul3A_118 : i32 to index
      %get3A_122 = tpu.vector_load %arg7[%get3A_120, %get3A_121] {strides = array<i32>} : memref<16x640xf32, #tpu.memory_space<vmem>>, vector<16xf32>,
      %add3A_123 = arith.addf %add3A_116, %get3A_122 : vector<16xf32>
      %mul3A_124 = arith.constant 16 : i32
      %mul3A_125 = arith.muli %scan3A_27, %mul3A_124 : i32
      %get3A_126 = arith.constant 14 : i32
      %get3A_127 = arith.index_cast %get3A_126 : i32 to index
      %get3A_128 = arith.index_cast %mul3A_125 : i32 to index
      %get3A_129 = tpu.vector_load %arg7[%get3A_127, %get3A_128] {strides = array<i32>} : memref<16x640xf32, #tpu.memory_space<vmem>>, vector<16xf32>,
      %add3A_130 = arith.addf %add3A_123, %get3A_129 : vector<16xf32>
      %mul3A_131 = arith.constant 16 : i32
      %mul3A_132 = arith.muli %scan3A_27, %mul3A_131 : i32
      %get3A_133 = arith.constant 15 : i32
      %get3A_134 = arith.index_cast %get3A_133 : i32 to index
      %get3A_135 = arith.index_cast %mul3A_132 : i32 to index
      %get3A_136 = tpu.vector_load %arg7[%get3A_134, %get3A_135] {strides = array<i32>} : memref<16x640xf32, #tpu.memory_space<vmem>>, vector<16xf32>,
      %add3A_137 = arith.addf %add3A_130, %get3A_136 : vector<16xf32>
      %mul3A_138 = arith.constant 16 : i32
      %mul3A_139 = arith.muli %scan3A_27, %mul3A_138 : i32
      %swap3A = arith.index_cast %mul3A_139 : i32 to index
      %swap3A_140 = tpu.vector_load %arg6[%swap3A] {strides = array<i32>} : memref<640xf32, #tpu.memory_space<vmem>>, vector<16xf32>,
      tpu.vector_store %arg6[%swap3A], %add3A_137 {strides = array<i32>} : memref<640xf32, #tpu.memory_space<vmem>>, vector<16xf32>,
    }
    %scan3A_24 = arith.constant 40 : i32
    %mul3A_25 = arith.constant 640 : i32
    %mul3A_26 = arith.muli %arg1, %mul3A_25 : i32
    "tpu.region"() ({
      %run_scoped3A = tpu.sem_alloc : memref<!tpu.dma_semaphore, #tpu.memory_space<semaphore_mem>>
      %dma_start3A = tpu.memref_slice %arg3[%arg0, %mul3A_26] : memref<2x10240xf32, #tpu.memory_space<hbm>> -> memref<1x640xf32, #tpu.memory_space<hbm>>
      %dma_start3A_27 = tpu.memref_squeeze %dma_start3A : memref<1x640xf32, #tpu.memory_space<hbm>> -> memref<640xf32, #tpu.memory_space<hbm>>
      %dma_start3A_28 = tpu.memref_slice %arg3[%arg0, %mul3A_26] : memref<2x10240xf32, #tpu.memory_space<hbm>> -> memref<1x640xf32, #tpu.memory_space<hbm>>
      %dma_start3A_29 = tpu.memref_squeeze %dma_start3A_28 : memref<1x640xf32, #tpu.memory_space<hbm>> -> memref<640xf32, #tpu.memory_space<hbm>>
      tpu.enqueue_dma source(%arg6 : memref<640xf32, #tpu.memory_space<vmem>>) target(%dma_start3A_29 : memref<640xf32, #tpu.memory_space<hbm>>) target_semaphore(%run_scoped3A : memref<!tpu.dma_semaphore, #tpu.memory_space<semaphore_mem>>)
      %dma_wait3A = tpu.memref_slice %arg3[%arg0, %mul3A_26] : memref<2x10240xf32, #tpu.memory_space<hbm>> -> memref<1x640xf32, #tpu.memory_space<hbm>>
      %dma_wait3A_30 = tpu.memref_squeeze %dma_wait3A : memref<1x640xf32, #tpu.memory_space<hbm>> -> memref<640xf32, #tpu.memory_space<hbm>>
      %dma_wait3A_31 = tpu.memref_slice %arg3[%arg0, %mul3A_26] : memref<2x10240xf32, #tpu.memory_space<hbm>> -> memref<1x640xf32, #tpu.memory_space<hbm>>
      %dma_wait3A_32 = tpu.memref_squeeze %dma_wait3A_31 : memref<1x640xf32, #tpu.memory_space<hbm>> -> memref<640xf32, #tpu.memory_space<hbm>>
      tpu.wait_dma2 semaphore(%run_scoped3A : memref<!tpu.dma_semaphore, #tpu.memory_space<semaphore_mem>>) src(%arg6 : memref<640xf32, #tpu.memory_space<vmem>>) dst(%dma_wait3A_32 : memref<640xf32, #tpu.memory_space<hbm>>)
      tpu.yield
    }) : () -> ()
    return
  }
}

#map = affine_map<(d0, d1) -> (0, 0)>
module attributes {stable_mosaic.version = 14 : i64} {
  func.func @body(%arg0: i32, %arg1: i32, %arg2: memref<2560x128xi32, #tpu.memory_space<hbm>>, %arg3: memref<2560x128xi32, #tpu.memory_space<hbm>>, %arg4: memref<10000x128xf32, #tpu.memory_space<hbm>>, %arg5: memref<10240x128xf32, #tpu.memory_space<hbm>>, %arg6: memref<10240x128xf32, #tpu.memory_space<hbm>>, %arg7: memref<8x128xi32, #tpu.memory_space<vmem>>, %arg8: memref<8x128xi32, #tpu.memory_space<vmem>>, %arg9: memref<128x128xf32, #tpu.memory_space<vmem>>, %arg10: memref<128x128xf32, #tpu.memory_space<vmem>>, %arg11: memref<64x128xf32, #tpu.memory_space<vmem>>, %arg12: memref<10240x128xf32, #tpu.memory_space<vmem_shared>>, %arg13: memref<!tpu.dma_semaphore, #tpu.memory_space<semaphore_mem>>, %arg14: memref<!tpu.dma_semaphore, #tpu.memory_space<semaphore_mem>>) attributes {dimension_semantics = [#tpu.dimension_semantics<core_parallel>, #tpu.dimension_semantics<subcore_parallel>], iteration_bounds = array<i64: 2, 16>, scalar_prefetch = 0 : i64, scratch_operands = 8 : i64, tpu.core_type = #tpu.core_type<sc_vector_subcore>, window_params = [{transform_indices = #map}, {transform_indices = #map}, {transform_indices = #map}, {transform_indices = #map}, {transform_indices = #map}]} {
    %broadcast_in_dim3A = arith.constant 0.000000e+00 : f32
    %broadcast_in_dim3A_0 = vector.broadcast %broadcast_in_dim3A : f32 to vector<16xf32>
    %scan3A = arith.constant 0 : i32
    %scan3A_1 = arith.constant 0 : i32
    %scan3A_2 = arith.constant 64 : i32
    %scan3A_3 = arith.addi %scan3A_1, %scan3A_2 : i32
    %scan3A_4 = arith.constant 1 : i32
    scf.for %scan3A_39 = %scan3A_1 to %scan3A_3 step %scan3A_4  : i32 {
      %swap3A = arith.index_cast %scan3A_39 : i32 to index
      %swap3A_40 = arith.constant 0 : index
      %swap3A_41 = tpu.vector_load %arg11[%swap3A, %swap3A_40] {strides = array<i32>} : memref<64x128xf32, #tpu.memory_space<vmem>>, vector<1x16xf32>,
      %swap3A_42 = vector.shape_cast %swap3A_41 : vector<1x16xf32> to vector<16xf32>
      %swap3A_43 = vector.shape_cast %broadcast_in_dim3A_0 : vector<16xf32> to vector<1x16xf32>
      tpu.vector_store %arg11[%swap3A, %swap3A_40], %swap3A_43 {strides = array<i32>} : memref<64x128xf32, #tpu.memory_space<vmem>>, vector<1x16xf32>,
      %swap3A_44 = arith.index_cast %scan3A_39 : i32 to index
      %swap3A_45 = arith.constant 16 : index
      %swap3A_46 = tpu.vector_load %arg11[%swap3A_44, %swap3A_45] {strides = array<i32>} : memref<64x128xf32, #tpu.memory_space<vmem>>, vector<1x16xf32>,
      %swap3A_47 = vector.shape_cast %swap3A_46 : vector<1x16xf32> to vector<16xf32>
      %swap3A_48 = vector.shape_cast %broadcast_in_dim3A_0 : vector<16xf32> to vector<1x16xf32>
      tpu.vector_store %arg11[%swap3A_44, %swap3A_45], %swap3A_48 {strides = array<i32>} : memref<64x128xf32, #tpu.memory_space<vmem>>, vector<1x16xf32>,
      %swap3A_49 = arith.index_cast %scan3A_39 : i32 to index
      %swap3A_50 = arith.constant 32 : index
      %swap3A_51 = tpu.vector_load %arg11[%swap3A_49, %swap3A_50] {strides = array<i32>} : memref<64x128xf32, #tpu.memory_space<vmem>>, vector<1x16xf32>,
      %swap3A_52 = vector.shape_cast %swap3A_51 : vector<1x16xf32> to vector<16xf32>
      %swap3A_53 = vector.shape_cast %broadcast_in_dim3A_0 : vector<16xf32> to vector<1x16xf32>
      tpu.vector_store %arg11[%swap3A_49, %swap3A_50], %swap3A_53 {strides = array<i32>} : memref<64x128xf32, #tpu.memory_space<vmem>>, vector<1x16xf32>,
      %swap3A_54 = arith.index_cast %scan3A_39 : i32 to index
      %swap3A_55 = arith.constant 48 : index
      %swap3A_56 = tpu.vector_load %arg11[%swap3A_54, %swap3A_55] {strides = array<i32>} : memref<64x128xf32, #tpu.memory_space<vmem>>, vector<1x16xf32>,
      %swap3A_57 = vector.shape_cast %swap3A_56 : vector<1x16xf32> to vector<16xf32>
      %swap3A_58 = vector.shape_cast %broadcast_in_dim3A_0 : vector<16xf32> to vector<1x16xf32>
      tpu.vector_store %arg11[%swap3A_54, %swap3A_55], %swap3A_58 {strides = array<i32>} : memref<64x128xf32, #tpu.memory_space<vmem>>, vector<1x16xf32>,
      %swap3A_59 = arith.index_cast %scan3A_39 : i32 to index
      %swap3A_60 = arith.constant 64 : index
      %swap3A_61 = tpu.vector_load %arg11[%swap3A_59, %swap3A_60] {strides = array<i32>} : memref<64x128xf32, #tpu.memory_space<vmem>>, vector<1x16xf32>,
      %swap3A_62 = vector.shape_cast %swap3A_61 : vector<1x16xf32> to vector<16xf32>
      %swap3A_63 = vector.shape_cast %broadcast_in_dim3A_0 : vector<16xf32> to vector<1x16xf32>
      tpu.vector_store %arg11[%swap3A_59, %swap3A_60], %swap3A_63 {strides = array<i32>} : memref<64x128xf32, #tpu.memory_space<vmem>>, vector<1x16xf32>,
      %swap3A_64 = arith.index_cast %scan3A_39 : i32 to index
      %swap3A_65 = arith.constant 80 : index
      %swap3A_66 = tpu.vector_load %arg11[%swap3A_64, %swap3A_65] {strides = array<i32>} : memref<64x128xf32, #tpu.memory_space<vmem>>, vector<1x16xf32>,
      %swap3A_67 = vector.shape_cast %swap3A_66 : vector<1x16xf32> to vector<16xf32>
      %swap3A_68 = vector.shape_cast %broadcast_in_dim3A_0 : vector<16xf32> to vector<1x16xf32>
      tpu.vector_store %arg11[%swap3A_64, %swap3A_65], %swap3A_68 {strides = array<i32>} : memref<64x128xf32, #tpu.memory_space<vmem>>, vector<1x16xf32>,
      %swap3A_69 = arith.index_cast %scan3A_39 : i32 to index
      %swap3A_70 = arith.constant 96 : index
      %swap3A_71 = tpu.vector_load %arg11[%swap3A_69, %swap3A_70] {strides = array<i32>} : memref<64x128xf32, #tpu.memory_space<vmem>>, vector<1x16xf32>,
      %swap3A_72 = vector.shape_cast %swap3A_71 : vector<1x16xf32> to vector<16xf32>
      %swap3A_73 = vector.shape_cast %broadcast_in_dim3A_0 : vector<16xf32> to vector<1x16xf32>
      tpu.vector_store %arg11[%swap3A_69, %swap3A_70], %swap3A_73 {strides = array<i32>} : memref<64x128xf32, #tpu.memory_space<vmem>>, vector<1x16xf32>,
      %swap3A_74 = arith.index_cast %scan3A_39 : i32 to index
      %swap3A_75 = arith.constant 112 : index
      %swap3A_76 = tpu.vector_load %arg11[%swap3A_74, %swap3A_75] {strides = array<i32>} : memref<64x128xf32, #tpu.memory_space<vmem>>, vector<1x16xf32>,
      %swap3A_77 = vector.shape_cast %swap3A_76 : vector<1x16xf32> to vector<16xf32>
      %swap3A_78 = vector.shape_cast %broadcast_in_dim3A_0 : vector<16xf32> to vector<1x16xf32>
      tpu.vector_store %arg11[%swap3A_74, %swap3A_75], %swap3A_78 {strides = array<i32>} : memref<64x128xf32, #tpu.memory_space<vmem>>, vector<1x16xf32>,
    }
    %scan3A_5 = arith.constant 64 : i32
    %scan3A_6 = arith.constant 0 : i32
    %scan3A_7 = arith.constant 0 : i32
    %scan3A_8 = arith.constant 10 : i32
    %scan3A_9 = arith.addi %scan3A_7, %scan3A_8 : i32
    %scan3A_10 = arith.constant 1 : i32
    scf.for %scan3A_39 = %scan3A_7 to %scan3A_9 step %scan3A_10  : i32 {
      %mul3A_40 = arith.constant 640 : i32
      %mul3A_41 = arith.muli %arg1, %mul3A_40 : i32
      %mul3A_42 = arith.constant 64 : i32
      %mul3A_43 = arith.muli %scan3A_39, %mul3A_42 : i32
      %add3A_44 = arith.addi %mul3A_41, %mul3A_43 : i32
      "tpu.region"() ({
        %run_scoped3A = tpu.sem_alloc : memref<!tpu.dma_semaphore, #tpu.memory_space<semaphore_mem>>
        %dma_start3A = arith.constant 0 : i32
        %dma_start3A_45 = tpu.memref_slice %arg12[%add3A_44, %dma_start3A] : memref<10240x128xf32, #tpu.memory_space<vmem_shared>> -> memref<64x128xf32, #tpu.memory_space<vmem_shared>>
        %dma_start3A_46 = arith.constant 0 : i32
        %dma_start3A_47 = tpu.memref_slice %arg12[%add3A_44, %dma_start3A_46] : memref<10240x128xf32, #tpu.memory_space<vmem_shared>> -> memref<64x128xf32, #tpu.memory_space<vmem_shared>>
        tpu.enqueue_dma source(%arg11 : memref<64x128xf32, #tpu.memory_space<vmem>>) target(%dma_start3A_47 : memref<64x128xf32, #tpu.memory_space<vmem_shared>>) target_semaphore(%run_scoped3A : memref<!tpu.dma_semaphore, #tpu.memory_space<semaphore_mem>>)
        %dma_wait3A = arith.constant 0 : i32
        %dma_wait3A_48 = tpu.memref_slice %arg12[%add3A_44, %dma_wait3A] : memref<10240x128xf32, #tpu.memory_space<vmem_shared>> -> memref<64x128xf32, #tpu.memory_space<vmem_shared>>
        %dma_wait3A_49 = arith.constant 0 : i32
        %dma_wait3A_50 = tpu.memref_slice %arg12[%add3A_44, %dma_wait3A_49] : memref<10240x128xf32, #tpu.memory_space<vmem_shared>> -> memref<64x128xf32, #tpu.memory_space<vmem_shared>>
        tpu.wait_dma2 semaphore(%run_scoped3A : memref<!tpu.dma_semaphore, #tpu.memory_space<semaphore_mem>>) src(%arg11 : memref<64x128xf32, #tpu.memory_space<vmem>>) dst(%dma_wait3A_50 : memref<64x128xf32, #tpu.memory_space<vmem_shared>>)
        tpu.yield
      }) : () -> ()
    }
    %scan3A_11 = arith.constant 10 : i32
    %barrier3A = arith.constant 0 : index
    tpu.barrier barrier_id(%barrier3A)
    %eq3A = arith.constant 0 : i32
    %eq3A_12 = arith.cmpi eq, %arg0, %eq3A : i32
    %jit3A = arith.constant 19 : i32
    %jit3A_13 = arith.constant 1 : i32
    %select_n3A = arith.select %eq3A_12, %jit3A, %jit3A_13 : i32
    %eq3A_14 = arith.constant 0 : i32
    %eq3A_15 = arith.cmpi eq, %arg0, %eq3A_14 : i32
    %mul3A = arith.constant 152 : i32
    %mul3A_16 = arith.muli %arg1, %mul3A : i32
    %mul3A_17 = arith.constant 8 : i32
    %mul3A_18 = arith.muli %arg1, %mul3A_17 : i32
    %add3A = arith.constant 2432 : i32
    %add3A_19 = arith.addi %add3A, %mul3A_18 : i32
    %select_n3A_20 = arith.select %eq3A_15, %mul3A_16, %add3A_19 : i32
    %while3A = arith.constant 0 : i32
    %while3A_21 = arith.constant 0 : i32
    %while3A_22 = arith.subi %select_n3A, %while3A_21 : i32
    %while3A_23 = arith.addi %while3A_21, %while3A_22 : i32
    %while3A_24 = arith.constant 1 : i32
    %while3A_25 = arith.divsi %while3A_22, %while3A_24 : i32
    %while3A_26 = arith.muli %while3A_25, %while3A_24 : i32
    %while3A_27 = arith.addi %while3A_21, %while3A_26 : i32
    %while3A_28 = arith.constant 1 : i32
    scf.for %while3A_39 = %while3A_21 to %while3A_27 step %while3A_28  : i32 {
      %mul3A_40 = arith.constant 8 : i32
      %mul3A_41 = arith.muli %while3A_39, %mul3A_40 : i32
      %add3A_42 = arith.addi %select_n3A_20, %mul3A_41 : i32
      "tpu.region"() ({
        %run_scoped3A_160 = tpu.sem_alloc : memref<!tpu.dma_semaphore, #tpu.memory_space<semaphore_mem>>
        %dma_start3A_161 = arith.constant 0 : i32
        %dma_start3A_162 = tpu.memref_slice %arg2[%add3A_42, %dma_start3A_161] : memref<2560x128xi32, #tpu.memory_space<hbm>> -> memref<8x128xi32, #tpu.memory_space<hbm>>
        %dma_start3A_163 = arith.constant 0 : i32
        %dma_start3A_164 = tpu.memref_slice %arg2[%add3A_42, %dma_start3A_163] : memref<2560x128xi32, #tpu.memory_space<hbm>> -> memref<8x128xi32, #tpu.memory_space<hbm>>
        tpu.enqueue_dma source(%dma_start3A_164 : memref<8x128xi32, #tpu.memory_space<hbm>>) target(%arg7 : memref<8x128xi32, #tpu.memory_space<vmem>>) target_semaphore(%run_scoped3A_160 : memref<!tpu.dma_semaphore, #tpu.memory_space<semaphore_mem>>)
        %dma_wait3A_165 = arith.constant 0 : i32
        %dma_wait3A_166 = tpu.memref_slice %arg2[%add3A_42, %dma_wait3A_165] : memref<2560x128xi32, #tpu.memory_space<hbm>> -> memref<8x128xi32, #tpu.memory_space<hbm>>
        %dma_wait3A_167 = arith.constant 0 : i32
        %dma_wait3A_168 = tpu.memref_slice %arg2[%add3A_42, %dma_wait3A_167] : memref<2560x128xi32, #tpu.memory_space<hbm>> -> memref<8x128xi32, #tpu.memory_space<hbm>>
        tpu.wait_dma2 semaphore(%run_scoped3A_160 : memref<!tpu.dma_semaphore, #tpu.memory_space<semaphore_mem>>) src(%dma_wait3A_168 : memref<8x128xi32, #tpu.memory_space<hbm>>) dst(%arg7 : memref<8x128xi32, #tpu.memory_space<vmem>>)
        tpu.yield
      }) : () -> ()
      "tpu.region"() ({
        %run_scoped3A_160 = tpu.sem_alloc : memref<!tpu.dma_semaphore, #tpu.memory_space<semaphore_mem>>
        %dma_start3A_161 = arith.constant 0 : i32
        %dma_start3A_162 = tpu.memref_slice %arg3[%add3A_42, %dma_start3A_161] : memref<2560x128xi32, #tpu.memory_space<hbm>> -> memref<8x128xi32, #tpu.memory_space<hbm>>
        %dma_start3A_163 = arith.constant 0 : i32
        %dma_start3A_164 = tpu.memref_slice %arg3[%add3A_42, %dma_start3A_163] : memref<2560x128xi32, #tpu.memory_space<hbm>> -> memref<8x128xi32, #tpu.memory_space<hbm>>
        tpu.enqueue_dma source(%dma_start3A_164 : memref<8x128xi32, #tpu.memory_space<hbm>>) target(%arg8 : memref<8x128xi32, #tpu.memory_space<vmem>>) target_semaphore(%run_scoped3A_160 : memref<!tpu.dma_semaphore, #tpu.memory_space<semaphore_mem>>)
        %dma_wait3A_165 = arith.constant 0 : i32
        %dma_wait3A_166 = tpu.memref_slice %arg3[%add3A_42, %dma_wait3A_165] : memref<2560x128xi32, #tpu.memory_space<hbm>> -> memref<8x128xi32, #tpu.memory_space<hbm>>
        %dma_wait3A_167 = arith.constant 0 : i32
        %dma_wait3A_168 = tpu.memref_slice %arg3[%add3A_42, %dma_wait3A_167] : memref<2560x128xi32, #tpu.memory_space<hbm>> -> memref<8x128xi32, #tpu.memory_space<hbm>>
        tpu.wait_dma2 semaphore(%run_scoped3A_160 : memref<!tpu.dma_semaphore, #tpu.memory_space<semaphore_mem>>) src(%dma_wait3A_168 : memref<8x128xi32, #tpu.memory_space<hbm>>) dst(%arg8 : memref<8x128xi32, #tpu.memory_space<vmem>>)
        tpu.yield
      }) : () -> ()
      %dma_start3A = arith.constant 0 : i32
      %dma_start3A_43 = arith.constant 0 : i32
      %dma_start3A_44 = tpu.memref_slice %arg7[%dma_start3A, %dma_start3A_43] : memref<8x128xi32, #tpu.memory_space<vmem>> -> memref<1x128xi32, #tpu.memory_space<vmem>>
      %dma_start3A_45 = tpu.memref_squeeze %dma_start3A_44 : memref<1x128xi32, #tpu.memory_space<vmem>> -> memref<128xi32, #tpu.memory_space<vmem>>
      %dma_start3A_46 = arith.constant 0 : i32
      %dma_start3A_47 = arith.constant 0 : i32
      %dma_start3A_48 = tpu.memref_slice %arg4[%dma_start3A_46, %dma_start3A_47] : memref<10000x128xf32, #tpu.memory_space<hbm>> -> memref<10000x128xf32, #tpu.memory_space<hbm>>
      tpu.enqueue_indirect_dma source(%dma_start3A_48 : memref<10000x128xf32, #tpu.memory_space<hbm>>) target(%arg9 : memref<128x128xf32, #tpu.memory_space<vmem>>) offsets(%dma_start3A_45 : memref<128xi32, #tpu.memory_space<vmem>>) semaphore(%arg13 : memref<!tpu.dma_semaphore, #tpu.memory_space<semaphore_mem>>)
      %dma_start3A_49 = arith.constant 1 : i32
      %dma_start3A_50 = arith.constant 0 : i32
      %dma_start3A_51 = tpu.memref_slice %arg7[%dma_start3A_49, %dma_start3A_50] : memref<8x128xi32, #tpu.memory_space<vmem>> -> memref<1x128xi32, #tpu.memory_space<vmem>>
      %dma_start3A_52 = tpu.memref_squeeze %dma_start3A_51 : memref<1x128xi32, #tpu.memory_space<vmem>> -> memref<128xi32, #tpu.memory_space<vmem>>
      %dma_start3A_53 = arith.constant 0 : i32
      %dma_start3A_54 = arith.constant 0 : i32
      %dma_start3A_55 = tpu.memref_slice %arg4[%dma_start3A_53, %dma_start3A_54] : memref<10000x128xf32, #tpu.memory_space<hbm>> -> memref<10000x128xf32, #tpu.memory_space<hbm>>
      tpu.enqueue_indirect_dma source(%dma_start3A_55 : memref<10000x128xf32, #tpu.memory_space<hbm>>) target(%arg10 : memref<128x128xf32, #tpu.memory_space<vmem>>) offsets(%dma_start3A_52 : memref<128xi32, #tpu.memory_space<vmem>>) semaphore(%arg14 : memref<!tpu.dma_semaphore, #tpu.memory_space<semaphore_mem>>)
      %dma_wait3A = arith.constant 0 : i32
      %dma_wait3A_56 = arith.constant 0 : i32
      %dma_wait3A_57 = tpu.memref_slice %arg7[%dma_wait3A, %dma_wait3A_56] : memref<8x128xi32, #tpu.memory_space<vmem>> -> memref<1x128xi32, #tpu.memory_space<vmem>>
      %dma_wait3A_58 = tpu.memref_squeeze %dma_wait3A_57 : memref<1x128xi32, #tpu.memory_space<vmem>> -> memref<128xi32, #tpu.memory_space<vmem>>
      %dma_wait3A_59 = arith.constant 0 : i32
      %dma_wait3A_60 = arith.constant 0 : i32
      %dma_wait3A_61 = tpu.memref_slice %arg4[%dma_wait3A_59, %dma_wait3A_60] : memref<10000x128xf32, #tpu.memory_space<hbm>> -> memref<10000x128xf32, #tpu.memory_space<hbm>>
      tpu.wait_indirect_dma semaphore(%arg13 : memref<!tpu.dma_semaphore, #tpu.memory_space<semaphore_mem>>) src(%dma_wait3A_61 : memref<10000x128xf32, #tpu.memory_space<hbm>>) dst(%arg9 : memref<128x128xf32, #tpu.memory_space<vmem>>)
      %run_scoped3A = arith.constant 0 : i32
      "tpu.region"() ({
        %run_scoped3A_160 = tpu.sem_alloc : memref<!tpu.dma_semaphore, #tpu.memory_space<semaphore_mem>>
        %dma_start3A_161 = arith.constant 0 : i32
        %dma_start3A_162 = tpu.memref_slice %arg8[%run_scoped3A, %dma_start3A_161] : memref<8x128xi32, #tpu.memory_space<vmem>> -> memref<1x128xi32, #tpu.memory_space<vmem>>
        %dma_start3A_163 = tpu.memref_squeeze %dma_start3A_162 : memref<1x128xi32, #tpu.memory_space<vmem>> -> memref<128xi32, #tpu.memory_space<vmem>>
        %dma_start3A_164 = arith.constant 0 : i32
        %dma_start3A_165 = arith.constant 0 : i32
        %dma_start3A_166 = tpu.memref_slice %arg12[%dma_start3A_164, %dma_start3A_165] : memref<10240x128xf32, #tpu.memory_space<vmem_shared>> -> memref<10240x128xf32, #tpu.memory_space<vmem_shared>>
        tpu.enqueue_indirect_dma source(%arg9 : memref<128x128xf32, #tpu.memory_space<vmem>>) target(%dma_start3A_166 : memref<10240x128xf32, #tpu.memory_space<vmem_shared>>) offsets(%dma_start3A_163 : memref<128xi32, #tpu.memory_space<vmem>>) semaphore(%run_scoped3A_160 : memref<!tpu.dma_semaphore, #tpu.memory_space<semaphore_mem>>) {add = true}
        %dma_wait3A_167 = arith.constant 0 : i32
        %dma_wait3A_168 = tpu.memref_slice %arg8[%run_scoped3A, %dma_wait3A_167] : memref<8x128xi32, #tpu.memory_space<vmem>> -> memref<1x128xi32, #tpu.memory_space<vmem>>
        %dma_wait3A_169 = tpu.memref_squeeze %dma_wait3A_168 : memref<1x128xi32, #tpu.memory_space<vmem>> -> memref<128xi32, #tpu.memory_space<vmem>>
        %dma_wait3A_170 = arith.constant 0 : i32
        %dma_wait3A_171 = arith.constant 0 : i32
        %dma_wait3A_172 = tpu.memref_slice %arg12[%dma_wait3A_170, %dma_wait3A_171] : memref<10240x128xf32, #tpu.memory_space<vmem_shared>> -> memref<10240x128xf32, #tpu.memory_space<vmem_shared>>
        tpu.wait_indirect_dma semaphore(%run_scoped3A_160 : memref<!tpu.dma_semaphore, #tpu.memory_space<semaphore_mem>>) src(%arg9 : memref<128x128xf32, #tpu.memory_space<vmem>>) dst(%dma_wait3A_172 : memref<10240x128xf32, #tpu.memory_space<vmem_shared>>)
        tpu.yield
      }) : () -> ()
      %dma_start3A_62 = arith.constant 2 : i32
      %dma_start3A_63 = arith.constant 0 : i32
      %dma_start3A_64 = tpu.memref_slice %arg7[%dma_start3A_62, %dma_start3A_63] : memref<8x128xi32, #tpu.memory_space<vmem>> -> memref<1x128xi32, #tpu.memory_space<vmem>>
      %dma_start3A_65 = tpu.memref_squeeze %dma_start3A_64 : memref<1x128xi32, #tpu.memory_space<vmem>> -> memref<128xi32, #tpu.memory_space<vmem>>
      %dma_start3A_66 = arith.constant 0 : i32
      %dma_start3A_67 = arith.constant 0 : i32
      %dma_start3A_68 = tpu.memref_slice %arg4[%dma_start3A_66, %dma_start3A_67] : memref<10000x128xf32, #tpu.memory_space<hbm>> -> memref<10000x128xf32, #tpu.memory_space<hbm>>
      tpu.enqueue_indirect_dma source(%dma_start3A_68 : memref<10000x128xf32, #tpu.memory_space<hbm>>) target(%arg9 : memref<128x128xf32, #tpu.memory_space<vmem>>) offsets(%dma_start3A_65 : memref<128xi32, #tpu.memory_space<vmem>>) semaphore(%arg13 : memref<!tpu.dma_semaphore, #tpu.memory_space<semaphore_mem>>)
      %dma_wait3A_69 = arith.constant 1 : i32
      %dma_wait3A_70 = arith.constant 0 : i32
      %dma_wait3A_71 = tpu.memref_slice %arg7[%dma_wait3A_69, %dma_wait3A_70] : memref<8x128xi32, #tpu.memory_space<vmem>> -> memref<1x128xi32, #tpu.memory_space<vmem>>
      %dma_wait3A_72 = tpu.memref_squeeze %dma_wait3A_71 : memref<1x128xi32, #tpu.memory_space<vmem>> -> memref<128xi32, #tpu.memory_space<vmem>>
      %dma_wait3A_73 = arith.constant 0 : i32
      %dma_wait3A_74 = arith.constant 0 : i32
      %dma_wait3A_75 = tpu.memref_slice %arg4[%dma_wait3A_73, %dma_wait3A_74] : memref<10000x128xf32, #tpu.memory_space<hbm>> -> memref<10000x128xf32, #tpu.memory_space<hbm>>
      tpu.wait_indirect_dma semaphore(%arg14 : memref<!tpu.dma_semaphore, #tpu.memory_space<semaphore_mem>>) src(%dma_wait3A_75 : memref<10000x128xf32, #tpu.memory_space<hbm>>) dst(%arg10 : memref<128x128xf32, #tpu.memory_space<vmem>>)
      %run_scoped3A_76 = arith.constant 1 : i32
      "tpu.region"() ({
        %run_scoped3A_160 = tpu.sem_alloc : memref<!tpu.dma_semaphore, #tpu.memory_space<semaphore_mem>>
        %dma_start3A_161 = arith.constant 0 : i32
        %dma_start3A_162 = tpu.memref_slice %arg8[%run_scoped3A_76, %dma_start3A_161] : memref<8x128xi32, #tpu.memory_space<vmem>> -> memref<1x128xi32, #tpu.memory_space<vmem>>
        %dma_start3A_163 = tpu.memref_squeeze %dma_start3A_162 : memref<1x128xi32, #tpu.memory_space<vmem>> -> memref<128xi32, #tpu.memory_space<vmem>>
        %dma_start3A_164 = arith.constant 0 : i32
        %dma_start3A_165 = arith.constant 0 : i32
        %dma_start3A_166 = tpu.memref_slice %arg12[%dma_start3A_164, %dma_start3A_165] : memref<10240x128xf32, #tpu.memory_space<vmem_shared>> -> memref<10240x128xf32, #tpu.memory_space<vmem_shared>>
        tpu.enqueue_indirect_dma source(%arg10 : memref<128x128xf32, #tpu.memory_space<vmem>>) target(%dma_start3A_166 : memref<10240x128xf32, #tpu.memory_space<vmem_shared>>) offsets(%dma_start3A_163 : memref<128xi32, #tpu.memory_space<vmem>>) semaphore(%run_scoped3A_160 : memref<!tpu.dma_semaphore, #tpu.memory_space<semaphore_mem>>) {add = true}
        %dma_wait3A_167 = arith.constant 0 : i32
        %dma_wait3A_168 = tpu.memref_slice %arg8[%run_scoped3A_76, %dma_wait3A_167] : memref<8x128xi32, #tpu.memory_space<vmem>> -> memref<1x128xi32, #tpu.memory_space<vmem>>
        %dma_wait3A_169 = tpu.memref_squeeze %dma_wait3A_168 : memref<1x128xi32, #tpu.memory_space<vmem>> -> memref<128xi32, #tpu.memory_space<vmem>>
        %dma_wait3A_170 = arith.constant 0 : i32
        %dma_wait3A_171 = arith.constant 0 : i32
        %dma_wait3A_172 = tpu.memref_slice %arg12[%dma_wait3A_170, %dma_wait3A_171] : memref<10240x128xf32, #tpu.memory_space<vmem_shared>> -> memref<10240x128xf32, #tpu.memory_space<vmem_shared>>
        tpu.wait_indirect_dma semaphore(%run_scoped3A_160 : memref<!tpu.dma_semaphore, #tpu.memory_space<semaphore_mem>>) src(%arg10 : memref<128x128xf32, #tpu.memory_space<vmem>>) dst(%dma_wait3A_172 : memref<10240x128xf32, #tpu.memory_space<vmem_shared>>)
        tpu.yield
      }) : () -> ()
      %dma_start3A_77 = arith.constant 3 : i32
      %dma_start3A_78 = arith.constant 0 : i32
      %dma_start3A_79 = tpu.memref_slice %arg7[%dma_start3A_77, %dma_start3A_78] : memref<8x128xi32, #tpu.memory_space<vmem>> -> memref<1x128xi32, #tpu.memory_space<vmem>>
      %dma_start3A_80 = tpu.memref_squeeze %dma_start3A_79 : memref<1x128xi32, #tpu.memory_space<vmem>> -> memref<128xi32, #tpu.memory_space<vmem>>
      %dma_start3A_81 = arith.constant 0 : i32
      %dma_start3A_82 = arith.constant 0 : i32
      %dma_start3A_83 = tpu.memref_slice %arg4[%dma_start3A_81, %dma_start3A_82] : memref<10000x128xf32, #tpu.memory_space<hbm>> -> memref<10000x128xf32, #tpu.memory_space<hbm>>
      tpu.enqueue_indirect_dma source(%dma_start3A_83 : memref<10000x128xf32, #tpu.memory_space<hbm>>) target(%arg10 : memref<128x128xf32, #tpu.memory_space<vmem>>) offsets(%dma_start3A_80 : memref<128xi32, #tpu.memory_space<vmem>>) semaphore(%arg14 : memref<!tpu.dma_semaphore, #tpu.memory_space<semaphore_mem>>)
      %dma_wait3A_84 = arith.constant 2 : i32
      %dma_wait3A_85 = arith.constant 0 : i32
      %dma_wait3A_86 = tpu.memref_slice %arg7[%dma_wait3A_84, %dma_wait3A_85] : memref<8x128xi32, #tpu.memory_space<vmem>> -> memref<1x128xi32, #tpu.memory_space<vmem>>
      %dma_wait3A_87 = tpu.memref_squeeze %dma_wait3A_86 : memref<1x128xi32, #tpu.memory_space<vmem>> -> memref<128xi32, #tpu.memory_space<vmem>>
      %dma_wait3A_88 = arith.constant 0 : i32
      %dma_wait3A_89 = arith.constant 0 : i32
      %dma_wait3A_90 = tpu.memref_slice %arg4[%dma_wait3A_88, %dma_wait3A_89] : memref<10000x128xf32, #tpu.memory_space<hbm>> -> memref<10000x128xf32, #tpu.memory_space<hbm>>
      tpu.wait_indirect_dma semaphore(%arg13 : memref<!tpu.dma_semaphore, #tpu.memory_space<semaphore_mem>>) src(%dma_wait3A_90 : memref<10000x128xf32, #tpu.memory_space<hbm>>) dst(%arg9 : memref<128x128xf32, #tpu.memory_space<vmem>>)
      %run_scoped3A_91 = arith.constant 2 : i32
      "tpu.region"() ({
        %run_scoped3A_160 = tpu.sem_alloc : memref<!tpu.dma_semaphore, #tpu.memory_space<semaphore_mem>>
        %dma_start3A_161 = arith.constant 0 : i32
        %dma_start3A_162 = tpu.memref_slice %arg8[%run_scoped3A_91, %dma_start3A_161] : memref<8x128xi32, #tpu.memory_space<vmem>> -> memref<1x128xi32, #tpu.memory_space<vmem>>
        %dma_start3A_163 = tpu.memref_squeeze %dma_start3A_162 : memref<1x128xi32, #tpu.memory_space<vmem>> -> memref<128xi32, #tpu.memory_space<vmem>>
        %dma_start3A_164 = arith.constant 0 : i32
        %dma_start3A_165 = arith.constant 0 : i32
        %dma_start3A_166 = tpu.memref_slice %arg12[%dma_start3A_164, %dma_start3A_165] : memref<10240x128xf32, #tpu.memory_space<vmem_shared>> -> memref<10240x128xf32, #tpu.memory_space<vmem_shared>>
        tpu.enqueue_indirect_dma source(%arg9 : memref<128x128xf32, #tpu.memory_space<vmem>>) target(%dma_start3A_166 : memref<10240x128xf32, #tpu.memory_space<vmem_shared>>) offsets(%dma_start3A_163 : memref<128xi32, #tpu.memory_space<vmem>>) semaphore(%run_scoped3A_160 : memref<!tpu.dma_semaphore, #tpu.memory_space<semaphore_mem>>) {add = true}
        %dma_wait3A_167 = arith.constant 0 : i32
        %dma_wait3A_168 = tpu.memref_slice %arg8[%run_scoped3A_91, %dma_wait3A_167] : memref<8x128xi32, #tpu.memory_space<vmem>> -> memref<1x128xi32, #tpu.memory_space<vmem>>
        %dma_wait3A_169 = tpu.memref_squeeze %dma_wait3A_168 : memref<1x128xi32, #tpu.memory_space<vmem>> -> memref<128xi32, #tpu.memory_space<vmem>>
        %dma_wait3A_170 = arith.constant 0 : i32
        %dma_wait3A_171 = arith.constant 0 : i32
        %dma_wait3A_172 = tpu.memref_slice %arg12[%dma_wait3A_170, %dma_wait3A_171] : memref<10240x128xf32, #tpu.memory_space<vmem_shared>> -> memref<10240x128xf32, #tpu.memory_space<vmem_shared>>
        tpu.wait_indirect_dma semaphore(%run_scoped3A_160 : memref<!tpu.dma_semaphore, #tpu.memory_space<semaphore_mem>>) src(%arg9 : memref<128x128xf32, #tpu.memory_space<vmem>>) dst(%dma_wait3A_172 : memref<10240x128xf32, #tpu.memory_space<vmem_shared>>)
        tpu.yield
      }) : () -> ()
      %dma_start3A_92 = arith.constant 4 : i32
      %dma_start3A_93 = arith.constant 0 : i32
      %dma_start3A_94 = tpu.memref_slice %arg7[%dma_start3A_92, %dma_start3A_93] : memref<8x128xi32, #tpu.memory_space<vmem>> -> memref<1x128xi32, #tpu.memory_space<vmem>>
      %dma_start3A_95 = tpu.memref_squeeze %dma_start3A_94 : memref<1x128xi32, #tpu.memory_space<vmem>> -> memref<128xi32, #tpu.memory_space<vmem>>
      %dma_start3A_96 = arith.constant 0 : i32
      %dma_start3A_97 = arith.constant 0 : i32
      %dma_start3A_98 = tpu.memref_slice %arg4[%dma_start3A_96, %dma_start3A_97] : memref<10000x128xf32, #tpu.memory_space<hbm>> -> memref<10000x128xf32, #tpu.memory_space<hbm>>
      tpu.enqueue_indirect_dma source(%dma_start3A_98 : memref<10000x128xf32, #tpu.memory_space<hbm>>) target(%arg9 : memref<128x128xf32, #tpu.memory_space<vmem>>) offsets(%dma_start3A_95 : memref<128xi32, #tpu.memory_space<vmem>>) semaphore(%arg13 : memref<!tpu.dma_semaphore, #tpu.memory_space<semaphore_mem>>)
      %dma_wait3A_99 = arith.constant 3 : i32
      %dma_wait3A_100 = arith.constant 0 : i32
      %dma_wait3A_101 = tpu.memref_slice %arg7[%dma_wait3A_99, %dma_wait3A_100] : memref<8x128xi32, #tpu.memory_space<vmem>> -> memref<1x128xi32, #tpu.memory_space<vmem>>
      %dma_wait3A_102 = tpu.memref_squeeze %dma_wait3A_101 : memref<1x128xi32, #tpu.memory_space<vmem>> -> memref<128xi32, #tpu.memory_space<vmem>>
      %dma_wait3A_103 = arith.constant 0 : i32
      %dma_wait3A_104 = arith.constant 0 : i32
      %dma_wait3A_105 = tpu.memref_slice %arg4[%dma_wait3A_103, %dma_wait3A_104] : memref<10000x128xf32, #tpu.memory_space<hbm>> -> memref<10000x128xf32, #tpu.memory_space<hbm>>
      tpu.wait_indirect_dma semaphore(%arg14 : memref<!tpu.dma_semaphore, #tpu.memory_space<semaphore_mem>>) src(%dma_wait3A_105 : memref<10000x128xf32, #tpu.memory_space<hbm>>) dst(%arg10 : memref<128x128xf32, #tpu.memory_space<vmem>>)
      %run_scoped3A_106 = arith.constant 3 : i32
      "tpu.region"() ({
        %run_scoped3A_160 = tpu.sem_alloc : memref<!tpu.dma_semaphore, #tpu.memory_space<semaphore_mem>>
        %dma_start3A_161 = arith.constant 0 : i32
        %dma_start3A_162 = tpu.memref_slice %arg8[%run_scoped3A_106, %dma_start3A_161] : memref<8x128xi32, #tpu.memory_space<vmem>> -> memref<1x128xi32, #tpu.memory_space<vmem>>
        %dma_start3A_163 = tpu.memref_squeeze %dma_start3A_162 : memref<1x128xi32, #tpu.memory_space<vmem>> -> memref<128xi32, #tpu.memory_space<vmem>>
        %dma_start3A_164 = arith.constant 0 : i32
        %dma_start3A_165 = arith.constant 0 : i32
        %dma_start3A_166 = tpu.memref_slice %arg12[%dma_start3A_164, %dma_start3A_165] : memref<10240x128xf32, #tpu.memory_space<vmem_shared>> -> memref<10240x128xf32, #tpu.memory_space<vmem_shared>>
        tpu.enqueue_indirect_dma source(%arg10 : memref<128x128xf32, #tpu.memory_space<vmem>>) target(%dma_start3A_166 : memref<10240x128xf32, #tpu.memory_space<vmem_shared>>) offsets(%dma_start3A_163 : memref<128xi32, #tpu.memory_space<vmem>>) semaphore(%run_scoped3A_160 : memref<!tpu.dma_semaphore, #tpu.memory_space<semaphore_mem>>) {add = true}
        %dma_wait3A_167 = arith.constant 0 : i32
        %dma_wait3A_168 = tpu.memref_slice %arg8[%run_scoped3A_106, %dma_wait3A_167] : memref<8x128xi32, #tpu.memory_space<vmem>> -> memref<1x128xi32, #tpu.memory_space<vmem>>
        %dma_wait3A_169 = tpu.memref_squeeze %dma_wait3A_168 : memref<1x128xi32, #tpu.memory_space<vmem>> -> memref<128xi32, #tpu.memory_space<vmem>>
        %dma_wait3A_170 = arith.constant 0 : i32
        %dma_wait3A_171 = arith.constant 0 : i32
        %dma_wait3A_172 = tpu.memref_slice %arg12[%dma_wait3A_170, %dma_wait3A_171] : memref<10240x128xf32, #tpu.memory_space<vmem_shared>> -> memref<10240x128xf32, #tpu.memory_space<vmem_shared>>
        tpu.wait_indirect_dma semaphore(%run_scoped3A_160 : memref<!tpu.dma_semaphore, #tpu.memory_space<semaphore_mem>>) src(%arg10 : memref<128x128xf32, #tpu.memory_space<vmem>>) dst(%dma_wait3A_172 : memref<10240x128xf32, #tpu.memory_space<vmem_shared>>)
        tpu.yield
      }) : () -> ()
      %dma_start3A_107 = arith.constant 5 : i32
      %dma_start3A_108 = arith.constant 0 : i32
      %dma_start3A_109 = tpu.memref_slice %arg7[%dma_start3A_107, %dma_start3A_108] : memref<8x128xi32, #tpu.memory_space<vmem>> -> memref<1x128xi32, #tpu.memory_space<vmem>>
      %dma_start3A_110 = tpu.memref_squeeze %dma_start3A_109 : memref<1x128xi32, #tpu.memory_space<vmem>> -> memref<128xi32, #tpu.memory_space<vmem>>
      %dma_start3A_111 = arith.constant 0 : i32
      %dma_start3A_112 = arith.constant 0 : i32
      %dma_start3A_113 = tpu.memref_slice %arg4[%dma_start3A_111, %dma_start3A_112] : memref<10000x128xf32, #tpu.memory_space<hbm>> -> memref<10000x128xf32, #tpu.memory_space<hbm>>
      tpu.enqueue_indirect_dma source(%dma_start3A_113 : memref<10000x128xf32, #tpu.memory_space<hbm>>) target(%arg10 : memref<128x128xf32, #tpu.memory_space<vmem>>) offsets(%dma_start3A_110 : memref<128xi32, #tpu.memory_space<vmem>>) semaphore(%arg14 : memref<!tpu.dma_semaphore, #tpu.memory_space<semaphore_mem>>)
      %dma_wait3A_114 = arith.constant 4 : i32
      %dma_wait3A_115 = arith.constant 0 : i32
      %dma_wait3A_116 = tpu.memref_slice %arg7[%dma_wait3A_114, %dma_wait3A_115] : memref<8x128xi32, #tpu.memory_space<vmem>> -> memref<1x128xi32, #tpu.memory_space<vmem>>
      %dma_wait3A_117 = tpu.memref_squeeze %dma_wait3A_116 : memref<1x128xi32, #tpu.memory_space<vmem>> -> memref<128xi32, #tpu.memory_space<vmem>>
      %dma_wait3A_118 = arith.constant 0 : i32
      %dma_wait3A_119 = arith.constant 0 : i32
      %dma_wait3A_120 = tpu.memref_slice %arg4[%dma_wait3A_118, %dma_wait3A_119] : memref<10000x128xf32, #tpu.memory_space<hbm>> -> memref<10000x128xf32, #tpu.memory_space<hbm>>
      tpu.wait_indirect_dma semaphore(%arg13 : memref<!tpu.dma_semaphore, #tpu.memory_space<semaphore_mem>>) src(%dma_wait3A_120 : memref<10000x128xf32, #tpu.memory_space<hbm>>) dst(%arg9 : memref<128x128xf32, #tpu.memory_space<vmem>>)
      %run_scoped3A_121 = arith.constant 4 : i32
      "tpu.region"() ({
        %run_scoped3A_160 = tpu.sem_alloc : memref<!tpu.dma_semaphore, #tpu.memory_space<semaphore_mem>>
        %dma_start3A_161 = arith.constant 0 : i32
        %dma_start3A_162 = tpu.memref_slice %arg8[%run_scoped3A_121, %dma_start3A_161] : memref<8x128xi32, #tpu.memory_space<vmem>> -> memref<1x128xi32, #tpu.memory_space<vmem>>
        %dma_start3A_163 = tpu.memref_squeeze %dma_start3A_162 : memref<1x128xi32, #tpu.memory_space<vmem>> -> memref<128xi32, #tpu.memory_space<vmem>>
        %dma_start3A_164 = arith.constant 0 : i32
        %dma_start3A_165 = arith.constant 0 : i32
        %dma_start3A_166 = tpu.memref_slice %arg12[%dma_start3A_164, %dma_start3A_165] : memref<10240x128xf32, #tpu.memory_space<vmem_shared>> -> memref<10240x128xf32, #tpu.memory_space<vmem_shared>>
        tpu.enqueue_indirect_dma source(%arg9 : memref<128x128xf32, #tpu.memory_space<vmem>>) target(%dma_start3A_166 : memref<10240x128xf32, #tpu.memory_space<vmem_shared>>) offsets(%dma_start3A_163 : memref<128xi32, #tpu.memory_space<vmem>>) semaphore(%run_scoped3A_160 : memref<!tpu.dma_semaphore, #tpu.memory_space<semaphore_mem>>) {add = true}
        %dma_wait3A_167 = arith.constant 0 : i32
        %dma_wait3A_168 = tpu.memref_slice %arg8[%run_scoped3A_121, %dma_wait3A_167] : memref<8x128xi32, #tpu.memory_space<vmem>> -> memref<1x128xi32, #tpu.memory_space<vmem>>
        %dma_wait3A_169 = tpu.memref_squeeze %dma_wait3A_168 : memref<1x128xi32, #tpu.memory_space<vmem>> -> memref<128xi32, #tpu.memory_space<vmem>>
        %dma_wait3A_170 = arith.constant 0 : i32
        %dma_wait3A_171 = arith.constant 0 : i32
        %dma_wait3A_172 = tpu.memref_slice %arg12[%dma_wait3A_170, %dma_wait3A_171] : memref<10240x128xf32, #tpu.memory_space<vmem_shared>> -> memref<10240x128xf32, #tpu.memory_space<vmem_shared>>
        tpu.wait_indirect_dma semaphore(%run_scoped3A_160 : memref<!tpu.dma_semaphore, #tpu.memory_space<semaphore_mem>>) src(%arg9 : memref<128x128xf32, #tpu.memory_space<vmem>>) dst(%dma_wait3A_172 : memref<10240x128xf32, #tpu.memory_space<vmem_shared>>)
        tpu.yield
      }) : () -> ()
      %dma_start3A_122 = arith.constant 6 : i32
      %dma_start3A_123 = arith.constant 0 : i32
      %dma_start3A_124 = tpu.memref_slice %arg7[%dma_start3A_122, %dma_start3A_123] : memref<8x128xi32, #tpu.memory_space<vmem>> -> memref<1x128xi32, #tpu.memory_space<vmem>>
      %dma_start3A_125 = tpu.memref_squeeze %dma_start3A_124 : memref<1x128xi32, #tpu.memory_space<vmem>> -> memref<128xi32, #tpu.memory_space<vmem>>
      %dma_start3A_126 = arith.constant 0 : i32
      %dma_start3A_127 = arith.constant 0 : i32
      %dma_start3A_128 = tpu.memref_slice %arg4[%dma_start3A_126, %dma_start3A_127] : memref<10000x128xf32, #tpu.memory_space<hbm>> -> memref<10000x128xf32, #tpu.memory_space<hbm>>
      tpu.enqueue_indirect_dma source(%dma_start3A_128 : memref<10000x128xf32, #tpu.memory_space<hbm>>) target(%arg9 : memref<128x128xf32, #tpu.memory_space<vmem>>) offsets(%dma_start3A_125 : memref<128xi32, #tpu.memory_space<vmem>>) semaphore(%arg13 : memref<!tpu.dma_semaphore, #tpu.memory_space<semaphore_mem>>)
      %dma_wait3A_129 = arith.constant 5 : i32
      %dma_wait3A_130 = arith.constant 0 : i32
      %dma_wait3A_131 = tpu.memref_slice %arg7[%dma_wait3A_129, %dma_wait3A_130] : memref<8x128xi32, #tpu.memory_space<vmem>> -> memref<1x128xi32, #tpu.memory_space<vmem>>
      %dma_wait3A_132 = tpu.memref_squeeze %dma_wait3A_131 : memref<1x128xi32, #tpu.memory_space<vmem>> -> memref<128xi32, #tpu.memory_space<vmem>>
      %dma_wait3A_133 = arith.constant 0 : i32
      %dma_wait3A_134 = arith.constant 0 : i32
      %dma_wait3A_135 = tpu.memref_slice %arg4[%dma_wait3A_133, %dma_wait3A_134] : memref<10000x128xf32, #tpu.memory_space<hbm>> -> memref<10000x128xf32, #tpu.memory_space<hbm>>
      tpu.wait_indirect_dma semaphore(%arg14 : memref<!tpu.dma_semaphore, #tpu.memory_space<semaphore_mem>>) src(%dma_wait3A_135 : memref<10000x128xf32, #tpu.memory_space<hbm>>) dst(%arg10 : memref<128x128xf32, #tpu.memory_space<vmem>>)
      %run_scoped3A_136 = arith.constant 5 : i32
      "tpu.region"() ({
        %run_scoped3A_160 = tpu.sem_alloc : memref<!tpu.dma_semaphore, #tpu.memory_space<semaphore_mem>>
        %dma_start3A_161 = arith.constant 0 : i32
        %dma_start3A_162 = tpu.memref_slice %arg8[%run_scoped3A_136, %dma_start3A_161] : memref<8x128xi32, #tpu.memory_space<vmem>> -> memref<1x128xi32, #tpu.memory_space<vmem>>
        %dma_start3A_163 = tpu.memref_squeeze %dma_start3A_162 : memref<1x128xi32, #tpu.memory_space<vmem>> -> memref<128xi32, #tpu.memory_space<vmem>>
        %dma_start3A_164 = arith.constant 0 : i32
        %dma_start3A_165 = arith.constant 0 : i32
        %dma_start3A_166 = tpu.memref_slice %arg12[%dma_start3A_164, %dma_start3A_165] : memref<10240x128xf32, #tpu.memory_space<vmem_shared>> -> memref<10240x128xf32, #tpu.memory_space<vmem_shared>>
        tpu.enqueue_indirect_dma source(%arg10 : memref<128x128xf32, #tpu.memory_space<vmem>>) target(%dma_start3A_166 : memref<10240x128xf32, #tpu.memory_space<vmem_shared>>) offsets(%dma_start3A_163 : memref<128xi32, #tpu.memory_space<vmem>>) semaphore(%run_scoped3A_160 : memref<!tpu.dma_semaphore, #tpu.memory_space<semaphore_mem>>) {add = true}
        %dma_wait3A_167 = arith.constant 0 : i32
        %dma_wait3A_168 = tpu.memref_slice %arg8[%run_scoped3A_136, %dma_wait3A_167] : memref<8x128xi32, #tpu.memory_space<vmem>> -> memref<1x128xi32, #tpu.memory_space<vmem>>
        %dma_wait3A_169 = tpu.memref_squeeze %dma_wait3A_168 : memref<1x128xi32, #tpu.memory_space<vmem>> -> memref<128xi32, #tpu.memory_space<vmem>>
        %dma_wait3A_170 = arith.constant 0 : i32
        %dma_wait3A_171 = arith.constant 0 : i32
        %dma_wait3A_172 = tpu.memref_slice %arg12[%dma_wait3A_170, %dma_wait3A_171] : memref<10240x128xf32, #tpu.memory_space<vmem_shared>> -> memref<10240x128xf32, #tpu.memory_space<vmem_shared>>
        tpu.wait_indirect_dma semaphore(%run_scoped3A_160 : memref<!tpu.dma_semaphore, #tpu.memory_space<semaphore_mem>>) src(%arg10 : memref<128x128xf32, #tpu.memory_space<vmem>>) dst(%dma_wait3A_172 : memref<10240x128xf32, #tpu.memory_space<vmem_shared>>)
        tpu.yield
      }) : () -> ()
      %dma_start3A_137 = arith.constant 7 : i32
      %dma_start3A_138 = arith.constant 0 : i32
      %dma_start3A_139 = tpu.memref_slice %arg7[%dma_start3A_137, %dma_start3A_138] : memref<8x128xi32, #tpu.memory_space<vmem>> -> memref<1x128xi32, #tpu.memory_space<vmem>>
      %dma_start3A_140 = tpu.memref_squeeze %dma_start3A_139 : memref<1x128xi32, #tpu.memory_space<vmem>> -> memref<128xi32, #tpu.memory_space<vmem>>
      %dma_start3A_141 = arith.constant 0 : i32
      %dma_start3A_142 = arith.constant 0 : i32
      %dma_start3A_143 = tpu.memref_slice %arg4[%dma_start3A_141, %dma_start3A_142] : memref<10000x128xf32, #tpu.memory_space<hbm>> -> memref<10000x128xf32, #tpu.memory_space<hbm>>
      tpu.enqueue_indirect_dma source(%dma_start3A_143 : memref<10000x128xf32, #tpu.memory_space<hbm>>) target(%arg10 : memref<128x128xf32, #tpu.memory_space<vmem>>) offsets(%dma_start3A_140 : memref<128xi32, #tpu.memory_space<vmem>>) semaphore(%arg14 : memref<!tpu.dma_semaphore, #tpu.memory_space<semaphore_mem>>)
      %dma_wait3A_144 = arith.constant 6 : i32
      %dma_wait3A_145 = arith.constant 0 : i32
      %dma_wait3A_146 = tpu.memref_slice %arg7[%dma_wait3A_144, %dma_wait3A_145] : memref<8x128xi32, #tpu.memory_space<vmem>> -> memref<1x128xi32, #tpu.memory_space<vmem>>
      %dma_wait3A_147 = tpu.memref_squeeze %dma_wait3A_146 : memref<1x128xi32, #tpu.memory_space<vmem>> -> memref<128xi32, #tpu.memory_space<vmem>>
      %dma_wait3A_148 = arith.constant 0 : i32
      %dma_wait3A_149 = arith.constant 0 : i32
      %dma_wait3A_150 = tpu.memref_slice %arg4[%dma_wait3A_148, %dma_wait3A_149] : memref<10000x128xf32, #tpu.memory_space<hbm>> -> memref<10000x128xf32, #tpu.memory_space<hbm>>
      tpu.wait_indirect_dma semaphore(%arg13 : memref<!tpu.dma_semaphore, #tpu.memory_space<semaphore_mem>>) src(%dma_wait3A_150 : memref<10000x128xf32, #tpu.memory_space<hbm>>) dst(%arg9 : memref<128x128xf32, #tpu.memory_space<vmem>>)
      %run_scoped3A_151 = arith.constant 6 : i32
      "tpu.region"() ({
        %run_scoped3A_160 = tpu.sem_alloc : memref<!tpu.dma_semaphore, #tpu.memory_space<semaphore_mem>>
        %dma_start3A_161 = arith.constant 0 : i32
        %dma_start3A_162 = tpu.memref_slice %arg8[%run_scoped3A_151, %dma_start3A_161] : memref<8x128xi32, #tpu.memory_space<vmem>> -> memref<1x128xi32, #tpu.memory_space<vmem>>
        %dma_start3A_163 = tpu.memref_squeeze %dma_start3A_162 : memref<1x128xi32, #tpu.memory_space<vmem>> -> memref<128xi32, #tpu.memory_space<vmem>>
        %dma_start3A_164 = arith.constant 0 : i32
        %dma_start3A_165 = arith.constant 0 : i32
        %dma_start3A_166 = tpu.memref_slice %arg12[%dma_start3A_164, %dma_start3A_165] : memref<10240x128xf32, #tpu.memory_space<vmem_shared>> -> memref<10240x128xf32, #tpu.memory_space<vmem_shared>>
        tpu.enqueue_indirect_dma source(%arg9 : memref<128x128xf32, #tpu.memory_space<vmem>>) target(%dma_start3A_166 : memref<10240x128xf32, #tpu.memory_space<vmem_shared>>) offsets(%dma_start3A_163 : memref<128xi32, #tpu.memory_space<vmem>>) semaphore(%run_scoped3A_160 : memref<!tpu.dma_semaphore, #tpu.memory_space<semaphore_mem>>) {add = true}
        %dma_wait3A_167 = arith.constant 0 : i32
        %dma_wait3A_168 = tpu.memref_slice %arg8[%run_scoped3A_151, %dma_wait3A_167] : memref<8x128xi32, #tpu.memory_space<vmem>> -> memref<1x128xi32, #tpu.memory_space<vmem>>
        %dma_wait3A_169 = tpu.memref_squeeze %dma_wait3A_168 : memref<1x128xi32, #tpu.memory_space<vmem>> -> memref<128xi32, #tpu.memory_space<vmem>>
        %dma_wait3A_170 = arith.constant 0 : i32
        %dma_wait3A_171 = arith.constant 0 : i32
        %dma_wait3A_172 = tpu.memref_slice %arg12[%dma_wait3A_170, %dma_wait3A_171] : memref<10240x128xf32, #tpu.memory_space<vmem_shared>> -> memref<10240x128xf32, #tpu.memory_space<vmem_shared>>
        tpu.wait_indirect_dma semaphore(%run_scoped3A_160 : memref<!tpu.dma_semaphore, #tpu.memory_space<semaphore_mem>>) src(%arg9 : memref<128x128xf32, #tpu.memory_space<vmem>>) dst(%dma_wait3A_172 : memref<10240x128xf32, #tpu.memory_space<vmem_shared>>)
        tpu.yield
      }) : () -> ()
      %dma_wait3A_152 = arith.constant 7 : i32
      %dma_wait3A_153 = arith.constant 0 : i32
      %dma_wait3A_154 = tpu.memref_slice %arg7[%dma_wait3A_152, %dma_wait3A_153] : memref<8x128xi32, #tpu.memory_space<vmem>> -> memref<1x128xi32, #tpu.memory_space<vmem>>
      %dma_wait3A_155 = tpu.memref_squeeze %dma_wait3A_154 : memref<1x128xi32, #tpu.memory_space<vmem>> -> memref<128xi32, #tpu.memory_space<vmem>>
      %dma_wait3A_156 = arith.constant 0 : i32
      %dma_wait3A_157 = arith.constant 0 : i32
      %dma_wait3A_158 = tpu.memref_slice %arg4[%dma_wait3A_156, %dma_wait3A_157] : memref<10000x128xf32, #tpu.memory_space<hbm>> -> memref<10000x128xf32, #tpu.memory_space<hbm>>
      tpu.wait_indirect_dma semaphore(%arg14 : memref<!tpu.dma_semaphore, #tpu.memory_space<semaphore_mem>>) src(%dma_wait3A_158 : memref<10000x128xf32, #tpu.memory_space<hbm>>) dst(%arg10 : memref<128x128xf32, #tpu.memory_space<vmem>>)
      %run_scoped3A_159 = arith.constant 7 : i32
      "tpu.region"() ({
        %run_scoped3A_160 = tpu.sem_alloc : memref<!tpu.dma_semaphore, #tpu.memory_space<semaphore_mem>>
        %dma_start3A_161 = arith.constant 0 : i32
        %dma_start3A_162 = tpu.memref_slice %arg8[%run_scoped3A_159, %dma_start3A_161] : memref<8x128xi32, #tpu.memory_space<vmem>> -> memref<1x128xi32, #tpu.memory_space<vmem>>
        %dma_start3A_163 = tpu.memref_squeeze %dma_start3A_162 : memref<1x128xi32, #tpu.memory_space<vmem>> -> memref<128xi32, #tpu.memory_space<vmem>>
        %dma_start3A_164 = arith.constant 0 : i32
        %dma_start3A_165 = arith.constant 0 : i32
        %dma_start3A_166 = tpu.memref_slice %arg12[%dma_start3A_164, %dma_start3A_165] : memref<10240x128xf32, #tpu.memory_space<vmem_shared>> -> memref<10240x128xf32, #tpu.memory_space<vmem_shared>>
        tpu.enqueue_indirect_dma source(%arg10 : memref<128x128xf32, #tpu.memory_space<vmem>>) target(%dma_start3A_166 : memref<10240x128xf32, #tpu.memory_space<vmem_shared>>) offsets(%dma_start3A_163 : memref<128xi32, #tpu.memory_space<vmem>>) semaphore(%run_scoped3A_160 : memref<!tpu.dma_semaphore, #tpu.memory_space<semaphore_mem>>) {add = true}
        %dma_wait3A_167 = arith.constant 0 : i32
        %dma_wait3A_168 = tpu.memref_slice %arg8[%run_scoped3A_159, %dma_wait3A_167] : memref<8x128xi32, #tpu.memory_space<vmem>> -> memref<1x128xi32, #tpu.memory_space<vmem>>
        %dma_wait3A_169 = tpu.memref_squeeze %dma_wait3A_168 : memref<1x128xi32, #tpu.memory_space<vmem>> -> memref<128xi32, #tpu.memory_space<vmem>>
        %dma_wait3A_170 = arith.constant 0 : i32
        %dma_wait3A_171 = arith.constant 0 : i32
        %dma_wait3A_172 = tpu.memref_slice %arg12[%dma_wait3A_170, %dma_wait3A_171] : memref<10240x128xf32, #tpu.memory_space<vmem_shared>> -> memref<10240x128xf32, #tpu.memory_space<vmem_shared>>
        tpu.wait_indirect_dma semaphore(%run_scoped3A_160 : memref<!tpu.dma_semaphore, #tpu.memory_space<semaphore_mem>>) src(%arg10 : memref<128x128xf32, #tpu.memory_space<vmem>>) dst(%dma_wait3A_172 : memref<10240x128xf32, #tpu.memory_space<vmem_shared>>)
        tpu.yield
      }) : () -> ()
    }
    %while3A_29 = arith.constant 1 : i32
    scf.for %while3A_39 = %while3A_27 to %while3A_23 step %while3A_29  : i32 {
      %mul3A_40 = arith.constant 8 : i32
      %mul3A_41 = arith.muli %while3A_39, %mul3A_40 : i32
      %add3A_42 = arith.addi %select_n3A_20, %mul3A_41 : i32
      "tpu.region"() ({
        %run_scoped3A_160 = tpu.sem_alloc : memref<!tpu.dma_semaphore, #tpu.memory_space<semaphore_mem>>
        %dma_start3A_161 = arith.constant 0 : i32
        %dma_start3A_162 = tpu.memref_slice %arg2[%add3A_42, %dma_start3A_161] : memref<2560x128xi32, #tpu.memory_space<hbm>> -> memref<8x128xi32, #tpu.memory_space<hbm>>
        %dma_start3A_163 = arith.constant 0 : i32
        %dma_start3A_164 = tpu.memref_slice %arg2[%add3A_42, %dma_start3A_163] : memref<2560x128xi32, #tpu.memory_space<hbm>> -> memref<8x128xi32, #tpu.memory_space<hbm>>
        tpu.enqueue_dma source(%dma_start3A_164 : memref<8x128xi32, #tpu.memory_space<hbm>>) target(%arg7 : memref<8x128xi32, #tpu.memory_space<vmem>>) target_semaphore(%run_scoped3A_160 : memref<!tpu.dma_semaphore, #tpu.memory_space<semaphore_mem>>)
        %dma_wait3A_165 = arith.constant 0 : i32
        %dma_wait3A_166 = tpu.memref_slice %arg2[%add3A_42, %dma_wait3A_165] : memref<2560x128xi32, #tpu.memory_space<hbm>> -> memref<8x128xi32, #tpu.memory_space<hbm>>
        %dma_wait3A_167 = arith.constant 0 : i32
        %dma_wait3A_168 = tpu.memref_slice %arg2[%add3A_42, %dma_wait3A_167] : memref<2560x128xi32, #tpu.memory_space<hbm>> -> memref<8x128xi32, #tpu.memory_space<hbm>>
        tpu.wait_dma2 semaphore(%run_scoped3A_160 : memref<!tpu.dma_semaphore, #tpu.memory_space<semaphore_mem>>) src(%dma_wait3A_168 : memref<8x128xi32, #tpu.memory_space<hbm>>) dst(%arg7 : memref<8x128xi32, #tpu.memory_space<vmem>>)
        tpu.yield
      }) : () -> ()
      "tpu.region"() ({
        %run_scoped3A_160 = tpu.sem_alloc : memref<!tpu.dma_semaphore, #tpu.memory_space<semaphore_mem>>
        %dma_start3A_161 = arith.constant 0 : i32
        %dma_start3A_162 = tpu.memref_slice %arg3[%add3A_42, %dma_start3A_161] : memref<2560x128xi32, #tpu.memory_space<hbm>> -> memref<8x128xi32, #tpu.memory_space<hbm>>
        %dma_start3A_163 = arith.constant 0 : i32
        %dma_start3A_164 = tpu.memref_slice %arg3[%add3A_42, %dma_start3A_163] : memref<2560x128xi32, #tpu.memory_space<hbm>> -> memref<8x128xi32, #tpu.memory_space<hbm>>
        tpu.enqueue_dma source(%dma_start3A_164 : memref<8x128xi32, #tpu.memory_space<hbm>>) target(%arg8 : memref<8x128xi32, #tpu.memory_space<vmem>>) target_semaphore(%run_scoped3A_160 : memref<!tpu.dma_semaphore, #tpu.memory_space<semaphore_mem>>)
        %dma_wait3A_165 = arith.constant 0 : i32
        %dma_wait3A_166 = tpu.memref_slice %arg3[%add3A_42, %dma_wait3A_165] : memref<2560x128xi32, #tpu.memory_space<hbm>> -> memref<8x128xi32, #tpu.memory_space<hbm>>
        %dma_wait3A_167 = arith.constant 0 : i32
        %dma_wait3A_168 = tpu.memref_slice %arg3[%add3A_42, %dma_wait3A_167] : memref<2560x128xi32, #tpu.memory_space<hbm>> -> memref<8x128xi32, #tpu.memory_space<hbm>>
        tpu.wait_dma2 semaphore(%run_scoped3A_160 : memref<!tpu.dma_semaphore, #tpu.memory_space<semaphore_mem>>) src(%dma_wait3A_168 : memref<8x128xi32, #tpu.memory_space<hbm>>) dst(%arg8 : memref<8x128xi32, #tpu.memory_space<vmem>>)
        tpu.yield
      }) : () -> ()
      %dma_start3A = arith.constant 0 : i32
      %dma_start3A_43 = arith.constant 0 : i32
      %dma_start3A_44 = tpu.memref_slice %arg7[%dma_start3A, %dma_start3A_43] : memref<8x128xi32, #tpu.memory_space<vmem>> -> memref<1x128xi32, #tpu.memory_space<vmem>>
      %dma_start3A_45 = tpu.memref_squeeze %dma_start3A_44 : memref<1x128xi32, #tpu.memory_space<vmem>> -> memref<128xi32, #tpu.memory_space<vmem>>
      %dma_start3A_46 = arith.constant 0 : i32
      %dma_start3A_47 = arith.constant 0 : i32
      %dma_start3A_48 = tpu.memref_slice %arg4[%dma_start3A_46, %dma_start3A_47] : memref<10000x128xf32, #tpu.memory_space<hbm>> -> memref<10000x128xf32, #tpu.memory_space<hbm>>
      tpu.enqueue_indirect_dma source(%dma_start3A_48 : memref<10000x128xf32, #tpu.memory_space<hbm>>) target(%arg9 : memref<128x128xf32, #tpu.memory_space<vmem>>) offsets(%dma_start3A_45 : memref<128xi32, #tpu.memory_space<vmem>>) semaphore(%arg13 : memref<!tpu.dma_semaphore, #tpu.memory_space<semaphore_mem>>)
      %dma_start3A_49 = arith.constant 1 : i32
      %dma_start3A_50 = arith.constant 0 : i32
      %dma_start3A_51 = tpu.memref_slice %arg7[%dma_start3A_49, %dma_start3A_50] : memref<8x128xi32, #tpu.memory_space<vmem>> -> memref<1x128xi32, #tpu.memory_space<vmem>>
      %dma_start3A_52 = tpu.memref_squeeze %dma_start3A_51 : memref<1x128xi32, #tpu.memory_space<vmem>> -> memref<128xi32, #tpu.memory_space<vmem>>
      %dma_start3A_53 = arith.constant 0 : i32
      %dma_start3A_54 = arith.constant 0 : i32
      %dma_start3A_55 = tpu.memref_slice %arg4[%dma_start3A_53, %dma_start3A_54] : memref<10000x128xf32, #tpu.memory_space<hbm>> -> memref<10000x128xf32, #tpu.memory_space<hbm>>
      tpu.enqueue_indirect_dma source(%dma_start3A_55 : memref<10000x128xf32, #tpu.memory_space<hbm>>) target(%arg10 : memref<128x128xf32, #tpu.memory_space<vmem>>) offsets(%dma_start3A_52 : memref<128xi32, #tpu.memory_space<vmem>>) semaphore(%arg14 : memref<!tpu.dma_semaphore, #tpu.memory_space<semaphore_mem>>)
      %dma_wait3A = arith.constant 0 : i32
      %dma_wait3A_56 = arith.constant 0 : i32
      %dma_wait3A_57 = tpu.memref_slice %arg7[%dma_wait3A, %dma_wait3A_56] : memref<8x128xi32, #tpu.memory_space<vmem>> -> memref<1x128xi32, #tpu.memory_space<vmem>>
      %dma_wait3A_58 = tpu.memref_squeeze %dma_wait3A_57 : memref<1x128xi32, #tpu.memory_space<vmem>> -> memref<128xi32, #tpu.memory_space<vmem>>
      %dma_wait3A_59 = arith.constant 0 : i32
      %dma_wait3A_60 = arith.constant 0 : i32
      %dma_wait3A_61 = tpu.memref_slice %arg4[%dma_wait3A_59, %dma_wait3A_60] : memref<10000x128xf32, #tpu.memory_space<hbm>> -> memref<10000x128xf32, #tpu.memory_space<hbm>>
      tpu.wait_indirect_dma semaphore(%arg13 : memref<!tpu.dma_semaphore, #tpu.memory_space<semaphore_mem>>) src(%dma_wait3A_61 : memref<10000x128xf32, #tpu.memory_space<hbm>>) dst(%arg9 : memref<128x128xf32, #tpu.memory_space<vmem>>)
      %run_scoped3A = arith.constant 0 : i32
      "tpu.region"() ({
        %run_scoped3A_160 = tpu.sem_alloc : memref<!tpu.dma_semaphore, #tpu.memory_space<semaphore_mem>>
        %dma_start3A_161 = arith.constant 0 : i32
        %dma_start3A_162 = tpu.memref_slice %arg8[%run_scoped3A, %dma_start3A_161] : memref<8x128xi32, #tpu.memory_space<vmem>> -> memref<1x128xi32, #tpu.memory_space<vmem>>
        %dma_start3A_163 = tpu.memref_squeeze %dma_start3A_162 : memref<1x128xi32, #tpu.memory_space<vmem>> -> memref<128xi32, #tpu.memory_space<vmem>>
        %dma_start3A_164 = arith.constant 0 : i32
        %dma_start3A_165 = arith.constant 0 : i32
        %dma_start3A_166 = tpu.memref_slice %arg12[%dma_start3A_164, %dma_start3A_165] : memref<10240x128xf32, #tpu.memory_space<vmem_shared>> -> memref<10240x128xf32, #tpu.memory_space<vmem_shared>>
        tpu.enqueue_indirect_dma source(%arg9 : memref<128x128xf32, #tpu.memory_space<vmem>>) target(%dma_start3A_166 : memref<10240x128xf32, #tpu.memory_space<vmem_shared>>) offsets(%dma_start3A_163 : memref<128xi32, #tpu.memory_space<vmem>>) semaphore(%run_scoped3A_160 : memref<!tpu.dma_semaphore, #tpu.memory_space<semaphore_mem>>) {add = true}
        %dma_wait3A_167 = arith.constant 0 : i32
        %dma_wait3A_168 = tpu.memref_slice %arg8[%run_scoped3A, %dma_wait3A_167] : memref<8x128xi32, #tpu.memory_space<vmem>> -> memref<1x128xi32, #tpu.memory_space<vmem>>
        %dma_wait3A_169 = tpu.memref_squeeze %dma_wait3A_168 : memref<1x128xi32, #tpu.memory_space<vmem>> -> memref<128xi32, #tpu.memory_space<vmem>>
        %dma_wait3A_170 = arith.constant 0 : i32
        %dma_wait3A_171 = arith.constant 0 : i32
        %dma_wait3A_172 = tpu.memref_slice %arg12[%dma_wait3A_170, %dma_wait3A_171] : memref<10240x128xf32, #tpu.memory_space<vmem_shared>> -> memref<10240x128xf32, #tpu.memory_space<vmem_shared>>
        tpu.wait_indirect_dma semaphore(%run_scoped3A_160 : memref<!tpu.dma_semaphore, #tpu.memory_space<semaphore_mem>>) src(%arg9 : memref<128x128xf32, #tpu.memory_space<vmem>>) dst(%dma_wait3A_172 : memref<10240x128xf32, #tpu.memory_space<vmem_shared>>)
        tpu.yield
      }) : () -> ()
      %dma_start3A_62 = arith.constant 2 : i32
      %dma_start3A_63 = arith.constant 0 : i32
      %dma_start3A_64 = tpu.memref_slice %arg7[%dma_start3A_62, %dma_start3A_63] : memref<8x128xi32, #tpu.memory_space<vmem>> -> memref<1x128xi32, #tpu.memory_space<vmem>>
      %dma_start3A_65 = tpu.memref_squeeze %dma_start3A_64 : memref<1x128xi32, #tpu.memory_space<vmem>> -> memref<128xi32, #tpu.memory_space<vmem>>
      %dma_start3A_66 = arith.constant 0 : i32
      %dma_start3A_67 = arith.constant 0 : i32
      %dma_start3A_68 = tpu.memref_slice %arg4[%dma_start3A_66, %dma_start3A_67] : memref<10000x128xf32, #tpu.memory_space<hbm>> -> memref<10000x128xf32, #tpu.memory_space<hbm>>
      tpu.enqueue_indirect_dma source(%dma_start3A_68 : memref<10000x128xf32, #tpu.memory_space<hbm>>) target(%arg9 : memref<128x128xf32, #tpu.memory_space<vmem>>) offsets(%dma_start3A_65 : memref<128xi32, #tpu.memory_space<vmem>>) semaphore(%arg13 : memref<!tpu.dma_semaphore, #tpu.memory_space<semaphore_mem>>)
      %dma_wait3A_69 = arith.constant 1 : i32
      %dma_wait3A_70 = arith.constant 0 : i32
      %dma_wait3A_71 = tpu.memref_slice %arg7[%dma_wait3A_69, %dma_wait3A_70] : memref<8x128xi32, #tpu.memory_space<vmem>> -> memref<1x128xi32, #tpu.memory_space<vmem>>
      %dma_wait3A_72 = tpu.memref_squeeze %dma_wait3A_71 : memref<1x128xi32, #tpu.memory_space<vmem>> -> memref<128xi32, #tpu.memory_space<vmem>>
      %dma_wait3A_73 = arith.constant 0 : i32
      %dma_wait3A_74 = arith.constant 0 : i32
      %dma_wait3A_75 = tpu.memref_slice %arg4[%dma_wait3A_73, %dma_wait3A_74] : memref<10000x128xf32, #tpu.memory_space<hbm>> -> memref<10000x128xf32, #tpu.memory_space<hbm>>
      tpu.wait_indirect_dma semaphore(%arg14 : memref<!tpu.dma_semaphore, #tpu.memory_space<semaphore_mem>>) src(%dma_wait3A_75 : memref<10000x128xf32, #tpu.memory_space<hbm>>) dst(%arg10 : memref<128x128xf32, #tpu.memory_space<vmem>>)
      %run_scoped3A_76 = arith.constant 1 : i32
      "tpu.region"() ({
        %run_scoped3A_160 = tpu.sem_alloc : memref<!tpu.dma_semaphore, #tpu.memory_space<semaphore_mem>>
        %dma_start3A_161 = arith.constant 0 : i32
        %dma_start3A_162 = tpu.memref_slice %arg8[%run_scoped3A_76, %dma_start3A_161] : memref<8x128xi32, #tpu.memory_space<vmem>> -> memref<1x128xi32, #tpu.memory_space<vmem>>
        %dma_start3A_163 = tpu.memref_squeeze %dma_start3A_162 : memref<1x128xi32, #tpu.memory_space<vmem>> -> memref<128xi32, #tpu.memory_space<vmem>>
        %dma_start3A_164 = arith.constant 0 : i32
        %dma_start3A_165 = arith.constant 0 : i32
        %dma_start3A_166 = tpu.memref_slice %arg12[%dma_start3A_164, %dma_start3A_165] : memref<10240x128xf32, #tpu.memory_space<vmem_shared>> -> memref<10240x128xf32, #tpu.memory_space<vmem_shared>>
        tpu.enqueue_indirect_dma source(%arg10 : memref<128x128xf32, #tpu.memory_space<vmem>>) target(%dma_start3A_166 : memref<10240x128xf32, #tpu.memory_space<vmem_shared>>) offsets(%dma_start3A_163 : memref<128xi32, #tpu.memory_space<vmem>>) semaphore(%run_scoped3A_160 : memref<!tpu.dma_semaphore, #tpu.memory_space<semaphore_mem>>) {add = true}
        %dma_wait3A_167 = arith.constant 0 : i32
        %dma_wait3A_168 = tpu.memref_slice %arg8[%run_scoped3A_76, %dma_wait3A_167] : memref<8x128xi32, #tpu.memory_space<vmem>> -> memref<1x128xi32, #tpu.memory_space<vmem>>
        %dma_wait3A_169 = tpu.memref_squeeze %dma_wait3A_168 : memref<1x128xi32, #tpu.memory_space<vmem>> -> memref<128xi32, #tpu.memory_space<vmem>>
        %dma_wait3A_170 = arith.constant 0 : i32
        %dma_wait3A_171 = arith.constant 0 : i32
        %dma_wait3A_172 = tpu.memref_slice %arg12[%dma_wait3A_170, %dma_wait3A_171] : memref<10240x128xf32, #tpu.memory_space<vmem_shared>> -> memref<10240x128xf32, #tpu.memory_space<vmem_shared>>
        tpu.wait_indirect_dma semaphore(%run_scoped3A_160 : memref<!tpu.dma_semaphore, #tpu.memory_space<semaphore_mem>>) src(%arg10 : memref<128x128xf32, #tpu.memory_space<vmem>>) dst(%dma_wait3A_172 : memref<10240x128xf32, #tpu.memory_space<vmem_shared>>)
        tpu.yield
      }) : () -> ()
      %dma_start3A_77 = arith.constant 3 : i32
      %dma_start3A_78 = arith.constant 0 : i32
      %dma_start3A_79 = tpu.memref_slice %arg7[%dma_start3A_77, %dma_start3A_78] : memref<8x128xi32, #tpu.memory_space<vmem>> -> memref<1x128xi32, #tpu.memory_space<vmem>>
      %dma_start3A_80 = tpu.memref_squeeze %dma_start3A_79 : memref<1x128xi32, #tpu.memory_space<vmem>> -> memref<128xi32, #tpu.memory_space<vmem>>
      %dma_start3A_81 = arith.constant 0 : i32
      %dma_start3A_82 = arith.constant 0 : i32
      %dma_start3A_83 = tpu.memref_slice %arg4[%dma_start3A_81, %dma_start3A_82] : memref<10000x128xf32, #tpu.memory_space<hbm>> -> memref<10000x128xf32, #tpu.memory_space<hbm>>
      tpu.enqueue_indirect_dma source(%dma_start3A_83 : memref<10000x128xf32, #tpu.memory_space<hbm>>) target(%arg10 : memref<128x128xf32, #tpu.memory_space<vmem>>) offsets(%dma_start3A_80 : memref<128xi32, #tpu.memory_space<vmem>>) semaphore(%arg14 : memref<!tpu.dma_semaphore, #tpu.memory_space<semaphore_mem>>)
      %dma_wait3A_84 = arith.constant 2 : i32
      %dma_wait3A_85 = arith.constant 0 : i32
      %dma_wait3A_86 = tpu.memref_slice %arg7[%dma_wait3A_84, %dma_wait3A_85] : memref<8x128xi32, #tpu.memory_space<vmem>> -> memref<1x128xi32, #tpu.memory_space<vmem>>
      %dma_wait3A_87 = tpu.memref_squeeze %dma_wait3A_86 : memref<1x128xi32, #tpu.memory_space<vmem>> -> memref<128xi32, #tpu.memory_space<vmem>>
      %dma_wait3A_88 = arith.constant 0 : i32
      %dma_wait3A_89 = arith.constant 0 : i32
      %dma_wait3A_90 = tpu.memref_slice %arg4[%dma_wait3A_88, %dma_wait3A_89] : memref<10000x128xf32, #tpu.memory_space<hbm>> -> memref<10000x128xf32, #tpu.memory_space<hbm>>
      tpu.wait_indirect_dma semaphore(%arg13 : memref<!tpu.dma_semaphore, #tpu.memory_space<semaphore_mem>>) src(%dma_wait3A_90 : memref<10000x128xf32, #tpu.memory_space<hbm>>) dst(%arg9 : memref<128x128xf32, #tpu.memory_space<vmem>>)
      %run_scoped3A_91 = arith.constant 2 : i32
      "tpu.region"() ({
        %run_scoped3A_160 = tpu.sem_alloc : memref<!tpu.dma_semaphore, #tpu.memory_space<semaphore_mem>>
        %dma_start3A_161 = arith.constant 0 : i32
        %dma_start3A_162 = tpu.memref_slice %arg8[%run_scoped3A_91, %dma_start3A_161] : memref<8x128xi32, #tpu.memory_space<vmem>> -> memref<1x128xi32, #tpu.memory_space<vmem>>
        %dma_start3A_163 = tpu.memref_squeeze %dma_start3A_162 : memref<1x128xi32, #tpu.memory_space<vmem>> -> memref<128xi32, #tpu.memory_space<vmem>>
        %dma_start3A_164 = arith.constant 0 : i32
        %dma_start3A_165 = arith.constant 0 : i32
        %dma_start3A_166 = tpu.memref_slice %arg12[%dma_start3A_164, %dma_start3A_165] : memref<10240x128xf32, #tpu.memory_space<vmem_shared>> -> memref<10240x128xf32, #tpu.memory_space<vmem_shared>>
        tpu.enqueue_indirect_dma source(%arg9 : memref<128x128xf32, #tpu.memory_space<vmem>>) target(%dma_start3A_166 : memref<10240x128xf32, #tpu.memory_space<vmem_shared>>) offsets(%dma_start3A_163 : memref<128xi32, #tpu.memory_space<vmem>>) semaphore(%run_scoped3A_160 : memref<!tpu.dma_semaphore, #tpu.memory_space<semaphore_mem>>) {add = true}
        %dma_wait3A_167 = arith.constant 0 : i32
        %dma_wait3A_168 = tpu.memref_slice %arg8[%run_scoped3A_91, %dma_wait3A_167] : memref<8x128xi32, #tpu.memory_space<vmem>> -> memref<1x128xi32, #tpu.memory_space<vmem>>
        %dma_wait3A_169 = tpu.memref_squeeze %dma_wait3A_168 : memref<1x128xi32, #tpu.memory_space<vmem>> -> memref<128xi32, #tpu.memory_space<vmem>>
        %dma_wait3A_170 = arith.constant 0 : i32
        %dma_wait3A_171 = arith.constant 0 : i32
        %dma_wait3A_172 = tpu.memref_slice %arg12[%dma_wait3A_170, %dma_wait3A_171] : memref<10240x128xf32, #tpu.memory_space<vmem_shared>> -> memref<10240x128xf32, #tpu.memory_space<vmem_shared>>
        tpu.wait_indirect_dma semaphore(%run_scoped3A_160 : memref<!tpu.dma_semaphore, #tpu.memory_space<semaphore_mem>>) src(%arg9 : memref<128x128xf32, #tpu.memory_space<vmem>>) dst(%dma_wait3A_172 : memref<10240x128xf32, #tpu.memory_space<vmem_shared>>)
        tpu.yield
      }) : () -> ()
      %dma_start3A_92 = arith.constant 4 : i32
      %dma_start3A_93 = arith.constant 0 : i32
      %dma_start3A_94 = tpu.memref_slice %arg7[%dma_start3A_92, %dma_start3A_93] : memref<8x128xi32, #tpu.memory_space<vmem>> -> memref<1x128xi32, #tpu.memory_space<vmem>>
      %dma_start3A_95 = tpu.memref_squeeze %dma_start3A_94 : memref<1x128xi32, #tpu.memory_space<vmem>> -> memref<128xi32, #tpu.memory_space<vmem>>
      %dma_start3A_96 = arith.constant 0 : i32
      %dma_start3A_97 = arith.constant 0 : i32
      %dma_start3A_98 = tpu.memref_slice %arg4[%dma_start3A_96, %dma_start3A_97] : memref<10000x128xf32, #tpu.memory_space<hbm>> -> memref<10000x128xf32, #tpu.memory_space<hbm>>
      tpu.enqueue_indirect_dma source(%dma_start3A_98 : memref<10000x128xf32, #tpu.memory_space<hbm>>) target(%arg9 : memref<128x128xf32, #tpu.memory_space<vmem>>) offsets(%dma_start3A_95 : memref<128xi32, #tpu.memory_space<vmem>>) semaphore(%arg13 : memref<!tpu.dma_semaphore, #tpu.memory_space<semaphore_mem>>)
      %dma_wait3A_99 = arith.constant 3 : i32
      %dma_wait3A_100 = arith.constant 0 : i32
      %dma_wait3A_101 = tpu.memref_slice %arg7[%dma_wait3A_99, %dma_wait3A_100] : memref<8x128xi32, #tpu.memory_space<vmem>> -> memref<1x128xi32, #tpu.memory_space<vmem>>
      %dma_wait3A_102 = tpu.memref_squeeze %dma_wait3A_101 : memref<1x128xi32, #tpu.memory_space<vmem>> -> memref<128xi32, #tpu.memory_space<vmem>>
      %dma_wait3A_103 = arith.constant 0 : i32
      %dma_wait3A_104 = arith.constant 0 : i32
      %dma_wait3A_105 = tpu.memref_slice %arg4[%dma_wait3A_103, %dma_wait3A_104] : memref<10000x128xf32, #tpu.memory_space<hbm>> -> memref<10000x128xf32, #tpu.memory_space<hbm>>
      tpu.wait_indirect_dma semaphore(%arg14 : memref<!tpu.dma_semaphore, #tpu.memory_space<semaphore_mem>>) src(%dma_wait3A_105 : memref<10000x128xf32, #tpu.memory_space<hbm>>) dst(%arg10 : memref<128x128xf32, #tpu.memory_space<vmem>>)
      %run_scoped3A_106 = arith.constant 3 : i32
      "tpu.region"() ({
        %run_scoped3A_160 = tpu.sem_alloc : memref<!tpu.dma_semaphore, #tpu.memory_space<semaphore_mem>>
        %dma_start3A_161 = arith.constant 0 : i32
        %dma_start3A_162 = tpu.memref_slice %arg8[%run_scoped3A_106, %dma_start3A_161] : memref<8x128xi32, #tpu.memory_space<vmem>> -> memref<1x128xi32, #tpu.memory_space<vmem>>
        %dma_start3A_163 = tpu.memref_squeeze %dma_start3A_162 : memref<1x128xi32, #tpu.memory_space<vmem>> -> memref<128xi32, #tpu.memory_space<vmem>>
        %dma_start3A_164 = arith.constant 0 : i32
        %dma_start3A_165 = arith.constant 0 : i32
        %dma_start3A_166 = tpu.memref_slice %arg12[%dma_start3A_164, %dma_start3A_165] : memref<10240x128xf32, #tpu.memory_space<vmem_shared>> -> memref<10240x128xf32, #tpu.memory_space<vmem_shared>>
        tpu.enqueue_indirect_dma source(%arg10 : memref<128x128xf32, #tpu.memory_space<vmem>>) target(%dma_start3A_166 : memref<10240x128xf32, #tpu.memory_space<vmem_shared>>) offsets(%dma_start3A_163 : memref<128xi32, #tpu.memory_space<vmem>>) semaphore(%run_scoped3A_160 : memref<!tpu.dma_semaphore, #tpu.memory_space<semaphore_mem>>) {add = true}
        %dma_wait3A_167 = arith.constant 0 : i32
        %dma_wait3A_168 = tpu.memref_slice %arg8[%run_scoped3A_106, %dma_wait3A_167] : memref<8x128xi32, #tpu.memory_space<vmem>> -> memref<1x128xi32, #tpu.memory_space<vmem>>
        %dma_wait3A_169 = tpu.memref_squeeze %dma_wait3A_168 : memref<1x128xi32, #tpu.memory_space<vmem>> -> memref<128xi32, #tpu.memory_space<vmem>>
        %dma_wait3A_170 = arith.constant 0 : i32
        %dma_wait3A_171 = arith.constant 0 : i32
        %dma_wait3A_172 = tpu.memref_slice %arg12[%dma_wait3A_170, %dma_wait3A_171] : memref<10240x128xf32, #tpu.memory_space<vmem_shared>> -> memref<10240x128xf32, #tpu.memory_space<vmem_shared>>
        tpu.wait_indirect_dma semaphore(%run_scoped3A_160 : memref<!tpu.dma_semaphore, #tpu.memory_space<semaphore_mem>>) src(%arg10 : memref<128x128xf32, #tpu.memory_space<vmem>>) dst(%dma_wait3A_172 : memref<10240x128xf32, #tpu.memory_space<vmem_shared>>)
        tpu.yield
      }) : () -> ()
      %dma_start3A_107 = arith.constant 5 : i32
      %dma_start3A_108 = arith.constant 0 : i32
      %dma_start3A_109 = tpu.memref_slice %arg7[%dma_start3A_107, %dma_start3A_108] : memref<8x128xi32, #tpu.memory_space<vmem>> -> memref<1x128xi32, #tpu.memory_space<vmem>>
      %dma_start3A_110 = tpu.memref_squeeze %dma_start3A_109 : memref<1x128xi32, #tpu.memory_space<vmem>> -> memref<128xi32, #tpu.memory_space<vmem>>
      %dma_start3A_111 = arith.constant 0 : i32
      %dma_start3A_112 = arith.constant 0 : i32
      %dma_start3A_113 = tpu.memref_slice %arg4[%dma_start3A_111, %dma_start3A_112] : memref<10000x128xf32, #tpu.memory_space<hbm>> -> memref<10000x128xf32, #tpu.memory_space<hbm>>
      tpu.enqueue_indirect_dma source(%dma_start3A_113 : memref<10000x128xf32, #tpu.memory_space<hbm>>) target(%arg10 : memref<128x128xf32, #tpu.memory_space<vmem>>) offsets(%dma_start3A_110 : memref<128xi32, #tpu.memory_space<vmem>>) semaphore(%arg14 : memref<!tpu.dma_semaphore, #tpu.memory_space<semaphore_mem>>)
      %dma_wait3A_114 = arith.constant 4 : i32
      %dma_wait3A_115 = arith.constant 0 : i32
      %dma_wait3A_116 = tpu.memref_slice %arg7[%dma_wait3A_114, %dma_wait3A_115] : memref<8x128xi32, #tpu.memory_space<vmem>> -> memref<1x128xi32, #tpu.memory_space<vmem>>
      %dma_wait3A_117 = tpu.memref_squeeze %dma_wait3A_116 : memref<1x128xi32, #tpu.memory_space<vmem>> -> memref<128xi32, #tpu.memory_space<vmem>>
      %dma_wait3A_118 = arith.constant 0 : i32
      %dma_wait3A_119 = arith.constant 0 : i32
      %dma_wait3A_120 = tpu.memref_slice %arg4[%dma_wait3A_118, %dma_wait3A_119] : memref<10000x128xf32, #tpu.memory_space<hbm>> -> memref<10000x128xf32, #tpu.memory_space<hbm>>
      tpu.wait_indirect_dma semaphore(%arg13 : memref<!tpu.dma_semaphore, #tpu.memory_space<semaphore_mem>>) src(%dma_wait3A_120 : memref<10000x128xf32, #tpu.memory_space<hbm>>) dst(%arg9 : memref<128x128xf32, #tpu.memory_space<vmem>>)
      %run_scoped3A_121 = arith.constant 4 : i32
      "tpu.region"() ({
        %run_scoped3A_160 = tpu.sem_alloc : memref<!tpu.dma_semaphore, #tpu.memory_space<semaphore_mem>>
        %dma_start3A_161 = arith.constant 0 : i32
        %dma_start3A_162 = tpu.memref_slice %arg8[%run_scoped3A_121, %dma_start3A_161] : memref<8x128xi32, #tpu.memory_space<vmem>> -> memref<1x128xi32, #tpu.memory_space<vmem>>
        %dma_start3A_163 = tpu.memref_squeeze %dma_start3A_162 : memref<1x128xi32, #tpu.memory_space<vmem>> -> memref<128xi32, #tpu.memory_space<vmem>>
        %dma_start3A_164 = arith.constant 0 : i32
        %dma_start3A_165 = arith.constant 0 : i32
        %dma_start3A_166 = tpu.memref_slice %arg12[%dma_start3A_164, %dma_start3A_165] : memref<10240x128xf32, #tpu.memory_space<vmem_shared>> -> memref<10240x128xf32, #tpu.memory_space<vmem_shared>>
        tpu.enqueue_indirect_dma source(%arg9 : memref<128x128xf32, #tpu.memory_space<vmem>>) target(%dma_start3A_166 : memref<10240x128xf32, #tpu.memory_space<vmem_shared>>) offsets(%dma_start3A_163 : memref<128xi32, #tpu.memory_space<vmem>>) semaphore(%run_scoped3A_160 : memref<!tpu.dma_semaphore, #tpu.memory_space<semaphore_mem>>) {add = true}
        %dma_wait3A_167 = arith.constant 0 : i32
        %dma_wait3A_168 = tpu.memref_slice %arg8[%run_scoped3A_121, %dma_wait3A_167] : memref<8x128xi32, #tpu.memory_space<vmem>> -> memref<1x128xi32, #tpu.memory_space<vmem>>
        %dma_wait3A_169 = tpu.memref_squeeze %dma_wait3A_168 : memref<1x128xi32, #tpu.memory_space<vmem>> -> memref<128xi32, #tpu.memory_space<vmem>>
        %dma_wait3A_170 = arith.constant 0 : i32
        %dma_wait3A_171 = arith.constant 0 : i32
        %dma_wait3A_172 = tpu.memref_slice %arg12[%dma_wait3A_170, %dma_wait3A_171] : memref<10240x128xf32, #tpu.memory_space<vmem_shared>> -> memref<10240x128xf32, #tpu.memory_space<vmem_shared>>
        tpu.wait_indirect_dma semaphore(%run_scoped3A_160 : memref<!tpu.dma_semaphore, #tpu.memory_space<semaphore_mem>>) src(%arg9 : memref<128x128xf32, #tpu.memory_space<vmem>>) dst(%dma_wait3A_172 : memref<10240x128xf32, #tpu.memory_space<vmem_shared>>)
        tpu.yield
      }) : () -> ()
      %dma_start3A_122 = arith.constant 6 : i32
      %dma_start3A_123 = arith.constant 0 : i32
      %dma_start3A_124 = tpu.memref_slice %arg7[%dma_start3A_122, %dma_start3A_123] : memref<8x128xi32, #tpu.memory_space<vmem>> -> memref<1x128xi32, #tpu.memory_space<vmem>>
      %dma_start3A_125 = tpu.memref_squeeze %dma_start3A_124 : memref<1x128xi32, #tpu.memory_space<vmem>> -> memref<128xi32, #tpu.memory_space<vmem>>
      %dma_start3A_126 = arith.constant 0 : i32
      %dma_start3A_127 = arith.constant 0 : i32
      %dma_start3A_128 = tpu.memref_slice %arg4[%dma_start3A_126, %dma_start3A_127] : memref<10000x128xf32, #tpu.memory_space<hbm>> -> memref<10000x128xf32, #tpu.memory_space<hbm>>
      tpu.enqueue_indirect_dma source(%dma_start3A_128 : memref<10000x128xf32, #tpu.memory_space<hbm>>) target(%arg9 : memref<128x128xf32, #tpu.memory_space<vmem>>) offsets(%dma_start3A_125 : memref<128xi32, #tpu.memory_space<vmem>>) semaphore(%arg13 : memref<!tpu.dma_semaphore, #tpu.memory_space<semaphore_mem>>)
      %dma_wait3A_129 = arith.constant 5 : i32
      %dma_wait3A_130 = arith.constant 0 : i32
      %dma_wait3A_131 = tpu.memref_slice %arg7[%dma_wait3A_129, %dma_wait3A_130] : memref<8x128xi32, #tpu.memory_space<vmem>> -> memref<1x128xi32, #tpu.memory_space<vmem>>
      %dma_wait3A_132 = tpu.memref_squeeze %dma_wait3A_131 : memref<1x128xi32, #tpu.memory_space<vmem>> -> memref<128xi32, #tpu.memory_space<vmem>>
      %dma_wait3A_133 = arith.constant 0 : i32
      %dma_wait3A_134 = arith.constant 0 : i32
      %dma_wait3A_135 = tpu.memref_slice %arg4[%dma_wait3A_133, %dma_wait3A_134] : memref<10000x128xf32, #tpu.memory_space<hbm>> -> memref<10000x128xf32, #tpu.memory_space<hbm>>
      tpu.wait_indirect_dma semaphore(%arg14 : memref<!tpu.dma_semaphore, #tpu.memory_space<semaphore_mem>>) src(%dma_wait3A_135 : memref<10000x128xf32, #tpu.memory_space<hbm>>) dst(%arg10 : memref<128x128xf32, #tpu.memory_space<vmem>>)
      %run_scoped3A_136 = arith.constant 5 : i32
      "tpu.region"() ({
        %run_scoped3A_160 = tpu.sem_alloc : memref<!tpu.dma_semaphore, #tpu.memory_space<semaphore_mem>>
        %dma_start3A_161 = arith.constant 0 : i32
        %dma_start3A_162 = tpu.memref_slice %arg8[%run_scoped3A_136, %dma_start3A_161] : memref<8x128xi32, #tpu.memory_space<vmem>> -> memref<1x128xi32, #tpu.memory_space<vmem>>
        %dma_start3A_163 = tpu.memref_squeeze %dma_start3A_162 : memref<1x128xi32, #tpu.memory_space<vmem>> -> memref<128xi32, #tpu.memory_space<vmem>>
        %dma_start3A_164 = arith.constant 0 : i32
        %dma_start3A_165 = arith.constant 0 : i32
        %dma_start3A_166 = tpu.memref_slice %arg12[%dma_start3A_164, %dma_start3A_165] : memref<10240x128xf32, #tpu.memory_space<vmem_shared>> -> memref<10240x128xf32, #tpu.memory_space<vmem_shared>>
        tpu.enqueue_indirect_dma source(%arg10 : memref<128x128xf32, #tpu.memory_space<vmem>>) target(%dma_start3A_166 : memref<10240x128xf32, #tpu.memory_space<vmem_shared>>) offsets(%dma_start3A_163 : memref<128xi32, #tpu.memory_space<vmem>>) semaphore(%run_scoped3A_160 : memref<!tpu.dma_semaphore, #tpu.memory_space<semaphore_mem>>) {add = true}
        %dma_wait3A_167 = arith.constant 0 : i32
        %dma_wait3A_168 = tpu.memref_slice %arg8[%run_scoped3A_136, %dma_wait3A_167] : memref<8x128xi32, #tpu.memory_space<vmem>> -> memref<1x128xi32, #tpu.memory_space<vmem>>
        %dma_wait3A_169 = tpu.memref_squeeze %dma_wait3A_168 : memref<1x128xi32, #tpu.memory_space<vmem>> -> memref<128xi32, #tpu.memory_space<vmem>>
        %dma_wait3A_170 = arith.constant 0 : i32
        %dma_wait3A_171 = arith.constant 0 : i32
        %dma_wait3A_172 = tpu.memref_slice %arg12[%dma_wait3A_170, %dma_wait3A_171] : memref<10240x128xf32, #tpu.memory_space<vmem_shared>> -> memref<10240x128xf32, #tpu.memory_space<vmem_shared>>
        tpu.wait_indirect_dma semaphore(%run_scoped3A_160 : memref<!tpu.dma_semaphore, #tpu.memory_space<semaphore_mem>>) src(%arg10 : memref<128x128xf32, #tpu.memory_space<vmem>>) dst(%dma_wait3A_172 : memref<10240x128xf32, #tpu.memory_space<vmem_shared>>)
        tpu.yield
      }) : () -> ()
      %dma_start3A_137 = arith.constant 7 : i32
      %dma_start3A_138 = arith.constant 0 : i32
      %dma_start3A_139 = tpu.memref_slice %arg7[%dma_start3A_137, %dma_start3A_138] : memref<8x128xi32, #tpu.memory_space<vmem>> -> memref<1x128xi32, #tpu.memory_space<vmem>>
      %dma_start3A_140 = tpu.memref_squeeze %dma_start3A_139 : memref<1x128xi32, #tpu.memory_space<vmem>> -> memref<128xi32, #tpu.memory_space<vmem>>
      %dma_start3A_141 = arith.constant 0 : i32
      %dma_start3A_142 = arith.constant 0 : i32
      %dma_start3A_143 = tpu.memref_slice %arg4[%dma_start3A_141, %dma_start3A_142] : memref<10000x128xf32, #tpu.memory_space<hbm>> -> memref<10000x128xf32, #tpu.memory_space<hbm>>
      tpu.enqueue_indirect_dma source(%dma_start3A_143 : memref<10000x128xf32, #tpu.memory_space<hbm>>) target(%arg10 : memref<128x128xf32, #tpu.memory_space<vmem>>) offsets(%dma_start3A_140 : memref<128xi32, #tpu.memory_space<vmem>>) semaphore(%arg14 : memref<!tpu.dma_semaphore, #tpu.memory_space<semaphore_mem>>)
      %dma_wait3A_144 = arith.constant 6 : i32
      %dma_wait3A_145 = arith.constant 0 : i32
      %dma_wait3A_146 = tpu.memref_slice %arg7[%dma_wait3A_144, %dma_wait3A_145] : memref<8x128xi32, #tpu.memory_space<vmem>> -> memref<1x128xi32, #tpu.memory_space<vmem>>
      %dma_wait3A_147 = tpu.memref_squeeze %dma_wait3A_146 : memref<1x128xi32, #tpu.memory_space<vmem>> -> memref<128xi32, #tpu.memory_space<vmem>>
      %dma_wait3A_148 = arith.constant 0 : i32
      %dma_wait3A_149 = arith.constant 0 : i32
      %dma_wait3A_150 = tpu.memref_slice %arg4[%dma_wait3A_148, %dma_wait3A_149] : memref<10000x128xf32, #tpu.memory_space<hbm>> -> memref<10000x128xf32, #tpu.memory_space<hbm>>
      tpu.wait_indirect_dma semaphore(%arg13 : memref<!tpu.dma_semaphore, #tpu.memory_space<semaphore_mem>>) src(%dma_wait3A_150 : memref<10000x128xf32, #tpu.memory_space<hbm>>) dst(%arg9 : memref<128x128xf32, #tpu.memory_space<vmem>>)
      %run_scoped3A_151 = arith.constant 6 : i32
      "tpu.region"() ({
        %run_scoped3A_160 = tpu.sem_alloc : memref<!tpu.dma_semaphore, #tpu.memory_space<semaphore_mem>>
        %dma_start3A_161 = arith.constant 0 : i32
        %dma_start3A_162 = tpu.memref_slice %arg8[%run_scoped3A_151, %dma_start3A_161] : memref<8x128xi32, #tpu.memory_space<vmem>> -> memref<1x128xi32, #tpu.memory_space<vmem>>
        %dma_start3A_163 = tpu.memref_squeeze %dma_start3A_162 : memref<1x128xi32, #tpu.memory_space<vmem>> -> memref<128xi32, #tpu.memory_space<vmem>>
        %dma_start3A_164 = arith.constant 0 : i32
        %dma_start3A_165 = arith.constant 0 : i32
        %dma_start3A_166 = tpu.memref_slice %arg12[%dma_start3A_164, %dma_start3A_165] : memref<10240x128xf32, #tpu.memory_space<vmem_shared>> -> memref<10240x128xf32, #tpu.memory_space<vmem_shared>>
        tpu.enqueue_indirect_dma source(%arg9 : memref<128x128xf32, #tpu.memory_space<vmem>>) target(%dma_start3A_166 : memref<10240x128xf32, #tpu.memory_space<vmem_shared>>) offsets(%dma_start3A_163 : memref<128xi32, #tpu.memory_space<vmem>>) semaphore(%run_scoped3A_160 : memref<!tpu.dma_semaphore, #tpu.memory_space<semaphore_mem>>) {add = true}
        %dma_wait3A_167 = arith.constant 0 : i32
        %dma_wait3A_168 = tpu.memref_slice %arg8[%run_scoped3A_151, %dma_wait3A_167] : memref<8x128xi32, #tpu.memory_space<vmem>> -> memref<1x128xi32, #tpu.memory_space<vmem>>
        %dma_wait3A_169 = tpu.memref_squeeze %dma_wait3A_168 : memref<1x128xi32, #tpu.memory_space<vmem>> -> memref<128xi32, #tpu.memory_space<vmem>>
        %dma_wait3A_170 = arith.constant 0 : i32
        %dma_wait3A_171 = arith.constant 0 : i32
        %dma_wait3A_172 = tpu.memref_slice %arg12[%dma_wait3A_170, %dma_wait3A_171] : memref<10240x128xf32, #tpu.memory_space<vmem_shared>> -> memref<10240x128xf32, #tpu.memory_space<vmem_shared>>
        tpu.wait_indirect_dma semaphore(%run_scoped3A_160 : memref<!tpu.dma_semaphore, #tpu.memory_space<semaphore_mem>>) src(%arg9 : memref<128x128xf32, #tpu.memory_space<vmem>>) dst(%dma_wait3A_172 : memref<10240x128xf32, #tpu.memory_space<vmem_shared>>)
        tpu.yield
      }) : () -> ()
      %dma_wait3A_152 = arith.constant 7 : i32
      %dma_wait3A_153 = arith.constant 0 : i32
      %dma_wait3A_154 = tpu.memref_slice %arg7[%dma_wait3A_152, %dma_wait3A_153] : memref<8x128xi32, #tpu.memory_space<vmem>> -> memref<1x128xi32, #tpu.memory_space<vmem>>
      %dma_wait3A_155 = tpu.memref_squeeze %dma_wait3A_154 : memref<1x128xi32, #tpu.memory_space<vmem>> -> memref<128xi32, #tpu.memory_space<vmem>>
      %dma_wait3A_156 = arith.constant 0 : i32
      %dma_wait3A_157 = arith.constant 0 : i32
      %dma_wait3A_158 = tpu.memref_slice %arg4[%dma_wait3A_156, %dma_wait3A_157] : memref<10000x128xf32, #tpu.memory_space<hbm>> -> memref<10000x128xf32, #tpu.memory_space<hbm>>
      tpu.wait_indirect_dma semaphore(%arg14 : memref<!tpu.dma_semaphore, #tpu.memory_space<semaphore_mem>>) src(%dma_wait3A_158 : memref<10000x128xf32, #tpu.memory_space<hbm>>) dst(%arg10 : memref<128x128xf32, #tpu.memory_space<vmem>>)
      %run_scoped3A_159 = arith.constant 7 : i32
      "tpu.region"() ({
        %run_scoped3A_160 = tpu.sem_alloc : memref<!tpu.dma_semaphore, #tpu.memory_space<semaphore_mem>>
        %dma_start3A_161 = arith.constant 0 : i32
        %dma_start3A_162 = tpu.memref_slice %arg8[%run_scoped3A_159, %dma_start3A_161] : memref<8x128xi32, #tpu.memory_space<vmem>> -> memref<1x128xi32, #tpu.memory_space<vmem>>
        %dma_start3A_163 = tpu.memref_squeeze %dma_start3A_162 : memref<1x128xi32, #tpu.memory_space<vmem>> -> memref<128xi32, #tpu.memory_space<vmem>>
        %dma_start3A_164 = arith.constant 0 : i32
        %dma_start3A_165 = arith.constant 0 : i32
        %dma_start3A_166 = tpu.memref_slice %arg12[%dma_start3A_164, %dma_start3A_165] : memref<10240x128xf32, #tpu.memory_space<vmem_shared>> -> memref<10240x128xf32, #tpu.memory_space<vmem_shared>>
        tpu.enqueue_indirect_dma source(%arg10 : memref<128x128xf32, #tpu.memory_space<vmem>>) target(%dma_start3A_166 : memref<10240x128xf32, #tpu.memory_space<vmem_shared>>) offsets(%dma_start3A_163 : memref<128xi32, #tpu.memory_space<vmem>>) semaphore(%run_scoped3A_160 : memref<!tpu.dma_semaphore, #tpu.memory_space<semaphore_mem>>) {add = true}
        %dma_wait3A_167 = arith.constant 0 : i32
        %dma_wait3A_168 = tpu.memref_slice %arg8[%run_scoped3A_159, %dma_wait3A_167] : memref<8x128xi32, #tpu.memory_space<vmem>> -> memref<1x128xi32, #tpu.memory_space<vmem>>
        %dma_wait3A_169 = tpu.memref_squeeze %dma_wait3A_168 : memref<1x128xi32, #tpu.memory_space<vmem>> -> memref<128xi32, #tpu.memory_space<vmem>>
        %dma_wait3A_170 = arith.constant 0 : i32
        %dma_wait3A_171 = arith.constant 0 : i32
        %dma_wait3A_172 = tpu.memref_slice %arg12[%dma_wait3A_170, %dma_wait3A_171] : memref<10240x128xf32, #tpu.memory_space<vmem_shared>> -> memref<10240x128xf32, #tpu.memory_space<vmem_shared>>
        tpu.wait_indirect_dma semaphore(%run_scoped3A_160 : memref<!tpu.dma_semaphore, #tpu.memory_space<semaphore_mem>>) src(%arg10 : memref<128x128xf32, #tpu.memory_space<vmem>>) dst(%dma_wait3A_172 : memref<10240x128xf32, #tpu.memory_space<vmem_shared>>)
        tpu.yield
      }) : () -> ()
    }
    %barrier3A_30 = arith.constant 0 : index
    tpu.barrier barrier_id(%barrier3A_30)
    %eq3A_31 = arith.constant 0 : i32
    %eq3A_32 = arith.cmpi eq, %arg0, %eq3A_31 : i32
    %convert_element_type3A = arith.extui %eq3A_32 : i1 to i32
    %cond3A = arith.constant 0 : i32
    %cond3A_33 = arith.cmpi ne, %convert_element_type3A, %cond3A : i32
    scf.if %cond3A_33 {
      %mul3A_39 = arith.constant 640 : i32
      %mul3A_40 = arith.muli %arg1, %mul3A_39 : i32
      %mul3A_41 = arith.constant 640 : i32
      %mul3A_42 = arith.muli %arg1, %mul3A_41 : i32
      "tpu.region"() ({
        %run_scoped3A = tpu.sem_alloc : memref<!tpu.dma_semaphore, #tpu.memory_space<semaphore_mem>>
        %dma_start3A = arith.constant 0 : i32
        %dma_start3A_43 = tpu.memref_slice %arg5[%mul3A_42, %dma_start3A] : memref<10240x128xf32, #tpu.memory_space<hbm>> -> memref<640x128xf32, #tpu.memory_space<hbm>>
        %dma_start3A_44 = arith.constant 0 : i32
        %dma_start3A_45 = tpu.memref_slice %arg12[%mul3A_40, %dma_start3A_44] : memref<10240x128xf32, #tpu.memory_space<vmem_shared>> -> memref<640x128xf32, #tpu.memory_space<vmem_shared>>
        tpu.enqueue_dma source(%dma_start3A_45 : memref<640x128xf32, #tpu.memory_space<vmem_shared>>) target(%dma_start3A_43 : memref<640x128xf32, #tpu.memory_space<hbm>>) target_semaphore(%run_scoped3A : memref<!tpu.dma_semaphore, #tpu.memory_space<semaphore_mem>>)
        %dma_wait3A = arith.constant 0 : i32
        %dma_wait3A_46 = tpu.memref_slice %arg5[%mul3A_42, %dma_wait3A] : memref<10240x128xf32, #tpu.memory_space<hbm>> -> memref<640x128xf32, #tpu.memory_space<hbm>>
        %dma_wait3A_47 = arith.constant 0 : i32
        %dma_wait3A_48 = tpu.memref_slice %arg12[%mul3A_40, %dma_wait3A_47] : memref<10240x128xf32, #tpu.memory_space<vmem_shared>> -> memref<640x128xf32, #tpu.memory_space<vmem_shared>>
        tpu.wait_dma2 semaphore(%run_scoped3A : memref<!tpu.dma_semaphore, #tpu.memory_space<semaphore_mem>>) src(%dma_wait3A_48 : memref<640x128xf32, #tpu.memory_space<vmem_shared>>) dst(%dma_wait3A_46 : memref<640x128xf32, #tpu.memory_space<hbm>>)
        tpu.yield
      }) : () -> ()
    } else {
    }
    %eq3A_34 = arith.constant 1 : i32
    %eq3A_35 = arith.cmpi eq, %arg0, %eq3A_34 : i32
    %convert_element_type3A_36 = arith.extui %eq3A_35 : i1 to i32
    %cond3A_37 = arith.constant 0 : i32
    %cond3A_38 = arith.cmpi ne, %convert_element_type3A_36, %cond3A_37 : i32
    scf.if %cond3A_38 {
      %mul3A_39 = arith.constant 640 : i32
      %mul3A_40 = arith.muli %arg1, %mul3A_39 : i32
      %mul3A_41 = arith.constant 640 : i32
      %mul3A_42 = arith.muli %arg1, %mul3A_41 : i32
      "tpu.region"() ({
        %run_scoped3A = tpu.sem_alloc : memref<!tpu.dma_semaphore, #tpu.memory_space<semaphore_mem>>
        %dma_start3A = arith.constant 0 : i32
        %dma_start3A_43 = tpu.memref_slice %arg6[%mul3A_42, %dma_start3A] : memref<10240x128xf32, #tpu.memory_space<hbm>> -> memref<640x128xf32, #tpu.memory_space<hbm>>
        %dma_start3A_44 = arith.constant 0 : i32
        %dma_start3A_45 = tpu.memref_slice %arg12[%mul3A_40, %dma_start3A_44] : memref<10240x128xf32, #tpu.memory_space<vmem_shared>> -> memref<640x128xf32, #tpu.memory_space<vmem_shared>>
        tpu.enqueue_dma source(%dma_start3A_45 : memref<640x128xf32, #tpu.memory_space<vmem_shared>>) target(%dma_start3A_43 : memref<640x128xf32, #tpu.memory_space<hbm>>) target_semaphore(%run_scoped3A : memref<!tpu.dma_semaphore, #tpu.memory_space<semaphore_mem>>)
        %dma_wait3A = arith.constant 0 : i32
        %dma_wait3A_46 = tpu.memref_slice %arg6[%mul3A_42, %dma_wait3A] : memref<10240x128xf32, #tpu.memory_space<hbm>> -> memref<640x128xf32, #tpu.memory_space<hbm>>
        %dma_wait3A_47 = arith.constant 0 : i32
        %dma_wait3A_48 = tpu.memref_slice %arg12[%mul3A_40, %dma_wait3A_47] : memref<10240x128xf32, #tpu.memory_space<vmem_shared>> -> memref<640x128xf32, #tpu.memory_space<vmem_shared>>
        tpu.wait_dma2 semaphore(%run_scoped3A : memref<!tpu.dma_semaphore, #tpu.memory_space<semaphore_mem>>) src(%dma_wait3A_48 : memref<640x128xf32, #tpu.memory_space<vmem_shared>>) dst(%dma_wait3A_46 : memref<640x128xf32, #tpu.memory_space<hbm>>)
        tpu.yield
      }) : () -> ()
    } else {
    }
    return
  }
}

module attributes {stable_mosaic.version = 14 : i64} {
  func.func @_tc1_body(%arg0: i32, %arg1: memref<1000x128xf32, #tpu.memory_space<vmem>>, %arg2: memref<128x128xf32, #tpu.memory_space<vmem>>, %arg3: memref<2x1000x1xf32, #tpu.memory_space<vmem>>, %arg4: memref<1000x128xf32, #tpu.memory_space<vmem>>, %arg5: memref<1000x128xf32, #tpu.memory_space<vmem>>, %arg6: memref<1000x1xf32, #tpu.memory_space<vmem>>) attributes {dimension_semantics = [#tpu.dimension_semantics<arbitrary>], iteration_bounds = array<i64: 10>, scalar_prefetch = 0 : i64, scratch_operands = 0 : i64, tpu.core_type = #tpu.core_type<tc>, window_params = [{transform_indices = @transform_0, window_bounds = array<i64: 1000, 128>}, {pipeline_mode = #tpu.pipeline_mode<synchronous>, transform_indices = @transform_1, window_bounds = array<i64: 128, 128>}, {transform_indices = @transform_2, window_bounds = array<i64: 2, 1000, 1>}, {transform_indices = @transform_3, window_bounds = array<i64: 1000, 128>}, {transform_indices = @transform_4, window_bounds = array<i64: 1000, 128>}, {transform_indices = @transform_5, window_bounds = array<i64: 1000, 1>}]} {
    %get3A = arith.constant 0 : index
    %get3A_0 = arith.constant 0 : index
    %get3A_1 = vector.load %arg1[%get3A, %get3A_0] : memref<1000x128xf32, #tpu.memory_space<vmem>>, vector<1000x128xf32>
    %get3A_2 = arith.constant 0 : index
    %get3A_3 = arith.constant 0 : index
    %get3A_4 = vector.load %arg2[%get3A_2, %get3A_3] : memref<128x128xf32, #tpu.memory_space<vmem>>, vector<128x128xf32>
    %dot_general3A = arith.constant dense<0.000000e+00> : vector<1000x128xf32>
    %dot_general3A_5 = tpu.matmul %get3A_1, %get3A_4, %dot_general3A {dimension_numbers = #tpu.dot_dimension_numbers<[1], [0], [0], [1], [0, 0, 1, 1], [], []>, transpose_lhs_hint = false} : vector<1000x128xf32>, vector<128x128xf32>, vector<1000x128xf32> -> vector<1000x128xf32>
    %get3A_6 = arith.constant 0 : index
    %get3A_7 = arith.constant 0 : index
    %get3A_8 = arith.constant 0 : index
    %get3A_9 = vector.load %arg3[%get3A_6, %get3A_7, %get3A_8] : memref<2x1000x1xf32, #tpu.memory_space<vmem>>, vector<1x1000x1xf32>
    %get3A_10 = vector.shape_cast %get3A_9 : vector<1x1000x1xf32> to vector<1000x1xf32>
    %get3A_11 = arith.constant 1 : index
    %get3A_12 = arith.constant 0 : index
    %get3A_13 = arith.constant 0 : index
    %get3A_14 = vector.load %arg3[%get3A_11, %get3A_12, %get3A_13] : memref<2x1000x1xf32, #tpu.memory_space<vmem>>, vector<1x1000x1xf32>
    %get3A_15 = vector.shape_cast %get3A_14 : vector<1x1000x1xf32> to vector<1000x1xf32>
    %add3A = arith.addf %get3A_10, %get3A_15 : vector<1000x1xf32>
    %add3A_16 = arith.constant 1.000000e+00 : f32
    %add3A_17 = vector.broadcast %add3A_16 : f32 to vector<1000x1xf32>
    %add3A_18 = arith.addf %add3A, %add3A_17 : vector<1000x1xf32>
    %rsqrt3A = math.rsqrt %add3A_18 : vector<1000x1xf32>
    %swap3A = arith.constant 0 : index
    %swap3A_19 = arith.constant 0 : index
    %swap3A_20 = vector.load %arg5[%swap3A, %swap3A_19] : memref<1000x128xf32, #tpu.memory_space<vmem>>, vector<1000x128xf32>
    tpu.vector_store %arg5[%swap3A, %swap3A_19], %dot_general3A_5 {strides = array<i32>} : memref<1000x128xf32, #tpu.memory_space<vmem>>, vector<1000x128xf32>,
    %mul3A = vector.broadcast %rsqrt3A : vector<1000x1xf32> to vector<1000x128xf32>
    %mul3A_21 = arith.mulf %dot_general3A_5, %mul3A : vector<1000x128xf32>
    %swap3A_22 = arith.constant 0 : index
    %swap3A_23 = arith.constant 0 : index
    %swap3A_24 = vector.load %arg4[%swap3A_22, %swap3A_23] : memref<1000x128xf32, #tpu.memory_space<vmem>>, vector<1000x128xf32>
    tpu.vector_store %arg4[%swap3A_22, %swap3A_23], %mul3A_21 {strides = array<i32>} : memref<1000x128xf32, #tpu.memory_space<vmem>>, vector<1000x128xf32>,
    %swap3A_25 = arith.constant 0 : index
    %swap3A_26 = arith.constant 0 : index
    %swap3A_27 = vector.load %arg6[%swap3A_25, %swap3A_26] : memref<1000x1xf32, #tpu.memory_space<vmem>>, vector<1000x1xf32>
    tpu.vector_store %arg6[%swap3A_25, %swap3A_26], %rsqrt3A {strides = array<i32>} : memref<1000x1xf32, #tpu.memory_space<vmem>>, vector<1000x1xf32>,
    return
  }
  func.func @transform_0(%arg0: i32) -> (i32, i32) {
    %c0_i32 = arith.constant 0 : i32
    %c0_i32_0 = arith.constant 0 : i32
    return %arg0, %c0_i32 : i32, i32
  }
  func.func @transform_1(%arg0: i32) -> (i32, i32) {
    %c0_i32 = arith.constant 0 : i32
    %c0_i32_0 = arith.constant 0 : i32
    %c0_i32_1 = arith.constant 0 : i32
    return %c0_i32, %c0_i32_0 : i32, i32
  }
  func.func @transform_2(%arg0: i32) -> (i32, i32, i32) {
    %c0_i32 = arith.constant 0 : i32
    %c0_i32_0 = arith.constant 0 : i32
    %c0_i32_1 = arith.constant 0 : i32
    return %c0_i32, %arg0, %c0_i32_0 : i32, i32, i32
  }
  func.func @transform_3(%arg0: i32) -> (i32, i32) {
    %c0_i32 = arith.constant 0 : i32
    %c0_i32_0 = arith.constant 0 : i32
    return %arg0, %c0_i32 : i32, i32
  }
  func.func @transform_4(%arg0: i32) -> (i32, i32) {
    %c0_i32 = arith.constant 0 : i32
    %c0_i32_0 = arith.constant 0 : i32
    return %arg0, %c0_i32 : i32, i32
  }
  func.func @transform_5(%arg0: i32) -> (i32, i32) {
    %c0_i32 = arith.constant 0 : i32
    %c0_i32_0 = arith.constant 0 : i32
    return %arg0, %c0_i32 : i32, i32
  }
}

module attributes {stable_mosaic.version = 14 : i64} {
  func.func @_tc2_body(%arg0: i32, %arg1: memref<1000x128xf32, #tpu.memory_space<vmem>>, %arg2: memref<1000x128xf32, #tpu.memory_space<vmem>>, %arg3: memref<1000x128xf32, #tpu.memory_space<vmem>>, %arg4: memref<1000x1xf32, #tpu.memory_space<vmem>>, %arg5: memref<1x128xf32, #tpu.memory_space<vmem>>, %arg6: memref<128x16xf32, #tpu.memory_space<vmem>>, %arg7: memref<1000x16xf32, #tpu.memory_space<vmem>>) attributes {dimension_semantics = [#tpu.dimension_semantics<arbitrary>], iteration_bounds = array<i64: 10>, scalar_prefetch = 0 : i64, scratch_operands = 0 : i64, tpu.core_type = #tpu.core_type<tc>, window_params = [{transform_indices = @transform_0, window_bounds = array<i64: 1000, 128>}, {transform_indices = @transform_1, window_bounds = array<i64: 1000, 128>}, {transform_indices = @transform_2, window_bounds = array<i64: 1000, 128>}, {transform_indices = @transform_3, window_bounds = array<i64: 1000, 1>}, {pipeline_mode = #tpu.pipeline_mode<synchronous>, transform_indices = @transform_4, window_bounds = array<i64: 1, 128>}, {pipeline_mode = #tpu.pipeline_mode<synchronous>, transform_indices = @transform_5, window_bounds = array<i64: 128, 16>}, {transform_indices = @transform_6, window_bounds = array<i64: 1000, 16>}]} {
    %get3A = arith.constant 0 : index
    %get3A_0 = arith.constant 0 : index
    %get3A_1 = vector.load %arg4[%get3A, %get3A_0] : memref<1000x1xf32, #tpu.memory_space<vmem>>, vector<1000x1xf32>
    %get3A_2 = arith.constant 0 : index
    %get3A_3 = arith.constant 0 : index
    %get3A_4 = vector.load %arg1[%get3A_2, %get3A_3] : memref<1000x128xf32, #tpu.memory_space<vmem>>, vector<1000x128xf32>
    %get3A_5 = arith.constant 0 : index
    %get3A_6 = arith.constant 0 : index
    %get3A_7 = vector.load %arg2[%get3A_5, %get3A_6] : memref<1000x128xf32, #tpu.memory_space<vmem>>, vector<1000x128xf32>
    %add3A = arith.addf %get3A_4, %get3A_7 : vector<1000x128xf32>
    %mul3A = vector.broadcast %get3A_1 : vector<1000x1xf32> to vector<1000x128xf32>
    %mul3A_8 = arith.mulf %add3A, %mul3A : vector<1000x128xf32>
    %get3A_9 = arith.constant 0 : index
    %get3A_10 = arith.constant 0 : index
    %get3A_11 = vector.load %arg3[%get3A_9, %get3A_10] : memref<1000x128xf32, #tpu.memory_space<vmem>>, vector<1000x128xf32>
    %mul3A_12 = arith.mulf %get3A_1, %get3A_1 : vector<1000x1xf32>
    %mul3A_13 = vector.broadcast %mul3A_12 : vector<1000x1xf32> to vector<1000x128xf32>
    %mul3A_14 = arith.mulf %get3A_11, %mul3A_13 : vector<1000x128xf32>
    %add3A_15 = arith.addf %mul3A_8, %mul3A_14 : vector<1000x128xf32>
    %get3A_16 = arith.constant 0 : index
    %get3A_17 = arith.constant 0 : index
    %get3A_18 = vector.load %arg5[%get3A_16, %get3A_17] : memref<1x128xf32, #tpu.memory_space<vmem>>, vector<1x128xf32>
    %add3A_19 = vector.broadcast %get3A_18 : vector<1x128xf32> to vector<1000x128xf32>
    %add3A_20 = arith.addf %add3A_15, %add3A_19 : vector<1000x128xf32>
    %max3A = arith.constant 0.000000e+00 : f32
    %max3A_21 = vector.broadcast %max3A : f32 to vector<1000x128xf32>
    %max3A_22 = arith.maximumf %add3A_20, %max3A_21 : vector<1000x128xf32>
    %get3A_23 = arith.constant 0 : index
    %get3A_24 = arith.constant 0 : index
    %get3A_25 = vector.load %arg6[%get3A_23, %get3A_24] : memref<128x16xf32, #tpu.memory_space<vmem>>, vector<128x16xf32>
    %dot_general3A = arith.constant dense<0.000000e+00> : vector<1000x16xf32>
    %dot_general3A_26 = tpu.matmul %max3A_22, %get3A_25, %dot_general3A {dimension_numbers = #tpu.dot_dimension_numbers<[1], [0], [0], [1], [0, 0, 1, 1], [], []>, transpose_lhs_hint = false} : vector<1000x128xf32>, vector<128x16xf32>, vector<1000x16xf32> -> vector<1000x16xf32>
    %mul3A_27 = vector.broadcast %get3A_1 : vector<1000x1xf32> to vector<1000x16xf32>
    %mul3A_28 = arith.mulf %dot_general3A_26, %mul3A_27 : vector<1000x16xf32>
    %swap3A = arith.constant 0 : index
    %swap3A_29 = arith.constant 0 : index
    %swap3A_30 = vector.load %arg7[%swap3A, %swap3A_29] : memref<1000x16xf32, #tpu.memory_space<vmem>>, vector<1000x16xf32>
    tpu.vector_store %arg7[%swap3A, %swap3A_29], %mul3A_28 {strides = array<i32>} : memref<1000x16xf32, #tpu.memory_space<vmem>>, vector<1000x16xf32>,
    return
  }
  func.func @transform_0(%arg0: i32) -> (i32, i32) {
    %c0_i32 = arith.constant 0 : i32
    %c0_i32_0 = arith.constant 0 : i32
    return %arg0, %c0_i32 : i32, i32
  }
  func.func @transform_1(%arg0: i32) -> (i32, i32) {
    %c0_i32 = arith.constant 0 : i32
    %c0_i32_0 = arith.constant 0 : i32
    return %arg0, %c0_i32 : i32, i32
  }
  func.func @transform_2(%arg0: i32) -> (i32, i32) {
    %c0_i32 = arith.constant 0 : i32
    %c0_i32_0 = arith.constant 0 : i32
    return %arg0, %c0_i32 : i32, i32
  }
  func.func @transform_3(%arg0: i32) -> (i32, i32) {
    %c0_i32 = arith.constant 0 : i32
    %c0_i32_0 = arith.constant 0 : i32
    return %arg0, %c0_i32 : i32, i32
  }
  func.func @transform_4(%arg0: i32) -> (i32, i32) {
    %c0_i32 = arith.constant 0 : i32
    %c0_i32_0 = arith.constant 0 : i32
    %c0_i32_1 = arith.constant 0 : i32
    return %c0_i32, %c0_i32_0 : i32, i32
  }
  func.func @transform_5(%arg0: i32) -> (i32, i32) {
    %c0_i32 = arith.constant 0 : i32
    %c0_i32_0 = arith.constant 0 : i32
    %c0_i32_1 = arith.constant 0 : i32
    return %c0_i32, %c0_i32_0 : i32, i32
  }
  func.func @transform_6(%arg0: i32) -> (i32, i32) {
    %c0_i32 = arith.constant 0 : i32
    %c0_i32_0 = arith.constant 0 : i32
    return %arg0, %c0_i32 : i32, i32
  }
}

</mosaic_0001>

<sc_bundles>
// kernel: kernel.10.cloned.1.call-start
scs
__scs_entry_jumppad:
0x0: {  	(pc) =	sbr.rel $0x88, $3  }
0x1: {  	(tag) =	ssettag $0x0;
	lr =	simm.s32 $0x1  }
0x2: {  	[smem:$0x3F9B] =	sst lr;
	_ =	strace $0xD0000000  }
0x3: {  	_ = 	snop  }
0x4: {  	_ = 	snop  }
0x5: {  	_ = 	snop  }
0x6: {  	_ = 	snop  }
0x7: {  	_ = 	snop  }
__scs_overlays_trampoline_lowered:
0x8: {  	[smem:$0x3FAA] =	sst s0  }
0x9: {  	[smem:$0x3FAB] =	sst s1  }
0xa: {  	[smem:$0x3FAC] =	sst s2  }
0xb: {  	[smem:$0x3FAD] =	sst s3  }
0xc: {  	[smem:$0x3FAE] =	sst s4  }
0xd: {  	[smem:$0x3FAF] =	sst s5  }
0xe: {  	[smem:$0x3FB0] =	sst s6  }
0xf: {  	[smem:$0x3FB1] =	sst s7  }
0x10: {  	[smem:$0x3FB2] =	sst s8  }
0x11: {  	[smem:$0x3FB3] =	sst s9;
	s0 =	simm.s32 @!p0 $0x0  }
0x12: {  	s1 =	sld [smem:$0x3F99];
	s0 =	simm.s32 @p0 $0x1  }
0x13: {  	[smem:$0x3FB4] =	sst s0;
	s0 =	simm.s32 @!p1 $0x0  }
0x14: {  	s2 =	sld [smem:$0x3F98];
	s0 =	simm.s32 @p1 $0x1  }
0x15: {  	[smem:$0x3FB5] =	sst s0;
	s0 =	simm.s32 @!p2 $0x0  }
0x16: {  	s3 =	sld [smem:$0x3FDB];
	s0 =	simm.s32 @p2 $0x1  }
0x17: {  	s4 =	simm.s32 $0x1BF5;
	[smem:$0x3FB7] =	sst s0  }
0x18: {  	s0 =	sld [smem:$0x3F9A];
	_ =	swait.ge [sflag:s4], $0x0  }
0x19: {  	s7 =	sld [smem:$0x3F9B]  }
0x1a: {  	s8 =	sadd.s32 $0xFFFFE003, lr  }
0x1b: {  	s9 =	sadd.s32 $0xFFFFFEF7, lr;
	s5 =	simm.s32 $0xFFFFFFFF;
	p2 =	slt.u32 s8, $0xFFFFF086  }
0x1c: {  	p1 =	slt.u32 s9, $0xF7A;
	s5 =	simm.s32 @!p2 $0x0  }
0x1d: {  	s5 =	simm.s32 @p1 $0x1;
	p0 =	seq.s32 s7, s2  }
0x1e: {  	s7 =	smul.u32 @!p0 $0xF7A, s2;
	p2 =	seq.s32 @!p0 s5, $0x0  }
0x1f: {  	s9 =	smul.u32 $0xF7A, s1;
	s8 =	simm.s32 @!p0 $0x1BF5;
	p2 =	por !p2, p0  }
0x20: {  	[sflag:s8] =	ssyncset.s32 @!p0 $0xFFFFF086;
	s6 =	sadd.s32 @!p0 s3, s7;
	s7 =	simm.s32 @!p0 $0x108  }
0x21: {  	s3 =	sadd.s32 s3, s9;
	s6 =	sadd.s32 @!p0 $0x88, s6;
	s7 =	simm.s32 @p2 $0x1082  }
0x22: {  	[simem:s7], [sflag:s8] =	dma.local @!p0 [hbm:s6], $0xF7A  }
0x23: {  	s9 =	sor.u32 $0xD0000000, s2;
	s6 =	simm.s32 $0x108;
	_ =	swait.ge @!p0 [sflag:s8], $0x0  }
0x24: {  	s3 =	sadd.s32 $0x88, s3;
	s6 =	simm.s32 @!p1 $0x1082;
	[sflag:s4] =	ssyncset.s32 $0xFFFFF086  }
0x25: {  	[simem:s6], [sflag:s4] =	dma.local [hbm:s3], $0xF7A  }
0x26: {  	[smem:$0x3F9B] =	sst s1;
	(tag) =	ssettag s2;
	_ =	strace s9  }
0x27: {  	s1 =	sld [smem:$0x3FAB]  }
0x28: {  	s2 =	sld [smem:$0x3FAC]  }
0x29: {  	s4 =	sld [smem:$0x3FAE]  }
0x2a: {  	p0 =	seq.s32 s5, $0x0;
	s5 =	sld [smem:$0x3FAF]  }
0x2b: {  	s6 =	sld [smem:$0x3FB0]  }
0x2c: {  	s7 =	sld [smem:$0x3FB1]  }
0x2d: {  	s3 =	simm.s32 $0x108;
	s8 =	sld [smem:$0x3FB2]  }
0x2e: {  	s3 =	simm.s32 @!p0 $0x1082;
	s9 =	sld [smem:$0x3FB3]  }
0x2f: {  	lr =	sadd.s32 s0, s3;
	s0 =	sld [smem:$0x3FAA]  }
0x30: {  	s3 =	sld [smem:$0x3FAD]  }
0x31: {  	[smem:$0x3FB6] =	sst s10  }
0x32: {  	s10 =	sld [smem:$0x3FB4];
	_ =	sdelay $0x3  }
0x33: {  	p0 =	seq.s32 s10, $0x1;
	s10 =	sld [smem:$0x3FB6];
	_ =	sdelay $0x3  }
0x34: {  	[smem:$0x3FB6] =	sst s10  }
0x35: {  	s10 =	sld [smem:$0x3FB5];
	_ =	sdelay $0x3  }
0x36: {  	p1 =	seq.s32 s10, $0x1;
	s10 =	sld [smem:$0x3FB6];
	_ =	sdelay $0x3  }
0x37: {  	[smem:$0x3FB6] =	sst s10  }
0x38: {  	s10 =	sld [smem:$0x3FB7]  }
0x39: {  	_ = 	snop;
	(pc) =	sbr.ind lr, $3  }
0x3a: {  	_ = 	snop  }
0x3b: {  	_ = 	snop  }
0x3c: {  	p2 =	seq.s32 s10, $0x1;
	s10 =	sld [smem:$0x3FB6]  }
0x3d: {  	_ =	shalt  }
0x3e: {  	_ =	shalt  }
0x3f: {  	_ =	shalt  }
0x40: {  	_ =	shalt  }
0x41: {  	_ =	shalt  }
0x42: {  	_ =	shalt  }
0x43: {  	_ =	shalt  }
0x44: {  	_ =	shalt  }
0x45: {  	_ =	shalt  }
0x46: {  	_ =	shalt  }
0x47: {  	_ =	shalt  }
0x48: {  	_ =	shalt  }
0x49: {  	_ =	shalt  }
0x4a: {  	_ =	shalt  }
0x4b: {  	_ =	shalt  }
0x4c: {  	_ =	shalt  }
0x4d: {  	_ =	shalt  }
0x4e: {  	_ =	shalt  }
0x4f: {  	_ =	shalt  }
0x50: {  	_ =	shalt  }
0x51: {  	_ =	shalt  }
0x52: {  	_ =	shalt  }
0x53: {  	_ =	shalt  }
0x54: {  	_ =	shalt  }
0x55: {  	_ =	shalt  }
0x56: {  	_ =	shalt  }
0x57: {  	_ =	shalt  }
0x58: {  	_ =	shalt  }
0x59: {  	_ =	shalt  }
0x5a: {  	_ =	shalt  }
0x5b: {  	_ =	shalt  }
0x5c: {  	_ =	shalt  }
0x5d: {  	_ =	shalt  }
0x5e: {  	_ =	shalt  }
0x5f: {  	_ =	shalt  }
0x60: {  	_ =	shalt  }
0x61: {  	_ =	shalt  }
0x62: {  	_ =	shalt  }
0x63: {  	_ =	shalt  }
0x64: {  	_ =	shalt  }
0x65: {  	_ =	shalt  }
0x66: {  	_ =	shalt  }
0x67: {  	_ =	shalt  }
0x68: {  	_ =	shalt  }
0x69: {  	_ =	shalt  }
0x6a: {  	_ =	shalt  }
0x6b: {  	_ =	shalt  }
0x6c: {  	_ =	shalt  }
0x6d: {  	_ =	shalt  }
0x6e: {  	_ =	shalt  }
0x6f: {  	_ =	shalt  }
0x70: {  	_ =	shalt  }
0x71: {  	_ =	shalt  }
0x72: {  	_ =	shalt  }
0x73: {  	_ =	shalt  }
0x74: {  	_ =	shalt  }
0x75: {  	_ =	shalt  }
0x76: {  	_ =	shalt  }
0x77: {  	_ =	shalt  }
0x78: {  	_ =	shalt  }
0x79: {  	_ =	shalt  }
0x7a: {  	_ =	shalt  }
0x7b: {  	_ =	shalt  }
0x7c: {  	_ =	shalt  }
0x7d: {  	_ =	shalt  }
0x7e: {  	_ =	shalt  }
0x7f: {  	_ =	shalt  }
0x80: {  	_ =	shalt  }
0x81: {  	_ =	shalt  }
0x82: {  	_ =	shalt  }
0x83: {  	_ =	shalt  }
0x84: {  	_ =	shalt  }
0x85: {  	_ =	shalt  }
0x86: {  	_ =	shalt  }
0x87: {  	_ =	shalt  }
.Lfunc_end0:
.L_simem_size_0:
called_computation.1_lowered:
.L_overlay_start_0:
0x88: {  	s2 =	sld [smem:$0x3FD9]  }
0x89: {  	s3 =	sld [smem:$0x3FFE];
	_ =	sdelay $0x1  }
0x8a: {  	s1 =	srdreg.scid  }
0x8b: {  	s0 =	sand.u32 $0x1, s1  }
0x8c: {  	s16 =	sshll.u32 s0, $0xA;
	s2 =	sadd.s32 s3, s2  }
0x8d: {  	s2 =	sadd.s32 s2, s16  }
0x8e: {  	[smem:$0x3FC2] =	sst s2  }
0x8f: {  	_ = 	snop  }
0x90: {  	(tm) =	ssettm $0x1  }
0x91: {  	s17 =	sld [smem:$0x3FFB];
	_ =	sdelay $0x3  }
0x92: {  	_ =	strace s17  }
0x93: {  	s2 =	sld [smem:$0x3FFC];
	_ =	sdelay $0x3  }
0x94: {  	_ =	strace s2  }
0x95: {  	s2 =	sld [smem:$0x3FFD];
	_ =	sdelay $0x3  }
0x96: {  	_ =	strace s2  }
0x97: {  	_ =	strace $0x8FFFFFFF  }
0x98: {  	s18 =	sld [smem:$0x3FDB];
	_ =	sdelay $0x1  }
0x99: {  	s19 =	simm.s32 $_scs_section_size  }
0x9a: {  	s4 =	simm.s32 $_size__tile_overlayer_lowered;
	s5 =	simm.s32 $_tile_overlayer_lowered  }
0x9b: {  	s22 =	simm.s32 $0x1BFF;
	s21 =	sshll.u32 s5, $0x1;
	s2 =	sadd.s32 s19, s18  }
0x9c: {  	s6 =	simm.s32 $0x0;
	s20 =	sshll.u32 s4, $0x1;
	s4 =	sadd.s32 s21, s2  }
0x9d: {  	[timem:s6], [sflag:s22] =	dma.local [hbm:s4], s20  }
0x9e: {  	_ =	swait.ge [sflag:s22], s20  }
0x9f: {  	s3 =	ssub.s32 $0x0, s20;
	[sflag:s22] =	ssyncset.done $0x0  }
0xa0: {  	[sflag:s22] =	ssyncadd.s32 s3;
	_ =	sdelay $0x1  }
0xa1: {  	s23 =	simm.s32 $0x1B8B  }
0xa2: {  	_ =	swait.ge [sflag:s23], $0x1  }
0xa3: {  	[sflag:s23] =	ssyncset.done $0x0  }
0xa4: {  	s25 =	simm.s32 $0x1B8E;
	s24 =	sld [smem:$0x3FFE];
	[sflag:s23] =	ssyncadd.s32 $0xFFFFFFFF  }
0xa5: {  	s26 =	simm.s32 $execute0_lowered;
	[smem:$0x3FD2] =	sst s25  }
0xa6: {  	s4 =	sshll.u32 s26, $0x1;
	_ =	strace $0x80000049;
	[dreg:$0x1] =	wrdreg $0xFFFFFFFF  }
0xa7: {  	s28 =	simm.s32 $_size_execute0_lowered;
	s2 =	sadd.s32 s2, s4;
	[dreg:$0x0] =	wrdreg $0x0  }
0xa8: {  	s4 =	sshll.u32 s28, $0x1;
	[dreg:$0x2] =	wrdreg s2  }
0xa9: {  	[dreg:$0x3] =	wrdreg s4  }
0xaa: {  	[dreg:$0x4] =	wrdreg $0xC0  }
0xab: {  	_ =	task [dreg:s6], $0x5FFFF  }
0xac: {  	[dreg:$0x1] =	wrdreg $0xFFFFFFFF  }
0xad: {  	[dreg:$0x0] =	wrdreg $0x60  }
0xae: {  	[dreg:$0x2] =	wrdreg s24  }
0xaf: {  	[dreg:$0x3] =	wrdreg $0xA8000  }
0xb0: {  	[dreg:$0x4] =	wrdreg $0x9  }
0xb1: {  	_ =	task.clear_ibuf [dreg:s6], $0x5FFFF;
	_ =	strace $0x90000049  }
0xb2: {  	s29 =	simm.s32 $0x9;
	_ =	strace $0x8000004B  }
0xb3: {  	_ =	swait.ge [sflag:s29], $0x1  }
0xb4: {  	[sflag:s29] =	ssyncadd.s32 $0xFFFFFFFF  }
0xb5: {  	_ =	strace $0x9000004B  }
0xb6: {  	_ =	sfence  }
0xb7: {  	s30 =	sld [smem:$0x0];
	_ =	sdelay $0x2  }
0xb8: {  	s31 =	sshll.u32 s1, $0xD;
	s1 =	sshrl.u32 s1, $0x2  }
0xb9: {  	s3 =	sand.u32 $0x4000, s31;
	s1 =	sadd.s32 s1, s30  }
0xba: {  	s0 =	sor.u32 s3, s0;
	s1 =	sshll.u32 s1, $0x11  }
0xbb: {  	s0 =	sor.u32 s1, s0  }
0xbc: {  	s0 =	sadd.s32 $0x8F2B, s0  }
0xbd: {  	[sflag:s0] =	ssyncadd.remote.s32 $0x1  }
0xbe: {  	_ =	sfence.sel $0xFFFF  }
0xbf: {  	[dreg:$0x0] =	wrdreg $0xFFFFFFFF;
	(pc) =	sbr.abs _section_cstart, $3  }
0xc0: {  	[dreg:$0x1] =	wrdreg $0xFFFFFFFF  }
0xc1: {  	_ =	task.clear_ibuf [dreg:s6], $0x2FFFF;
	_ =	strace $0x9FFFFFFF  }
0xc2: {  	(tm) =	ssettm $0x7FFFFFFF  }
0xc3: {  	_ =	shalt  }
tec
execute0_lowered:
.L_overlay_start_1:
0x0: {  	(tag) =	ssettag $0x1  }
0x1: {  	s0 =	rddreg [dreg:$0x0]  }
0x2: {  	s2 =	rddreg [dreg:$0x1]  }
0x3: {  	s1 =	srdreg.scid;
	s10 =	stileid.u32  }
0x4: {  	s3 =	simm.s32 $0x0;
	s28 =	simm.s32 $0x2;
	s29 =	simm.s32 $0x480  }
0x5: {  	s30 =	simm.s32 $0x180;
	s31 =	simm.s32 $0x500;
	s11 =	simm.s32 $0x700  }
0x6: {  	s1 =	sand.u32 $0x1, s1;
	s4 =	smul.u32 $0x98, s10;
	s5 =	sshll.u32 s10, $0x3  }
0x7: {  	[smem:$0x7FF] =	sst s3;
	s7 =	smul.u32 $0x50000, s10;
	s15 =	ssub.s32 $0x2, s1  }
0x8: {  	p0 =	seq.s32 s1, $0x0;
	s5 =	sor.u32 $0x980, s5;
	s9 =	sshrl.u32 s15, $0x1  }
0x9: {  	s5 =	smov.u32 @p0 s4;
	s16 =	sshrl.u32 s7, $0x2;
	s9 =	ssub.s32 s15, s9  }
0xa: {  	s4 =	sshll.u32 s5, $0x4;
	s5 =	sadd.s32 s16, s2;
	s9 =	smax.u32 s9, $0x1  }
0xb: {  	_ =	strace $0x8000004A;
	s18 =	sadd.s32 $0x2000, s5;
	[dreg:$0x3] =	wrdreg s9  }
0xc: {  	s12 =	simm.s32 $0x780;
	s19 =	sadd.s32 $0x4000, s5;
	[dreg:$0x4] =	wrdreg s18  }
0xd: {  	s13 =	simm.s32 $0x0;
	s20 =	sadd.s32 $0x6000, s5;
	[dreg:$0x5] =	wrdreg s19  }
0xe: {  	s8 =	sadd.s32 $0x3BC00, s0;
	s21 =	sadd.s32 $0x8000, s5;
	[dreg:$0x6] =	wrdreg s20  }
0xf: {  	s17 =	smul.u32 $0x2800, s10;
	s22 =	sadd.s32 $0xA000, s5;
	[dreg:$0x7] =	wrdreg s21  }
0x10: {  	s10 =	simm.s32 $0x380;
	s23 =	sadd.s32 $0xC000, s5;
	[dreg:$0x8] =	wrdreg s22  }
0x11: {  	s6 =	sadd.s32 s4, s0;
	s24 =	sadd.s32 $0xE000, s5;
	[dreg:$0x9] =	wrdreg s23  }
0x12: {  	s4 =	sadd.s32 $0x14A00, s0;
	s25 =	sadd.s32 $0x10000, s5;
	[dreg:$0xa] =	wrdreg s24  }
0x13: {  	s0 =	sadd.s32 $0x63C00, s0;
	s26 =	sadd.s32 $0x12000, s5;
	[dreg:$0xb] =	wrdreg s25  }
0x14: {  	s7 =	simm.s32 $0x600;
	s0 =	smov.u32 @p0 s8;
	[dreg:$0xc] =	wrdreg s26  }
0x15: {  	s15 =	sadd.s32 $0xA00, s6;
	s14 =	sadd.s32 $0xAA00, s6;
	s19 =	simm.s32 $0x8800  }
0x16: {  	s20 =	simm.s32 $0x3;
	p0 =	sne.s32 s1, $0x0;
	s21 =	simm.s32 $0x400  }
0x17: {  	s22 =	simm.s32 $0x80;
	s23 =	simm.s32 $0x800;
	s24 =	simm.s32 $0x4800  }
0x18: {  	s25 =	simm.s32 $0x1;
	s26 =	simm.s32 $0x100;
	s1 =	simm.s32 $0x580  }
0x19: {  	s6 =	simm.s32 $0x280;
	s8 =	simm.s32 $0x300;
	s0 =	sadd.s32 s0, s17  }
0x1a: {  	v0 =	vimm.f32 $0.0e+00;
	s9 =	simm.s32 $0x680;
	[dreg:$0xd] =	wrdreg s0;
	s0 =	simm.s32 $0x200  }
.LBB2_1:
0x1b: {  	s16 =	simm.s32 $0x0;
	s17 =	simm.s32 $0x200  }
.LBB2_2:
0x1c: {  	p1 =	sne.s32 s17, $0x7E00;
	[tilespmem:s16+$0x8870] =	vst v0  }
0x1d: {  	[tilespmem:s16+$0x8800] =	vst v0  }
0x1e: {  	[tilespmem:s16+$0x8810] =	vst v0  }
.Ltmp0:
0x1f: {  	[tilespmem:s16+$0x8820] =	vst v0;
	(pc) =	sbr.rel @p1 .LBB2_2-.Ltmp0, $4  }
0x20: {  	[tilespmem:s16+$0x8830] =	vst v0  }
0x21: {  	[tilespmem:s16+$0x8840] =	vst v0  }
0x22: {  	[tilespmem:s16+$0x8850] =	vst v0  }
0x23: {  	[tilespmem:s16+$0x8860] =	vst v0;
	s16 =	sshra.s32 s17, $0x2;
	s17 =	sadd.s32 $0x200, s17  }
0x24: {  	[tilespmem:s16+$0x8870] =	vst v0  }
0x25: {  	[tilespmem:s16+$0x8800] =	vst v0  }
0x26: {  	[tilespmem:s16+$0x8810] =	vst v0  }
0x27: {  	[tilespmem:s16+$0x8820] =	vst v0  }
0x28: {  	[tilespmem:s16+$0x8830] =	vst v0  }
0x29: {  	[tilespmem:s16+$0x8840] =	vst v0  }
0x2a: {  	[tilespmem:s16+$0x8850] =	vst v0  }
0x2b: {  	[tilespmem:s16+$0x8860] =	vst v0  }
0x2c: {  	[spmem:s5] =	stream.linear.scatter [tilespmem:s19], [sflag:$0x3], $0x2000, $0x38;
	[tilespmem:$0x1E800] =	vst v63  }
0x2d: {  	_ =	swait.ge [sflag:s20], $0x2000  }
0x2e: {  	[sflag:s20] =	ssyncset.done $0x0  }
0x2f: {  	s18 =	rddreg [dreg:$0x4];
	[sflag:s20] =	ssyncadd.s32 $0xFFFFE000  }
0x30: {  	[spmem:s18] =	stream.linear.scatter [tilespmem:s19], [sflag:$0x3], $0x2000, $0x38;
	[tilespmem:$0x1E800] =	vst v63  }
0x31: {  	_ =	swait.ge [sflag:s20], $0x2000  }
0x32: {  	[sflag:s20] =	ssyncset.done $0x0  }
0x33: {  	s17 =	rddreg [dreg:$0x5];
	[sflag:s20] =	ssyncadd.s32 $0xFFFFE000  }
0x34: {  	[spmem:s17] =	stream.linear.scatter [tilespmem:s19], [sflag:$0x3], $0x2000, $0x38;
	[tilespmem:$0x1E800] =	vst v63  }
0x35: {  	_ =	swait.ge [sflag:s20], $0x2000  }
0x36: {  	[sflag:s20] =	ssyncset.done $0x0  }
0x37: {  	s18 =	rddreg [dreg:$0x6];
	[sflag:s20] =	ssyncadd.s32 $0xFFFFE000  }
0x38: {  	[spmem:s18] =	stream.linear.scatter [tilespmem:s19], [sflag:$0x3], $0x2000, $0x38;
	[tilespmem:$0x1E800] =	vst v63  }
0x39: {  	_ =	swait.ge [sflag:s20], $0x2000  }
0x3a: {  	[sflag:s20] =	ssyncset.done $0x0  }
0x3b: {  	s17 =	rddreg [dreg:$0x7];
	[sflag:s20] =	ssyncadd.s32 $0xFFFFE000  }
0x3c: {  	[spmem:s17] =	stream.linear.scatter [tilespmem:s19], [sflag:$0x3], $0x2000, $0x38;
	[tilespmem:$0x1E800] =	vst v63  }
0x3d: {  	_ =	swait.ge [sflag:s20], $0x2000  }
0x3e: {  	[sflag:s20] =	ssyncset.done $0x0  }
0x3f: {  	s18 =	rddreg [dreg:$0x8];
	[sflag:s20] =	ssyncadd.s32 $0xFFFFE000  }
0x40: {  	[spmem:s18] =	stream.linear.scatter [tilespmem:s19], [sflag:$0x3], $0x2000, $0x38;
	[tilespmem:$0x1E800] =	vst v63  }
0x41: {  	_ =	swait.ge [sflag:s20], $0x2000  }
0x42: {  	[sflag:s20] =	ssyncset.done $0x0  }
0x43: {  	s17 =	rddreg [dreg:$0x9];
	[sflag:s20] =	ssyncadd.s32 $0xFFFFE000  }
0x44: {  	[spmem:s17] =	stream.linear.scatter [tilespmem:s19], [sflag:$0x3], $0x2000, $0x38;
	[tilespmem:$0x1E800] =	vst v63  }
0x45: {  	_ =	swait.ge [sflag:s20], $0x2000  }
0x46: {  	[sflag:s20] =	ssyncset.done $0x0  }
0x47: {  	s18 =	rddreg [dreg:$0xa];
	[sflag:s20] =	ssyncadd.s32 $0xFFFFE000  }
0x48: {  	[spmem:s18] =	stream.linear.scatter [tilespmem:s19], [sflag:$0x3], $0x2000, $0x38;
	[tilespmem:$0x1E800] =	vst v63  }
0x49: {  	_ =	swait.ge [sflag:s20], $0x2000  }
0x4a: {  	[sflag:s20] =	ssyncset.done $0x0  }
0x4b: {  	s17 =	rddreg [dreg:$0xb];
	[sflag:s20] =	ssyncadd.s32 $0xFFFFE000  }
0x4c: {  	[spmem:s17] =	stream.linear.scatter [tilespmem:s19], [sflag:$0x3], $0x2000, $0x38;
	[tilespmem:$0x1E800] =	vst v63  }
0x4d: {  	_ =	swait.ge [sflag:s20], $0x2000  }
0x4e: {  	[sflag:s20] =	ssyncset.done $0x0  }
0x4f: {  	s18 =	rddreg [dreg:$0xc];
	[sflag:s20] =	ssyncadd.s32 $0xFFFFE000  }
0x50: {  	[spmem:s18] =	stream.linear.scatter [tilespmem:s19], [sflag:$0x3], $0x2000, $0x38;
	[tilespmem:$0x1E800] =	vst v63  }
0x51: {  	_ =	swait.ge [sflag:s20], $0x2000  }
0x52: {  	[sflag:s20] =	ssyncset.done $0x0  }
0x53: {  	s16 =	simm.s32 $0x0;
	[sflag:s20] =	ssyncadd.s32 $0xFFFFE000  }
0x54: {  	s17 =	smov.u32 s15;
	s18 =	smov.u32 s14;
	[bflag:$0x0] =	sbarrier.arrive $0xFFFF  }
.LBB2_4:
0x55: {  	[tilespmem:s3], [sflag:$0x3] =	stream.linear.gather [hbm4b:s18+s3], $0x400, $0x38;
	[tilespmem:$0x1E800] =	vst v63  }
0x56: {  	_ =	swait.ge [sflag:s20], $0x400  }
0x57: {  	[sflag:s20] =	ssyncset.done $0x0  }
0x58: {  	[sflag:s20] =	ssyncadd.s32 $0xFFFFFC00  }
0x59: {  	[tilespmem:s21], [sflag:$0x3] =	stream.linear.gather [hbm4b:s17+s3], $0x400, $0x38;
	[tilespmem:$0x1E800] =	vst v63  }
0x5a: {  	_ =	swait.ge [sflag:s20], $0x400  }
0x5b: {  	[sflag:s20] =	ssyncset.done $0x0  }
0x5c: {  	[sflag:s20] =	ssyncadd.s32 $0xFFFFFC00  }
0x5d: {  	[tilespmem:s23], [sflag:$0x1] =	stream.indirect.gather [hbm4b:s4+s22], $0x80, s3, s22, $0xb8;
	[tilespmem:$0x1E800] =	vst v63  }
0x5e: {  	_ = 	snop  }
0x5f: {  	[tilespmem:s24], [sflag:$0x2] =	stream.indirect.gather [hbm4b:s4+s22], $0x80, s22, s22, $0xb8;
	[tilespmem:$0x1E800] =	vst v63  }
0x60: {  	_ =	swait.ge [sflag:s25], $0x4000  }
0x61: {  	[sflag:s25] =	ssyncset.done $0x0  }
0x62: {  	[sflag:s25] =	ssyncadd.s32 $0xFFFFC000  }
0x63: {  	[spmem:s2] =	stream.indirect.scatter.add.f32 [tilespmem:s23], [sflag:$0x3], $0x80, s21, s22, $0xb8;
	[tilespmem:$0x1E800] =	vst v63  }
0x64: {  	_ =	swait.ge [sflag:s20], $0x4000  }
0x65: {  	[sflag:s20] =	ssyncset.done $0x0  }
0x66: {  	[sflag:s20] =	ssyncadd.s32 $0xFFFFC000  }
0x67: {  	[tilespmem:s23], [sflag:$0x1] =	stream.indirect.gather [hbm4b:s4+s22], $0x80, s26, s22, $0xb8;
	[tilespmem:$0x1E800] =	vst v63  }
0x68: {  	_ =	swait.ge [sflag:s28], $0x4000  }
0x69: {  	[sflag:s28] =	ssyncset.done $0x0  }
0x6a: {  	[sflag:s28] =	ssyncadd.s32 $0xFFFFC000  }
0x6b: {  	[spmem:s2] =	stream.indirect.scatter.add.f32 [tilespmem:s24], [sflag:$0x3], $0x80, s29, s22, $0xb8;
	[tilespmem:$0x1E800] =	vst v63  }
0x6c: {  	_ =	swait.ge [sflag:s20], $0x4000  }
0x6d: {  	[sflag:s20] =	ssyncset.done $0x0  }
0x6e: {  	[sflag:s20] =	ssyncadd.s32 $0xFFFFC000  }
0x6f: {  	[tilespmem:s24], [sflag:$0x2] =	stream.indirect.gather [hbm4b:s4+s22], $0x80, s30, s22, $0xb8;
	[tilespmem:$0x1E800] =	vst v63  }
0x70: {  	_ =	swait.ge [sflag:s25], $0x4000  }
0x71: {  	[sflag:s25] =	ssyncset.done $0x0  }
0x72: {  	[sflag:s25] =	ssyncadd.s32 $0xFFFFC000  }
0x73: {  	[spmem:s2] =	stream.indirect.scatter.add.f32 [tilespmem:s23], [sflag:$0x3], $0x80, s31, s22, $0xb8;
	[tilespmem:$0x1E800] =	vst v63  }
0x74: {  	_ =	swait.ge [sflag:s20], $0x4000  }
0x75: {  	[sflag:s20] =	ssyncset.done $0x0  }
0x76: {  	[sflag:s20] =	ssyncadd.s32 $0xFFFFC000  }
0x77: {  	[tilespmem:s23], [sflag:$0x1] =	stream.indirect.gather [hbm4b:s4+s22], $0x80, s0, s22, $0xb8;
	[tilespmem:$0x1E800] =	vst v63  }
0x78: {  	_ =	swait.ge [sflag:s28], $0x4000  }
0x79: {  	[sflag:s28] =	ssyncset.done $0x0  }
0x7a: {  	[sflag:s28] =	ssyncadd.s32 $0xFFFFC000  }
0x7b: {  	[spmem:s2] =	stream.indirect.scatter.add.f32 [tilespmem:s24], [sflag:$0x3], $0x80, s1, s22, $0xb8;
	[tilespmem:$0x1E800] =	vst v63  }
0x7c: {  	_ =	swait.ge [sflag:s20], $0x4000  }
0x7d: {  	[sflag:s20] =	ssyncset.done $0x0  }
0x7e: {  	[sflag:s20] =	ssyncadd.s32 $0xFFFFC000  }
0x7f: {  	[tilespmem:s24], [sflag:$0x2] =	stream.indirect.gather [hbm4b:s4+s22], $0x80, s6, s22, $0xb8;
	[tilespmem:$0x1E800] =	vst v63  }
0x80: {  	_ =	swait.ge [sflag:s25], $0x4000  }
0x81: {  	[sflag:s25] =	ssyncset.done $0x0  }
0x82: {  	[sflag:s25] =	ssyncadd.s32 $0xFFFFC000  }
0x83: {  	[spmem:s2] =	stream.indirect.scatter.add.f32 [tilespmem:s23], [sflag:$0x3], $0x80, s7, s22, $0xb8;
	[tilespmem:$0x1E800] =	vst v63  }
0x84: {  	_ =	swait.ge [sflag:s20], $0x4000  }
0x85: {  	[sflag:s20] =	ssyncset.done $0x0  }
0x86: {  	[sflag:s20] =	ssyncadd.s32 $0xFFFFC000  }
0x87: {  	[tilespmem:s23], [sflag:$0x1] =	stream.indirect.gather [hbm4b:s4+s22], $0x80, s8, s22, $0xb8;
	[tilespmem:$0x1E800] =	vst v63  }
0x88: {  	_ =	swait.ge [sflag:s28], $0x4000  }
0x89: {  	[sflag:s28] =	ssyncset.done $0x0  }
0x8a: {  	[sflag:s28] =	ssyncadd.s32 $0xFFFFC000  }
0x8b: {  	[spmem:s2] =	stream.indirect.scatter.add.f32 [tilespmem:s24], [sflag:$0x3], $0x80, s9, s22, $0xb8;
	[tilespmem:$0x1E800] =	vst v63  }
0x8c: {  	_ =	swait.ge [sflag:s20], $0x4000  }
0x8d: {  	[sflag:s20] =	ssyncset.done $0x0  }
0x8e: {  	[sflag:s20] =	ssyncadd.s32 $0xFFFFC000  }
0x8f: {  	[tilespmem:s24], [sflag:$0x2] =	stream.indirect.gather [hbm4b:s4+s22], $0x80, s10, s22, $0xb8;
	[tilespmem:$0x1E800] =	vst v63  }
0x90: {  	_ =	swait.ge [sflag:s25], $0x4000  }
0x91: {  	[sflag:s25] =	ssyncset.done $0x0  }
0x92: {  	[sflag:s25] =	ssyncadd.s32 $0xFFFFC000  }
0x93: {  	[spmem:s2] =	stream.indirect.scatter.add.f32 [tilespmem:s23], [sflag:$0x3], $0x80, s11, s22, $0xb8;
	[tilespmem:$0x1E800] =	vst v63  }
0x94: {  	_ =	swait.ge [sflag:s20], $0x4000  }
0x95: {  	[sflag:s20] =	ssyncset.done $0x0  }
0x96: {  	[sflag:s20] =	ssyncadd.s32 $0xFFFFC000  }
0x97: {  	p1 =	slt.u32 @!p0 s16, $0x12;
	_ =	swait.ge [sflag:s28], $0x4000  }
0x98: {  	p1 =	por p0, !p1;
	[sflag:s28] =	ssyncset.done $0x0  }
.Ltmp1:
0x99: {  	[sflag:s28] =	ssyncadd.s32 $0xFFFFC000;
	(pc) =	sbr.rel @!p1 .LBB2_4-.Ltmp1, $4  }
0x9a: {  	[spmem:s2] =	stream.indirect.scatter.add.f32 [tilespmem:s24], [sflag:$0x3], $0x80, s12, s22, $0xb8;
	[tilespmem:$0x1E800] =	vst v63  }
0x9b: {  	_ =	swait.ge [sflag:s20], $0x4000  }
0x9c: {  	s16 =	sadd.s32 $0x1, s16;
	[sflag:s20] =	ssyncset.done $0x0  }
0x9d: {  	s18 =	sadd.s32 $0x80, s18;
	s17 =	sadd.s32 $0x80, s17;
	[sflag:s20] =	ssyncadd.s32 $0xFFFFC000  }
0x9e: {  	s16 =	stileid.u32  }
0x9f: {  	[bflag:$0x0] =	sbarrier.arrive $0xFFFF;
	s16 =	sshll.u32 s16, $0x6  }
0xa0: {  	s17 =	sshrl.u32 s5, $0x3;
	s18 =	rddreg [dreg:$0xd];
	s16 =	sor.u32 $0x1C03, s16  }
0xa1: {  	[hbm:s18], [sflag:s16] =	dma.local [spmem:s17], $0x2800  }
0xa2: {  	_ =	swait.ge [sflag:s20], $0x2800  }
0xa3: {  	s13 =	sadd.s32 $0x1, s13;
	s18 =	rddreg [dreg:$0x3]  }
0xa4: {  	p1 =	sne.s32 s13, s18  }
.Ltmp2:
0xa5: {  	_ = 	snop;
	(pc) =	sbr.rel @p1 .LBB2_1-.Ltmp2, $3  }
0xa6: {  	_ =	sdelay $0x1  }
0xa7: {  	[sflag:s20] =	ssyncset.done $0x0  }
0xa8: {  	[sflag:s20] =	ssyncadd.s32 $0xFFFFD800  }
0xa9: {  	_ =	sfence.sel $0x180000  }
0xaa: {  	[bflag:$0x0] =	sbarrier.arrive $0xFFFF  }
0xab: {  	_ =	strace $0x9000004A  }
0xac: {  	s0 =	stileid.u32;
	[bflag:$0x2] =	sbarrier.arrive $0xFFFF  }
0xad: {  	p0 =	sne.s32 s0, $0x0;
	s0 =	rddreg [dreg:$0x2]  }
0xae: {  	s0 =	sadd.s32 @!p0 $0x100000, s0  }
0xaf: {  	[sflag:s0] =	ssyncadd.tile.s32 @!p0 $0x1;
	_ =	shalt  }
.Lfunc_end2:
_tile_overlayer_lowered:
.L_overlay_start_2:
0xb0: {  	(tag) =	ssettag $0x2  }
0xb1: {  	s0 =	rddreg [dreg:$0x0];
	s2 =	stileid.u32  }
0xb2: {  	s1 =	rddreg [dreg:$0x1];
	p0 =	sne.s32 s2, $0x0  }
0xb3: {  	s3 =	rddreg [dreg:$0x2];
	[bflag:$0x3] =	sbarrier.arrive $0xFFFF;
	s2 =	simm.s32 @!p0 $0x1C03  }
0xb4: {  	[timem:s3], [sflag:s2] =	dma.local @!p0 [hbm:s0], s1  }
0xb5: {  	s0 =	simm.s32 @!p0 $0x3  }
0xb6: {  	_ =	swait.ge @!p0 [sflag:s0], s1  }
0xb7: {  	s1 =	ssub.s32 @!p0 $0x0, s1;
	[sflag:s0] =	ssyncset.done @!p0 $0x0  }
0xb8: {  	[sflag:s0] =	ssyncadd.s32 @!p0 s1  }
0xb9: {  	[bflag:$0x3] =	sbarrier.arrive $0xFFFF  }
0xba: {  	_ =	shalt  }

// kernel: kernel.13.cloned.1.call-start
scs
__scs_entry_jumppad:
0x0: {  	(pc) =	sbr.rel $0x88, $3  }
0x1: {  	(tag) =	ssettag $0x0;
	lr =	simm.s32 $0x1  }
0x2: {  	[smem:$0x3F9B] =	sst lr;
	_ =	strace $0xD0000000  }
0x3: {  	_ = 	snop  }
0x4: {  	_ = 	snop  }
0x5: {  	_ = 	snop  }
0x6: {  	_ = 	snop  }
0x7: {  	_ = 	snop  }
__scs_overlays_trampoline_lowered:
0x8: {  	[smem:$0x3FAA] =	sst s0  }
0x9: {  	[smem:$0x3FAB] =	sst s1  }
0xa: {  	[smem:$0x3FAC] =	sst s2  }
0xb: {  	[smem:$0x3FAD] =	sst s3  }
0xc: {  	[smem:$0x3FAE] =	sst s4  }
0xd: {  	[smem:$0x3FAF] =	sst s5  }
0xe: {  	[smem:$0x3FB0] =	sst s6  }
0xf: {  	[smem:$0x3FB1] =	sst s7  }
0x10: {  	[smem:$0x3FB2] =	sst s8  }
0x11: {  	[smem:$0x3FB3] =	sst s9;
	s0 =	simm.s32 @!p0 $0x0  }
0x12: {  	s1 =	sld [smem:$0x3F99];
	s0 =	simm.s32 @p0 $0x1  }
0x13: {  	[smem:$0x3FB4] =	sst s0;
	s0 =	simm.s32 @!p1 $0x0  }
0x14: {  	s2 =	sld [smem:$0x3F98];
	s0 =	simm.s32 @p1 $0x1  }
0x15: {  	[smem:$0x3FB5] =	sst s0;
	s0 =	simm.s32 @!p2 $0x0  }
0x16: {  	s3 =	sld [smem:$0x3FDB];
	s0 =	simm.s32 @p2 $0x1  }
0x17: {  	s4 =	simm.s32 $0x1BF5;
	[smem:$0x3FB7] =	sst s0  }
0x18: {  	s0 =	sld [smem:$0x3F9A];
	_ =	swait.ge [sflag:s4], $0x0  }
0x19: {  	s7 =	sld [smem:$0x3F9B]  }
0x1a: {  	s8 =	sadd.s32 $0xFFFFE003, lr  }
0x1b: {  	s9 =	sadd.s32 $0xFFFFFEF7, lr;
	s5 =	simm.s32 $0xFFFFFFFF;
	p2 =	slt.u32 s8, $0xFFFFF086  }
0x1c: {  	p1 =	slt.u32 s9, $0xF7A;
	s5 =	simm.s32 @!p2 $0x0  }
0x1d: {  	s5 =	simm.s32 @p1 $0x1;
	p0 =	seq.s32 s7, s2  }
0x1e: {  	s7 =	smul.u32 @!p0 $0xF7A, s2;
	p2 =	seq.s32 @!p0 s5, $0x0  }
0x1f: {  	s9 =	smul.u32 $0xF7A, s1;
	s8 =	simm.s32 @!p0 $0x1BF5;
	p2 =	por !p2, p0  }
0x20: {  	[sflag:s8] =	ssyncset.s32 @!p0 $0xFFFFF086;
	s6 =	sadd.s32 @!p0 s3, s7;
	s7 =	simm.s32 @!p0 $0x108  }
0x21: {  	s3 =	sadd.s32 s3, s9;
	s6 =	sadd.s32 @!p0 $0x88, s6;
	s7 =	simm.s32 @p2 $0x1082  }
0x22: {  	[simem:s7], [sflag:s8] =	dma.local @!p0 [hbm:s6], $0xF7A  }
0x23: {  	s9 =	sor.u32 $0xD0000000, s2;
	s6 =	simm.s32 $0x108;
	_ =	swait.ge @!p0 [sflag:s8], $0x0  }
0x24: {  	s3 =	sadd.s32 $0x88, s3;
	s6 =	simm.s32 @!p1 $0x1082;
	[sflag:s4] =	ssyncset.s32 $0xFFFFF086  }
0x25: {  	[simem:s6], [sflag:s4] =	dma.local [hbm:s3], $0xF7A  }
0x26: {  	[smem:$0x3F9B] =	sst s1;
	(tag) =	ssettag s2;
	_ =	strace s9  }
0x27: {  	s1 =	sld [smem:$0x3FAB]  }
0x28: {  	s2 =	sld [smem:$0x3FAC]  }
0x29: {  	s4 =	sld [smem:$0x3FAE]  }
0x2a: {  	p0 =	seq.s32 s5, $0x0;
	s5 =	sld [smem:$0x3FAF]  }
0x2b: {  	s6 =	sld [smem:$0x3FB0]  }
0x2c: {  	s7 =	sld [smem:$0x3FB1]  }
0x2d: {  	s3 =	simm.s32 $0x108;
	s8 =	sld [smem:$0x3FB2]  }
0x2e: {  	s3 =	simm.s32 @!p0 $0x1082;
	s9 =	sld [smem:$0x3FB3]  }
0x2f: {  	lr =	sadd.s32 s0, s3;
	s0 =	sld [smem:$0x3FAA]  }
0x30: {  	s3 =	sld [smem:$0x3FAD]  }
0x31: {  	[smem:$0x3FB6] =	sst s10  }
0x32: {  	s10 =	sld [smem:$0x3FB4];
	_ =	sdelay $0x3  }
0x33: {  	p0 =	seq.s32 s10, $0x1;
	s10 =	sld [smem:$0x3FB6];
	_ =	sdelay $0x3  }
0x34: {  	[smem:$0x3FB6] =	sst s10  }
0x35: {  	s10 =	sld [smem:$0x3FB5];
	_ =	sdelay $0x3  }
0x36: {  	p1 =	seq.s32 s10, $0x1;
	s10 =	sld [smem:$0x3FB6];
	_ =	sdelay $0x3  }
0x37: {  	[smem:$0x3FB6] =	sst s10  }
0x38: {  	s10 =	sld [smem:$0x3FB7]  }
0x39: {  	_ = 	snop;
	(pc) =	sbr.ind lr, $3  }
0x3a: {  	_ = 	snop  }
0x3b: {  	_ = 	snop  }
0x3c: {  	p2 =	seq.s32 s10, $0x1;
	s10 =	sld [smem:$0x3FB6]  }
0x3d: {  	_ =	shalt  }
0x3e: {  	_ =	shalt  }
0x3f: {  	_ =	shalt  }
0x40: {  	_ =	shalt  }
0x41: {  	_ =	shalt  }
0x42: {  	_ =	shalt  }
0x43: {  	_ =	shalt  }
0x44: {  	_ =	shalt  }
0x45: {  	_ =	shalt  }
0x46: {  	_ =	shalt  }
0x47: {  	_ =	shalt  }
0x48: {  	_ =	shalt  }
0x49: {  	_ =	shalt  }
0x4a: {  	_ =	shalt  }
0x4b: {  	_ =	shalt  }
0x4c: {  	_ =	shalt  }
0x4d: {  	_ =	shalt  }
0x4e: {  	_ =	shalt  }
0x4f: {  	_ =	shalt  }
0x50: {  	_ =	shalt  }
0x51: {  	_ =	shalt  }
0x52: {  	_ =	shalt  }
0x53: {  	_ =	shalt  }
0x54: {  	_ =	shalt  }
0x55: {  	_ =	shalt  }
0x56: {  	_ =	shalt  }
0x57: {  	_ =	shalt  }
0x58: {  	_ =	shalt  }
0x59: {  	_ =	shalt  }
0x5a: {  	_ =	shalt  }
0x5b: {  	_ =	shalt  }
0x5c: {  	_ =	shalt  }
0x5d: {  	_ =	shalt  }
0x5e: {  	_ =	shalt  }
0x5f: {  	_ =	shalt  }
0x60: {  	_ =	shalt  }
0x61: {  	_ =	shalt  }
0x62: {  	_ =	shalt  }
0x63: {  	_ =	shalt  }
0x64: {  	_ =	shalt  }
0x65: {  	_ =	shalt  }
0x66: {  	_ =	shalt  }
0x67: {  	_ =	shalt  }
0x68: {  	_ =	shalt  }
0x69: {  	_ =	shalt  }
0x6a: {  	_ =	shalt  }
0x6b: {  	_ =	shalt  }
0x6c: {  	_ =	shalt  }
0x6d: {  	_ =	shalt  }
0x6e: {  	_ =	shalt  }
0x6f: {  	_ =	shalt  }
0x70: {  	_ =	shalt  }
0x71: {  	_ =	shalt  }
0x72: {  	_ =	shalt  }
0x73: {  	_ =	shalt  }
0x74: {  	_ =	shalt  }
0x75: {  	_ =	shalt  }
0x76: {  	_ =	shalt  }
0x77: {  	_ =	shalt  }
0x78: {  	_ =	shalt  }
0x79: {  	_ =	shalt  }
0x7a: {  	_ =	shalt  }
0x7b: {  	_ =	shalt  }
0x7c: {  	_ =	shalt  }
0x7d: {  	_ =	shalt  }
0x7e: {  	_ =	shalt  }
0x7f: {  	_ =	shalt  }
0x80: {  	_ =	shalt  }
0x81: {  	_ =	shalt  }
0x82: {  	_ =	shalt  }
0x83: {  	_ =	shalt  }
0x84: {  	_ =	shalt  }
0x85: {  	_ =	shalt  }
0x86: {  	_ =	shalt  }
0x87: {  	_ =	shalt  }
.Lfunc_end0:
.L_simem_size_0:
called_computation.2_lowered:
.L_overlay_start_0:
0x88: {  	s0 =	sld [smem:$0x3FD9]  }
0x89: {  	s1 =	sld [smem:$0x3FFE];
	_ =	sdelay $0x3  }
0x8a: {  	s0 =	sadd.s32 s1, s0  }
0x8b: {  	[smem:$0x3FC2] =	sst s0  }
0x8c: {  	_ = 	snop  }
0x8d: {  	s0 =	sld [smem:$0x3FD0];
	(tm) =	ssettm $0x1  }
0x8e: {  	s16 =	sld [smem:$0x3FFB];
	_ =	sdelay $0x3  }
0x8f: {  	_ =	strace s16  }
0x90: {  	s1 =	sld [smem:$0x3FFC];
	_ =	sdelay $0x3  }
0x91: {  	_ =	strace s1  }
0x92: {  	s1 =	sld [smem:$0x3FFD];
	_ =	sdelay $0x3  }
0x93: {  	_ =	strace s1  }
0x94: {  	_ =	strace $0x8FFFFFFF  }
0x95: {  	s17 =	sld [smem:$0x3FDB];
	_ =	sdelay $0x1  }
0x96: {  	s2 =	simm.s32 $_scs_section_size  }
0x97: {  	s3 =	simm.s32 $_size__tile_overlayer_lowered;
	s4 =	simm.s32 $_tile_overlayer_lowered  }
0x98: {  	s20 =	simm.s32 $0x1BFF;
	s19 =	sshll.u32 s4, $0x1;
	s1 =	sadd.s32 s2, s17  }
0x99: {  	s5 =	simm.s32 $0x0;
	s18 =	sshll.u32 s3, $0x1;
	s3 =	sadd.s32 s19, s1  }
0x9a: {  	[timem:s5], [sflag:s20] =	dma.local [hbm:s3], s18  }
0x9b: {  	_ =	swait.ge [sflag:s20], s18  }
0x9c: {  	s2 =	ssub.s32 $0x0, s18;
	[sflag:s20] =	ssyncset.done $0x0  }
0x9d: {  	[sflag:s20] =	ssyncadd.s32 s2;
	_ =	sdelay $0x1  }
0x9e: {  	s21 =	simm.s32 $0x1B8B  }
0x9f: {  	_ =	swait.ge [sflag:s21], $0x1  }
0xa0: {  	[sflag:s21] =	ssyncset.done $0x0  }
0xa1: {  	s23 =	simm.s32 $0x1B8E;
	s22 =	sld [smem:$0x3FFE];
	[sflag:s21] =	ssyncadd.s32 $0xFFFFFFFF  }
0xa2: {  	s24 =	simm.s32 $execute0_lowered;
	[smem:$0x3FD2] =	sst s23  }
0xa3: {  	s3 =	sshll.u32 s24, $0x1;
	_ =	strace $0x8000004C;
	[dreg:$0x1] =	wrdreg $0xFFFFFFFF  }
0xa4: {  	s25 =	simm.s32 $_size_execute0_lowered;
	s1 =	sadd.s32 s1, s3;
	[dreg:$0x0] =	wrdreg $0x0  }
0xa5: {  	s3 =	sshll.u32 s25, $0x1;
	[dreg:$0x2] =	wrdreg s1  }
0xa6: {  	[dreg:$0x3] =	wrdreg s3  }
0xa7: {  	[dreg:$0x4] =	wrdreg $0xC0  }
0xa8: {  	_ =	task [dreg:s5], $0x5FFFF  }
0xa9: {  	[dreg:$0x1] =	wrdreg $0xFFFFFFFF  }
0xaa: {  	[dreg:$0x0] =	wrdreg $0x60  }
0xab: {  	[dreg:$0x2] =	wrdreg s22  }
0xac: {  	[dreg:$0x3] =	wrdreg s0  }
0xad: {  	[dreg:$0x4] =	wrdreg $0x16C800  }
0xae: {  	[dreg:$0x5] =	wrdreg $0x9  }
0xaf: {  	_ =	task.clear_ibuf [dreg:s5], $0x6FFFF;
	_ =	strace $0x9000004C  }
0xb0: {  	s26 =	simm.s32 $0x9;
	_ =	strace $0x8000004E  }
0xb1: {  	_ =	swait.ge [sflag:s26], $0x1  }
0xb2: {  	[sflag:s26] =	ssyncadd.s32 $0xFFFFFFFF  }
0xb3: {  	_ =	strace $0x9000004E  }
0xb4: {  	_ =	sfence  }
0xb5: {  	s28 =	sld [smem:$0x0];
	_ =	sdelay $0x1  }
0xb6: {  	s29 =	srdreg.scid  }
0xb7: {  	s30 =	sshll.u32 s29, $0xD;
	s31 =	sshrl.u32 s29, $0x2  }
0xb8: {  	s2 =	sand.u32 $0x4000, s30;
	s1 =	sand.u32 $0x1, s29;
	s0 =	sadd.s32 s31, s28  }
0xb9: {  	s1 =	sor.u32 s2, s1;
	s0 =	sshll.u32 s0, $0x11  }
0xba: {  	s0 =	sor.u32 s0, s1  }
0xbb: {  	s0 =	sadd.s32 $0x8F2B, s0  }
0xbc: {  	[sflag:s0] =	ssyncadd.remote.s32 $0x1  }
0xbd: {  	_ =	sfence.sel $0xFFFF  }
0xbe: {  	[dreg:$0x0] =	wrdreg $0xFFFFFFFF;
	(pc) =	sbr.abs _section_cstart, $3  }
0xbf: {  	[dreg:$0x1] =	wrdreg $0xFFFFFFFF  }
0xc0: {  	_ =	task.clear_ibuf [dreg:s5], $0x2FFFF;
	_ =	strace $0x9FFFFFFF  }
0xc1: {  	(tm) =	ssettm $0x7FFFFFFF  }
tec
execute0_lowered:
.L_overlay_start_1:
0x0: {  	(tag) =	ssettag $0x1  }
0x1: {  	s4 =	rddreg [dreg:$0x0]  }
0x2: {  	s2 =	rddreg [dreg:$0x1];
	s3 =	stileid.u32  }
0x3: {  	s1 =	rddreg [dreg:$0x2];
	s5 =	smul.u32 $0xA00, s3  }
0x4: {  	s0 =	rddreg [dreg:$0x3];
	s6 =	simm.s32 $0x0  }
0x5: {  	[smem:$0x7FF] =	sst s6;
	s5 =	sadd.s32 s5, s4  }
0x6: {  	s28 =	simm.s32 $0x1;
	_ =	strace $0x8000004D;
	s7 =	sadd.s32 $0xAA00, s5  }
0x7: {  	[tilespmem:s6], [sflag:$0x1] =	stream.linear.gather [hbm4b:s7+s6], $0x5000, $0x38;
	[tilespmem:$0x1BC80] =	vst v63  }
0x8: {  	_ =	swait.ge [sflag:s28], $0x5000  }
0x9: {  	[sflag:s28] =	ssyncset.done $0x0  }
0xa: {  	s8 =	simm.s32 $0x5000;
	s5 =	sadd.s32 $0xA00, s5;
	[sflag:s28] =	ssyncadd.s32 $0xFFFFB000  }
0xb: {  	[tilespmem:s8], [sflag:$0x1] =	stream.linear.gather [hbm4b:s5+s6], $0x5000, $0x38;
	[tilespmem:$0x1BC80] =	vst v63  }
0xc: {  	_ =	swait.ge [sflag:s28], $0x5000  }
0xd: {  	[sflag:s28] =	ssyncset.done $0x0  }
0xe: {  	s30 =	simm.s32 $0xA000;
	s29 =	sadd.s32 $0x14A00, s4;
	[sflag:s28] =	ssyncadd.s32 $0xFFFFB000  }
0xf: {  	[tilespmem:s30], [sflag:$0x1] =	stream.linear.gather [hbm4b:s29+s6], $0x2780, $0x38;
	[tilespmem:$0x1BC80] =	vst v63  }
0x10: {  	_ =	swait.ge [sflag:s28], $0x2780  }
0x11: {  	[sflag:s28] =	ssyncset.done $0x0  }
0x12: {  	s31 =	simm.s32 $0xC780;
	[sflag:s28] =	ssyncadd.s32 $0xFFFFD880  }
0x13: {  	[tilespmem:s31], [sflag:$0x1] =	stream.linear.gather [hbm4b:s2+s6], $0x2780, $0x38;
	[tilespmem:$0x1BC80] =	vst v63  }
0x14: {  	s9 =	sadd.s32 $0x15000, s4;
	_ =	swait.ge [sflag:s28], $0x2780  }
0x15: {  	s7 =	simm.s32 $0x0;
	s5 =	sadd.s32 $0x8BC00, s4;
	[sflag:s28] =	ssyncset.done $0x0  }
0x16: {  	v0 =	vimm.f32 $0.0e+00;
	s2 =	sadd.s32 $0x8BE00, s4;
	s4 =	simm.s32 $0x40;
	[sflag:s28] =	ssyncadd.s32 $0xFFFFD880  }
.LBB2_1:
0x17: {  	p0 =	sne.s32 s4, $0x9FC0;
	[tilespmem:s7+$0xEF00] =	vst v0;
	s6 =	smov.u32 s4;
	s4 =	sadd.s32 $0x40, s4  }
.Ltmp0:
0x18: {  	[tilespmem:s7+$0x11700] =	vst v0;
	(pc) =	sbr.rel @p0 .LBB2_1-.Ltmp0, $2  }
0x19: {  	_ =	sdelay $0x2  }
0x1a: {  	s7 =	sshra.s32 s6, $0x2  }
0x1b: {  	s4 =	smul.u32 $0x14000, s3;
	p0 =	sne.s32 s3, $0x0  }
.Ltmp1:
0x1c: {  	_ = 	snop;
	(pc) =	sbr.rel @p0 .LBB2_6-.Ltmp1, $4  }
0x1d: {  	s6 =	smul.u32 $0x500, s3  }
0x1e: {  	[tilespmem:s7+$0xEF00] =	vst v0  }
0x1f: {  	[tilespmem:s7+$0x11700] =	vst v0;
	s7 =	smul.u32 $0x50, s3;
	s4 =	sshrl.u32 s4, $0x2;
	s10 =	sor.u32 $0x80, s6  }
0x20: {  	s3 =	sshrl.u32 s6, $0x3;
	s4 =	sadd.s32 s4, s1;
	s11 =	sshrl.u32 s10, $0x3  }
0x21: {  	s8 =	simm.s32 $0x0  }
0x22: {  	v0 =	vld [tilespmem:s8+$0xC780]  }
0x23: {  	s12 =	simm.s32 $0x40;
	v1 =	vld [tilespmem:s8+$0xA000]  }
.LBB2_4:
0x24: {  	p1 =	sne.s32 s12, $0x9C00  }
.Ltmp2:
0x25: {  	_ = 	snop;
	(pc) =	sbr.rel @p1 .LBB2_4-.Ltmp2, $4  }
0x26: {  	_ = 	snop  }
0x27: {  	s13 =	sshra.s32 s12, $0x2;
	s12 =	sadd.s32 $0x40, s12;
	[tilespmem:s8+$0x11700] =	vst v0  }
0x28: {  	v0 =	vld [tilespmem:s13+$0xC780];
	[tilespmem:s8+$0xEF00] =	vst v1;
	s8 =	smov.u32 s13  }
0x29: {  	v1 =	vld [tilespmem:s8+$0xA000]  }
0x2a: {  	_ =	sdelay $0x2  }
0x2b: {  	[tilespmem:s8+$0x11700] =	vst v0  }
0x2c: {  	[tilespmem:s8+$0xEF00] =	vst v1  }
.LBB2_6:
0x2d: {  	s8 =	sadd.s32 $0x80, s4;
	s7 =	sadd.s32 s2, s7  }
0x2e: {  	s6 =	sadd.s32 s6, s1;
	s3 =	sadd.s32 s9, s3;
	s2 =	sadd.s32 s10, s1  }
0x2f: {  	s1 =	sadd.s32 s9, s11;
	s9 =	simm.s32 $0x0;
	s10 =	simm.s32 $0xA000  }
0x30: {  	s11 =	simm.s32 $0xC780;
	s12 =	simm.s32 $0xEF00;
	s13 =	simm.s32 $0x11700  }
.LBB2_7:
0x31: {  	s14 =	sshra.s32 s9, $0x2  }
0x32: {  	v0 =	vld [tilespmem:s14+$0x0];
	_ =	sdelay $0x4  }
0x33: {  	v1 =	vld [tilespmem:s14+$0x5000];
	_ =	sdelay $0x2  }
0x34: {  	v2 =	vld.idx.msk [tilespmem:v0+s10+$0x0], $0xffff  }
0x35: {  	v0 =	vld.idx.msk [tilespmem:v0+s11+$0x0], $0xffff;
	_ =	sdelay $0x3  }
0x36: {  	[tilespmem:v1+s12+$0x0] =	vst.idx.add.f32.msk $0xffff, v2  }
0x37: {  	[tilespmem:v1+s13+$0x0] =	vst.idx.add.f32.msk $0xffff, v0  }
0x38: {  	v0 =	vld [tilespmem:s14+$0x10];
	_ =	sdelay $0x4  }
0x39: {  	v1 =	vld [tilespmem:s14+$0x5010];
	_ =	sdelay $0x2  }
0x3a: {  	v2 =	vld.idx.msk [tilespmem:v0+s10+$0x0], $0xffff  }
0x3b: {  	v0 =	vld.idx.msk [tilespmem:v0+s11+$0x0], $0xffff;
	_ =	sdelay $0x3  }
0x3c: {  	[tilespmem:v1+s12+$0x0] =	vst.idx.add.f32.msk $0xffff, v2  }
0x3d: {  	[tilespmem:v1+s13+$0x0] =	vst.idx.add.f32.msk $0xffff, v0  }
0x3e: {  	v0 =	vld [tilespmem:s14+$0x20];
	_ =	sdelay $0x4  }
0x3f: {  	v1 =	vld [tilespmem:s14+$0x5020];
	_ =	sdelay $0x2  }
0x40: {  	v2 =	vld.idx.msk [tilespmem:v0+s10+$0x0], $0xffff  }
0x41: {  	v0 =	vld.idx.msk [tilespmem:v0+s11+$0x0], $0xffff;
	_ =	sdelay $0x3  }
0x42: {  	[tilespmem:v1+s12+$0x0] =	vst.idx.add.f32.msk $0xffff, v2  }
0x43: {  	[tilespmem:v1+s13+$0x0] =	vst.idx.add.f32.msk $0xffff, v0  }
0x44: {  	v0 =	vld [tilespmem:s14+$0x30];
	_ =	sdelay $0x4  }
0x45: {  	v1 =	vld [tilespmem:s14+$0x5030];
	_ =	sdelay $0x2  }
0x46: {  	v2 =	vld.idx.msk [tilespmem:v0+s10+$0x0], $0xffff  }
0x47: {  	v0 =	vld.idx.msk [tilespmem:v0+s11+$0x0], $0xffff;
	_ =	sdelay $0x3  }
0x48: {  	[tilespmem:v1+s12+$0x0] =	vst.idx.add.f32.msk $0xffff, v2  }
0x49: {  	[tilespmem:v1+s13+$0x0] =	vst.idx.add.f32.msk $0xffff, v0  }
0x4a: {  	v0 =	vld [tilespmem:s14+$0x40];
	_ =	sdelay $0x4  }
0x4b: {  	v1 =	vld [tilespmem:s14+$0x5040];
	_ =	sdelay $0x2  }
0x4c: {  	v2 =	vld.idx.msk [tilespmem:v0+s10+$0x0], $0xffff  }
0x4d: {  	v0 =	vld.idx.msk [tilespmem:v0+s11+$0x0], $0xffff;
	_ =	sdelay $0x3  }
0x4e: {  	[tilespmem:v1+s12+$0x0] =	vst.idx.add.f32.msk $0xffff, v2  }
0x4f: {  	[tilespmem:v1+s13+$0x0] =	vst.idx.add.f32.msk $0xffff, v0  }
0x50: {  	v0 =	vld [tilespmem:s14+$0x50];
	_ =	sdelay $0x4  }
0x51: {  	v1 =	vld [tilespmem:s14+$0x5050];
	_ =	sdelay $0x2  }
0x52: {  	v2 =	vld.idx.msk [tilespmem:v0+s10+$0x0], $0xffff  }
0x53: {  	v0 =	vld.idx.msk [tilespmem:v0+s11+$0x0], $0xffff;
	_ =	sdelay $0x3  }
0x54: {  	[tilespmem:v1+s12+$0x0] =	vst.idx.add.f32.msk $0xffff, v2  }
0x55: {  	[tilespmem:v1+s13+$0x0] =	vst.idx.add.f32.msk $0xffff, v0  }
0x56: {  	v0 =	vld [tilespmem:s14+$0x60];
	_ =	sdelay $0x4  }
0x57: {  	v1 =	vld [tilespmem:s14+$0x5060];
	_ =	sdelay $0x2  }
0x58: {  	v2 =	vld.idx.msk [tilespmem:v0+s10+$0x0], $0xffff  }
0x59: {  	v0 =	vld.idx.msk [tilespmem:v0+s11+$0x0], $0xffff;
	_ =	sdelay $0x3  }
0x5a: {  	[tilespmem:v1+s12+$0x0] =	vst.idx.add.f32.msk $0xffff, v2  }
0x5b: {  	[tilespmem:v1+s13+$0x0] =	vst.idx.add.f32.msk $0xffff, v0  }
0x5c: {  	v0 =	vld [tilespmem:s14+$0x70];
	_ =	sdelay $0x4  }
0x5d: {  	v1 =	vld [tilespmem:s14+$0x5070];
	_ =	sdelay $0x2  }
0x5e: {  	v2 =	vld.idx.msk [tilespmem:v0+s10+$0x0], $0xffff  }
0x5f: {  	p1 =	sne.s32 s9, $0x13E00;
	v0 =	vld.idx.msk [tilespmem:v0+s11+$0x0], $0xffff  }
.Ltmp3:
0x60: {  	_ = 	snop;
	(pc) =	sbr.rel @p1 .LBB2_7-.Ltmp3, $3  }
0x61: {  	_ =	sdelay $0x1  }
0x62: {  	[tilespmem:v1+s12+$0x0] =	vst.idx.add.f32.msk $0xffff, v2  }
0x63: {  	s9 =	sadd.s32 $0x200, s9;
	[tilespmem:v1+s13+$0x0] =	vst.idx.add.f32.msk $0xffff, v0  }
0x64: {  	s9 =	simm.s32 $0x80;
	s10 =	simm.s32 $0x100;
	s11 =	simm.s32 $0xEF00  }
0x65: {  	[spmem:s4] =	stream.strided.scatter [tilespmem:s11], [sflag:$0x1], $0x2800, s10, s9, $0x38;
	[tilespmem:$0x1BC80] =	vst v63  }
0x66: {  	s11 =	simm.s32 $0x1  }
0x67: {  	_ =	swait.ge [sflag:s11], $0x2800  }
0x68: {  	[sflag:s11] =	ssyncset.done $0x0  }
0x69: {  	s25 =	simm.s32 $0x11700;
	[sflag:s11] =	ssyncadd.s32 $0xFFFFD800  }
0x6a: {  	[spmem:s8] =	stream.strided.scatter [tilespmem:s25], [sflag:$0x1], $0x2800, s10, s9, $0x38;
	[tilespmem:$0x1BC80] =	vst v63  }
0x6b: {  	_ =	swait.ge [sflag:s11], $0x2800  }
0x6c: {  	[sflag:s11] =	ssyncset.done $0x0  }
0x6d: {  	[sflag:s11] =	ssyncadd.s32 $0xFFFFD800  }
0x6e: {  	s4 =	simm.s32 $0x13F00;
	s8 =	simm.s32 $0x0;
	[bflag:$0x0] =	sbarrier.arrive $0xFFFF  }
0x6f: {  	[tilespmem:s4], [sflag:$0x1] =	stream.linear.gather [hbm4b:s7+s8], $0x280, $0x38;
	[tilespmem:$0x1BC80] =	vst v63  }
0x70: {  	_ =	swait.ge [sflag:s11], $0x280  }
0x71: {  	[sflag:s11] =	ssyncset.done $0x0  }
0x72: {  	s26 =	simm.s32 $0x14180;
	[sflag:s11] =	ssyncadd.s32 $0xFFFFFD80  }
0x73: {  	v0 =	vimm.s32 $0x1;
	[tilespmem:s26], [sflag:$0x1] =	stream.linear.gather [hbm4b:s5+s8], $0x80, $0x38;
	[tilespmem:$0x1BC80] =	vst v63  }
0x74: {  	_ =	swait.ge [sflag:s11], $0x80  }
0x75: {  	[sflag:s11] =	ssyncset.done $0x0  }
0x76: {  	[sflag:s11] =	ssyncadd.s32 $0xFFFFFF80  }
0x77: {  	s28 =	simm.s32 $0x5000;
	s29 =	simm.s32 $0x14200;
	v1 =	vld.msk [tilespmem:s26+$0x0], $0xffff  }
0x78: {  	v0 =	vld.idx.msk [tilespmem:v0+s26+$0x0], $0xffff;
	[tilespmem:s29], [sflag:$0x1] =	stream.strided.gather [spmem:s6], $0x400, s28, s9, $0x38  }
0x79: {  	s30 =	sadd.s32 $0x100, s6;
	s31 =	simm.s32 $0x14600  }
0x7a: {  	[tilespmem:s31], [sflag:$0x1] =	stream.strided.gather [spmem:s30], $0x400, s28, s9, $0x38;
	[tilespmem:$0x1BC80] =	vst v63  }
0x7b: {  	s12 =	simm.s32 $0x14A00;
	s10 =	sadd.s32 $0x200, s6  }
0x7c: {  	[tilespmem:s12], [sflag:$0x1] =	stream.strided.gather [spmem:s10], $0x400, s28, s9, $0x38;
	[tilespmem:$0x1BC80] =	vst v63  }
0x7d: {  	s13 =	sadd.s32 $0x300, s6;
	s14 =	simm.s32 $0x14E00  }
0x7e: {  	[tilespmem:s14], [sflag:$0x1] =	stream.strided.gather [spmem:s13], $0x400, s28, s9, $0x38;
	[tilespmem:$0x1BC80] =	vst v63  }
0x7f: {  	s15 =	sadd.s32 $0x400, s6;
	s16 =	simm.s32 $0x15200  }
0x80: {  	[tilespmem:s16], [sflag:$0x1] =	stream.strided.gather [spmem:s15], $0x400, s28, s9, $0x38;
	[tilespmem:$0x1BC80] =	vst v63  }
0x81: {  	s17 =	sadd.s32 $0x28000, s6;
	s18 =	simm.s32 $0x15600  }
0x82: {  	[tilespmem:s18], [sflag:$0x1] =	stream.strided.gather [spmem:s17], $0x400, s28, s9, $0x38;
	[tilespmem:$0x1BC80] =	vst v63  }
0x83: {  	s19 =	sadd.s32 $0x28100, s6;
	s20 =	simm.s32 $0x15A00  }
0x84: {  	[tilespmem:s20], [sflag:$0x1] =	stream.strided.gather [spmem:s19], $0x400, s28, s9, $0x38;
	[tilespmem:$0x1BC80] =	vst v63  }
0x85: {  	s21 =	sadd.s32 $0x28200, s6;
	s22 =	simm.s32 $0x15E00  }
0x86: {  	[tilespmem:s22], [sflag:$0x1] =	stream.strided.gather [spmem:s21], $0x400, s28, s9, $0x38;
	[tilespmem:$0x1BC80] =	vst v63  }
0x87: {  	s23 =	sadd.s32 $0x28300, s6;
	s24 =	simm.s32 $0x16200  }
0x88: {  	[tilespmem:s24], [sflag:$0x1] =	stream.strided.gather [spmem:s23], $0x400, s28, s9, $0x38;
	[tilespmem:$0x1BC80] =	vst v63  }
0x89: {  	s25 =	sadd.s32 $0x28400, s6;
	s26 =	simm.s32 $0x16600  }
0x8a: {  	[tilespmem:s26], [sflag:$0x1] =	stream.strided.gather [spmem:s25], $0x400, s28, s9, $0x38;
	[tilespmem:$0x1BC80] =	vst v63  }
0x8b: {  	_ =	swait.ge [sflag:s11], $0x2800  }
0x8c: {  	s29 =	sand.u32 $0x1C00, s8;
	s28 =	sand.u32 $0x70, s8;
	[sflag:s11] =	ssyncset.done $0x0  }
0x8d: {  	s5 =	sor.u32 s28, s29;
	[sflag:s11] =	ssyncadd.s32 $0xFFFFD800  }
0x8e: {  	v2 =	vld [tilespmem:s5+$0x14280]  }
0x8f: {  	v3 =	vld [tilespmem:s5+$0x14200];
	_ =	sdelay $0x1  }
0x90: {  	v4 =	vld [tilespmem:s5+$0x14300];
	_ =	sdelay $0x1  }
0x91: {  	v5 =	vld [tilespmem:s5+$0x14380]  }
0x92: {  	v2 =	vadd.f32 v2, v3  }
0x93: {  	v3 =	vld [tilespmem:s5+$0x14400]  }
0x94: {  	v2 =	vadd.f32 v4, v2  }
0x95: {  	v56 =	vld [tilespmem:s5+$0x14480]  }
0x96: {  	v2 =	vadd.f32 v5, v2  }
0x97: {  	v57 =	vld [tilespmem:s5+$0x14500]  }
0x98: {  	v2 =	vadd.f32 v3, v2  }
0x99: {  	v3 =	vld [tilespmem:s5+$0x14580]  }
0x9a: {  	v2 =	vadd.f32 v56, v2  }
0x9b: {  	v58 =	vld [tilespmem:s5+$0x15600]  }
0x9c: {  	v2 =	vadd.f32 v57, v2  }
0x9d: {  	v59 =	vld [tilespmem:s5+$0x15680]  }
0x9e: {  	v2 =	vadd.f32 v3, v2  }
0x9f: {  	v3 =	vld [tilespmem:s5+$0x15700]  }
0xa0: {  	v2 =	vadd.f32 v58, v2  }
0xa1: {  	v60 =	vld [tilespmem:s5+$0x15780]  }
0xa2: {  	v2 =	vadd.f32 v59, v2  }
0xa3: {  	v61 =	vld [tilespmem:s5+$0x15800]  }
0xa4: {  	v2 =	vadd.f32 v3, v2  }
0xa5: {  	v3 =	vld [tilespmem:s5+$0x15880]  }
0xa6: {  	v2 =	vadd.f32 v60, v2  }
0xa7: {  	v62 =	vld [tilespmem:s5+$0x15900]  }
0xa8: {  	v2 =	vadd.f32 v61, v2  }
0xa9: {  	v63 =	vld [tilespmem:s5+$0x15980]  }
0xaa: {  	v2 =	vadd.f32 v3, v2  }
0xab: {  	v3 =	vld [tilespmem:s4+$0x0]  }
0xac: {  	v2 =	vadd.f32 v62, v2;
	_ =	sdelay $0x1  }
0xad: {  	v2 =	vadd.f32 v63, v2;
	_ =	sdelay $0x1  }
0xae: {  	v2 =	vmul.f32 v3, v2;
	_ =	sdelay $0x1  }
0xaf: {  	s7 =	simm.s32 $0x80;
	s30 =	simm.s32 $0x10;
	v2 =	vadd.f32 v2, v1  }
0xb0: {  	s31 =	sand.u32 $0x1C00, s7;
	s6 =	sand.u32 $0x70, s30;
	s5 =	simm.s32 $0x16A00  }
0xb1: {  	s6 =	sor.u32 s6, s31;
	s8 =	simm.s32 $0x20;
	[tilespmem:s5+$0x0] =	vst v2  }
.LBB2_9:
0xb2: {  	p1 =	sne.s32 s8, $0x270;
	v2 =	vld [tilespmem:s6+$0x14280]  }
0xb3: {  	v3 =	vld [tilespmem:s6+$0x14200];
	_ =	sdelay $0x1  }
0xb4: {  	v4 =	vld [tilespmem:s6+$0x14300];
	_ =	sdelay $0x1  }
0xb5: {  	v5 =	vld [tilespmem:s6+$0x14380]  }
0xb6: {  	v2 =	vadd.f32 v2, v3  }
0xb7: {  	v3 =	vld [tilespmem:s6+$0x14400]  }
0xb8: {  	v2 =	vadd.f32 v4, v2  }
0xb9: {  	v4 =	vld [tilespmem:s6+$0x14480]  }
0xba: {  	v2 =	vadd.f32 v5, v2  }
0xbb: {  	v5 =	vld [tilespmem:s6+$0x14500]  }
0xbc: {  	v2 =	vadd.f32 v3, v2  }
0xbd: {  	v3 =	vld [tilespmem:s6+$0x14580]  }
0xbe: {  	v2 =	vadd.f32 v4, v2  }
0xbf: {  	v4 =	vld [tilespmem:s6+$0x15600]  }
0xc0: {  	v2 =	vadd.f32 v5, v2  }
0xc1: {  	v5 =	vld [tilespmem:s6+$0x15680]  }
0xc2: {  	v2 =	vadd.f32 v3, v2  }
0xc3: {  	v3 =	vld [tilespmem:s6+$0x15700]  }
0xc4: {  	v2 =	vadd.f32 v4, v2  }
0xc5: {  	v4 =	vld [tilespmem:s6+$0x15780]  }
0xc6: {  	v2 =	vadd.f32 v5, v2  }
0xc7: {  	v5 =	vld [tilespmem:s6+$0x15800]  }
0xc8: {  	v2 =	vadd.f32 v3, v2  }
0xc9: {  	v3 =	vld [tilespmem:s6+$0x15880]  }
0xca: {  	v2 =	vadd.f32 v4, v2  }
0xcb: {  	v4 =	vld [tilespmem:s6+$0x15900]  }
0xcc: {  	v2 =	vadd.f32 v5, v2  }
0xcd: {  	v5 =	vld [tilespmem:s6+$0x15980]  }
0xce: {  	s4 =	sadd.s32 $0x10, s4;
	v2 =	vadd.f32 v3, v2  }
0xcf: {  	v3 =	vld [tilespmem:s4+$0x0]  }
0xd0: {  	v2 =	vadd.f32 v4, v2;
	_ =	sdelay $0x1  }
0xd1: {  	v2 =	vadd.f32 v5, v2;
	_ =	sdelay $0x1  }
.Ltmp4:
0xd2: {  	v2 =	vmul.f32 v3, v2;
	(pc) =	sbr.rel @p1 .LBB2_9-.Ltmp4, $4  }
0xd3: {  	_ = 	snop  }
0xd4: {  	s7 =	sadd.s32 $0x80, s7;
	v2 =	vadd.f32 v2, v1  }
0xd5: {  	s5 =	sadd.s32 $0x10, s5;
	s9 =	sand.u32 $0x1C00, s7;
	s6 =	sand.u32 $0x70, s8  }
0xd6: {  	s8 =	sadd.s32 $0x10, s8;
	s6 =	sor.u32 s6, s9;
	[tilespmem:s5+$0x0] =	vst v2  }
0xd7: {  	v2 =	vld [tilespmem:s6+$0x14280]  }
0xd8: {  	v3 =	vld [tilespmem:s6+$0x14200];
	_ =	sdelay $0x1  }
0xd9: {  	v4 =	vld [tilespmem:s6+$0x14300];
	_ =	sdelay $0x1  }
0xda: {  	v5 =	vld [tilespmem:s6+$0x14380]  }
0xdb: {  	v2 =	vadd.f32 v2, v3  }
0xdc: {  	v3 =	vld [tilespmem:s6+$0x14400]  }
0xdd: {  	v2 =	vadd.f32 v4, v2  }
0xde: {  	v51 =	vld [tilespmem:s6+$0x14480]  }
0xdf: {  	v2 =	vadd.f32 v5, v2  }
0xe0: {  	v52 =	vld [tilespmem:s6+$0x14500]  }
0xe1: {  	v2 =	vadd.f32 v3, v2  }
0xe2: {  	v3 =	vld [tilespmem:s6+$0x14580]  }
0xe3: {  	v2 =	vadd.f32 v51, v2  }
0xe4: {  	v53 =	vld [tilespmem:s6+$0x15600]  }
0xe5: {  	v2 =	vadd.f32 v52, v2  }
0xe6: {  	v54 =	vld [tilespmem:s6+$0x15680]  }
0xe7: {  	v2 =	vadd.f32 v3, v2  }
0xe8: {  	v3 =	vld [tilespmem:s6+$0x15700]  }
0xe9: {  	v2 =	vadd.f32 v53, v2  }
0xea: {  	v55 =	vld [tilespmem:s6+$0x15780]  }
0xeb: {  	v2 =	vadd.f32 v54, v2  }
0xec: {  	v56 =	vld [tilespmem:s6+$0x15800]  }
0xed: {  	v2 =	vadd.f32 v3, v2  }
0xee: {  	v3 =	vld [tilespmem:s6+$0x15880]  }
0xef: {  	v2 =	vadd.f32 v55, v2  }
0xf0: {  	v57 =	vld [tilespmem:s6+$0x15900]  }
0xf1: {  	v2 =	vadd.f32 v56, v2  }
0xf2: {  	v58 =	vld [tilespmem:s6+$0x15980]  }
0xf3: {  	s4 =	sadd.s32 $0x10, s4;
	v2 =	vadd.f32 v3, v2  }
0xf4: {  	v3 =	vld [tilespmem:s4+$0x0]  }
0xf5: {  	v2 =	vadd.f32 v57, v2;
	_ =	sdelay $0x1  }
0xf6: {  	v2 =	vadd.f32 v58, v2;
	_ =	sdelay $0x1  }
0xf7: {  	v2 =	vmul.f32 v3, v2;
	_ =	sdelay $0x1  }
0xf8: {  	v1 =	vadd.f32 v2, v1  }
0xf9: {  	s28 =	sadd.s32 $0x10, s5;
	s29 =	simm.s32 $0x80  }
0xfa: {  	s30 =	simm.s32 $0x100;
	s31 =	simm.s32 $0x1;
	s4 =	simm.s32 $0x16A00;
	[tilespmem:s28+$0x0] =	vst v1  }
0xfb: {  	[hbm4b:s3+s29] =	stream.strided.scatter [tilespmem:s4], [sflag:$0x1], $0x280, s30, s29, $0x38;
	[tilespmem:$0x1BC80] =	vst v63  }
0xfc: {  	_ =	swait.ge [sflag:s31], $0x280  }
0xfd: {  	[sflag:s31] =	ssyncset.done $0x0  }
0xfe: {  	s9 =	simm.s32 $0x5000;
	s7 =	simm.s32 $0x14200;
	[sflag:s31] =	ssyncadd.s32 $0xFFFFFD80  }
0xff: {  	[tilespmem:s7], [sflag:$0x1] =	stream.strided.gather [spmem:s2], $0x400, s9, s29, $0x38;
	[tilespmem:$0x1BC80] =	vst v63  }
0x100: {  	s10 =	sadd.s32 $0x100, s2;
	s8 =	simm.s32 $0x14600  }
0x101: {  	[tilespmem:s8], [sflag:$0x1] =	stream.strided.gather [spmem:s10], $0x400, s9, s29, $0x38;
	[tilespmem:$0x1BC80] =	vst v63  }
0x102: {  	s11 =	sadd.s32 $0x200, s2;
	s12 =	simm.s32 $0x14A00  }
0x103: {  	[tilespmem:s12], [sflag:$0x1] =	stream.strided.gather [spmem:s11], $0x400, s9, s29, $0x38;
	[tilespmem:$0x1BC80] =	vst v63  }
0x104: {  	s13 =	sadd.s32 $0x300, s2;
	s14 =	simm.s32 $0x14E00  }
0x105: {  	[tilespmem:s14], [sflag:$0x1] =	stream.strided.gather [spmem:s13], $0x400, s9, s29, $0x38;
	[tilespmem:$0x1BC80] =	vst v63  }
0x106: {  	s15 =	sadd.s32 $0x400, s2;
	s16 =	simm.s32 $0x15200  }
0x107: {  	[tilespmem:s16], [sflag:$0x1] =	stream.strided.gather [spmem:s15], $0x400, s9, s29, $0x38;
	[tilespmem:$0x1BC80] =	vst v63  }
0x108: {  	s17 =	sadd.s32 $0x28000, s2;
	s18 =	simm.s32 $0x15600  }
0x109: {  	[tilespmem:s18], [sflag:$0x1] =	stream.strided.gather [spmem:s17], $0x400, s9, s29, $0x38;
	[tilespmem:$0x1BC80] =	vst v63  }
0x10a: {  	s19 =	sadd.s32 $0x28100, s2;
	s20 =	simm.s32 $0x15A00  }
0x10b: {  	[tilespmem:s20], [sflag:$0x1] =	stream.strided.gather [spmem:s19], $0x400, s9, s29, $0x38;
	[tilespmem:$0x1BC80] =	vst v63  }
0x10c: {  	s21 =	sadd.s32 $0x28200, s2;
	s22 =	simm.s32 $0x15E00  }
0x10d: {  	[tilespmem:s22], [sflag:$0x1] =	stream.strided.gather [spmem:s21], $0x400, s9, s29, $0x38;
	[tilespmem:$0x1BC80] =	vst v63  }
0x10e: {  	s23 =	sadd.s32 $0x28300, s2;
	s24 =	simm.s32 $0x16200  }
0x10f: {  	[tilespmem:s24], [sflag:$0x1] =	stream.strided.gather [spmem:s23], $0x400, s9, s29, $0x38;
	[tilespmem:$0x1BC80] =	vst v63  }
0x110: {  	s25 =	sadd.s32 $0x28400, s2;
	s26 =	simm.s32 $0x16600  }
0x111: {  	[tilespmem:s26], [sflag:$0x1] =	stream.strided.gather [spmem:s25], $0x400, s9, s29, $0x38;
	[tilespmem:$0x1BC80] =	vst v63  }
0x112: {  	s28 =	simm.s32 $0x0;
	_ =	swait.ge [sflag:s31], $0x2800  }
0x113: {  	s2 =	sand.u32 $0x1C00, s28;
	s29 =	sand.u32 $0x70, s28;
	[sflag:s31] =	ssyncset.done $0x0  }
0x114: {  	s2 =	sor.u32 s29, s2;
	[sflag:s31] =	ssyncadd.s32 $0xFFFFD800  }
0x115: {  	v1 =	vld [tilespmem:s2+$0x14280]  }
0x116: {  	v2 =	vld [tilespmem:s2+$0x14200];
	_ =	sdelay $0x1  }
0x117: {  	v3 =	vld [tilespmem:s2+$0x14300];
	_ =	sdelay $0x1  }
0x118: {  	v59 =	vld [tilespmem:s2+$0x14380]  }
0x119: {  	v1 =	vadd.f32 v1, v2  }
0x11a: {  	v2 =	vld [tilespmem:s2+$0x14400]  }
0x11b: {  	v1 =	vadd.f32 v3, v1  }
0x11c: {  	v3 =	vld [tilespmem:s2+$0x14480]  }
0x11d: {  	v1 =	vadd.f32 v59, v1  }
0x11e: {  	v60 =	vld [tilespmem:s2+$0x14500]  }
0x11f: {  	v1 =	vadd.f32 v2, v1  }
0x120: {  	v2 =	vld [tilespmem:s2+$0x14580]  }
0x121: {  	v1 =	vadd.f32 v3, v1  }
0x122: {  	v3 =	vld [tilespmem:s2+$0x15600]  }
0x123: {  	v1 =	vadd.f32 v60, v1  }
0x124: {  	v61 =	vld [tilespmem:s2+$0x15680]  }
0x125: {  	v1 =	vadd.f32 v2, v1  }
0x126: {  	v2 =	vld [tilespmem:s2+$0x15700]  }
0x127: {  	v1 =	vadd.f32 v3, v1  }
0x128: {  	v3 =	vld [tilespmem:s2+$0x15780]  }
0x129: {  	v1 =	vadd.f32 v61, v1  }
0x12a: {  	v62 =	vld [tilespmem:s2+$0x15800]  }
0x12b: {  	v1 =	vadd.f32 v2, v1  }
0x12c: {  	v2 =	vld [tilespmem:s2+$0x15880]  }
0x12d: {  	v1 =	vadd.f32 v3, v1  }
0x12e: {  	v3 =	vld [tilespmem:s2+$0x15900]  }
0x12f: {  	v1 =	vadd.f32 v62, v1  }
0x130: {  	v63 =	vld [tilespmem:s2+$0x15980]  }
0x131: {  	s2 =	simm.s32 $0x13F00;
	v1 =	vadd.f32 v2, v1  }
0x132: {  	v2 =	vld [tilespmem:s2+$0x0]  }
0x133: {  	v1 =	vadd.f32 v3, v1;
	_ =	sdelay $0x1  }
0x134: {  	v1 =	vadd.f32 v63, v1;
	_ =	sdelay $0x1  }
0x135: {  	v1 =	vmul.f32 v2, v1;
	_ =	sdelay $0x1  }
0x136: {  	s5 =	simm.s32 $0x80;
	s30 =	simm.s32 $0x10;
	v1 =	vadd.f32 v1, v0  }
0x137: {  	s3 =	sand.u32 $0x70, s30;
	s31 =	sand.u32 $0x1C00, s5  }
0x138: {  	s6 =	simm.s32 $0x20;
	s3 =	sor.u32 s3, s31;
	[tilespmem:s4+$0x0] =	vst v1  }
.LBB2_11:
0x139: {  	p1 =	sne.s32 s6, $0x270;
	v1 =	vld [tilespmem:s3+$0x14280]  }
0x13a: {  	v2 =	vld [tilespmem:s3+$0x14200];
	_ =	sdelay $0x1  }
0x13b: {  	v3 =	vld [tilespmem:s3+$0x14300];
	_ =	sdelay $0x1  }
0x13c: {  	v4 =	vld [tilespmem:s3+$0x14380]  }
0x13d: {  	v1 =	vadd.f32 v1, v2  }
0x13e: {  	v2 =	vld [tilespmem:s3+$0x14400]  }
0x13f: {  	v1 =	vadd.f32 v3, v1  }
0x140: {  	v3 =	vld [tilespmem:s3+$0x14480]  }
0x141: {  	v1 =	vadd.f32 v4, v1  }
0x142: {  	v4 =	vld [tilespmem:s3+$0x14500]  }
0x143: {  	v1 =	vadd.f32 v2, v1  }
0x144: {  	v2 =	vld [tilespmem:s3+$0x14580]  }
0x145: {  	v1 =	vadd.f32 v3, v1  }
0x146: {  	v3 =	vld [tilespmem:s3+$0x15600]  }
0x147: {  	v1 =	vadd.f32 v4, v1  }
0x148: {  	v4 =	vld [tilespmem:s3+$0x15680]  }
0x149: {  	v1 =	vadd.f32 v2, v1  }
0x14a: {  	v2 =	vld [tilespmem:s3+$0x15700]  }
0x14b: {  	v1 =	vadd.f32 v3, v1  }
0x14c: {  	v3 =	vld [tilespmem:s3+$0x15780]  }
0x14d: {  	v1 =	vadd.f32 v4, v1  }
0x14e: {  	v4 =	vld [tilespmem:s3+$0x15800]  }
0x14f: {  	v1 =	vadd.f32 v2, v1  }
0x150: {  	v2 =	vld [tilespmem:s3+$0x15880]  }
0x151: {  	v1 =	vadd.f32 v3, v1  }
0x152: {  	v3 =	vld [tilespmem:s3+$0x15900]  }
0x153: {  	v1 =	vadd.f32 v4, v1  }
0x154: {  	v4 =	vld [tilespmem:s3+$0x15980]  }
0x155: {  	s2 =	sadd.s32 $0x10, s2;
	v1 =	vadd.f32 v2, v1  }
0x156: {  	v2 =	vld [tilespmem:s2+$0x0]  }
0x157: {  	v1 =	vadd.f32 v3, v1;
	_ =	sdelay $0x1  }
0x158: {  	v1 =	vadd.f32 v4, v1;
	_ =	sdelay $0x1  }
.Ltmp5:
0x159: {  	v1 =	vmul.f32 v2, v1;
	(pc) =	sbr.rel @p1 .LBB2_11-.Ltmp5, $4  }
0x15a: {  	_ = 	snop  }
0x15b: {  	s5 =	sadd.s32 $0x80, s5;
	v1 =	vadd.f32 v1, v0  }
0x15c: {  	s4 =	sadd.s32 $0x10, s4;
	s7 =	sand.u32 $0x1C00, s5;
	s3 =	sand.u32 $0x70, s6  }
0x15d: {  	s6 =	sadd.s32 $0x10, s6;
	s3 =	sor.u32 s3, s7;
	[tilespmem:s4+$0x0] =	vst v1  }
0x15e: {  	v1 =	vld [tilespmem:s3+$0x14280]  }
0x15f: {  	v2 =	vld [tilespmem:s3+$0x14200];
	_ =	sdelay $0x1  }
0x160: {  	v3 =	vld [tilespmem:s3+$0x14300];
	_ =	sdelay $0x1  }
0x161: {  	v4 =	vld [tilespmem:s3+$0x14380]  }
0x162: {  	v1 =	vadd.f32 v1, v2  }
0x163: {  	v51 =	vld [tilespmem:s3+$0x14400]  }
0x164: {  	v1 =	vadd.f32 v3, v1  }
0x165: {  	v52 =	vld [tilespmem:s3+$0x14480]  }
0x166: {  	v1 =	vadd.f32 v4, v1  }
0x167: {  	v53 =	vld [tilespmem:s3+$0x14500]  }
0x168: {  	v1 =	vadd.f32 v51, v1  }
0x169: {  	v54 =	vld [tilespmem:s3+$0x14580]  }
0x16a: {  	v1 =	vadd.f32 v52, v1  }
0x16b: {  	v55 =	vld [tilespmem:s3+$0x15600]  }
0x16c: {  	v1 =	vadd.f32 v53, v1  }
0x16d: {  	v56 =	vld [tilespmem:s3+$0x15680]  }
0x16e: {  	v1 =	vadd.f32 v54, v1  }
0x16f: {  	v57 =	vld [tilespmem:s3+$0x15700]  }
0x170: {  	v1 =	vadd.f32 v55, v1  }
0x171: {  	v58 =	vld [tilespmem:s3+$0x15780]  }
0x172: {  	v1 =	vadd.f32 v56, v1  }
0x173: {  	v59 =	vld [tilespmem:s3+$0x15800]  }
0x174: {  	v1 =	vadd.f32 v57, v1  }
0x175: {  	v60 =	vld [tilespmem:s3+$0x15880]  }
0x176: {  	v1 =	vadd.f32 v58, v1  }
0x177: {  	v61 =	vld [tilespmem:s3+$0x15900]  }
0x178: {  	v1 =	vadd.f32 v59, v1  }
0x179: {  	v62 =	vld [tilespmem:s3+$0x15980]  }
0x17a: {  	s2 =	sadd.s32 $0x10, s2;
	v1 =	vadd.f32 v60, v1  }
0x17b: {  	v63 =	vld [tilespmem:s2+$0x0]  }
0x17c: {  	v1 =	vadd.f32 v61, v1;
	_ =	sdelay $0x1  }
0x17d: {  	v1 =	vadd.f32 v62, v1;
	_ =	sdelay $0x1  }
0x17e: {  	v1 =	vmul.f32 v63, v1;
	_ =	sdelay $0x1  }
0x17f: {  	v0 =	vadd.f32 v1, v0  }
0x180: {  	s26 =	sadd.s32 $0x10, s4;
	s28 =	simm.s32 $0x80  }
0x181: {  	s29 =	simm.s32 $0x100;
	s30 =	simm.s32 $0x16A00;
	s31 =	simm.s32 $0x1;
	[tilespmem:s26+$0x0] =	vst v0  }
0x182: {  	[hbm4b:s1+s28] =	stream.strided.scatter [tilespmem:s30], [sflag:$0x1], $0x280, s29, s28, $0x38;
	[tilespmem:$0x1BC80] =	vst v63  }
0x183: {  	_ =	swait.ge [sflag:s31], $0x280  }
0x184: {  	[sflag:s31] =	ssyncset.done $0x0  }
0x185: {  	[sflag:s31] =	ssyncadd.s32 $0xFFFFFD80  }
0x186: {  	_ =	sfence.sel $0x180000  }
0x187: {  	[bflag:$0x0] =	sbarrier.arrive $0xFFFF  }
0x188: {  	_ =	strace $0x9000004D  }
0x189: {  	s0 =	sadd.s32 @!p0 $0x100000, s0;
	[bflag:$0x2] =	sbarrier.arrive $0xFFFF  }
0x18a: {  	[sflag:s0] =	ssyncadd.tile.s32 @!p0 $0x1;
	_ =	shalt  }
.Lfunc_end2:
_tile_overlayer_lowered:
.L_overlay_start_2:
0x18b: {  	(tag) =	ssettag $0x2  }
0x18c: {  	s0 =	rddreg [dreg:$0x0];
	s2 =	stileid.u32  }
0x18d: {  	s1 =	rddreg [dreg:$0x1];
	p0 =	sne.s32 s2, $0x0  }
0x18e: {  	s3 =	rddreg [dreg:$0x2];
	[bflag:$0x3] =	sbarrier.arrive $0xFFFF;
	s2 =	simm.s32 @!p0 $0x1C01  }
0x18f: {  	[timem:s3], [sflag:s2] =	dma.local @!p0 [hbm:s0], s1  }
0x190: {  	s0 =	simm.s32 @!p0 $0x1  }
0x191: {  	_ =	swait.ge @!p0 [sflag:s0], s1  }
0x192: {  	s1 =	ssub.s32 @!p0 $0x0, s1;
	[sflag:s0] =	ssyncset.done @!p0 $0x0  }
0x193: {  	[sflag:s0] =	ssyncadd.s32 @!p0 s1  }
0x194: {  	[bflag:$0x3] =	sbarrier.arrive $0xFFFF  }
0x195: {  	_ =	shalt  }

// kernel: kernel.7.cloned.1.call-start
scs
__scs_entry_jumppad:
0x0: {  	(pc) =	sbr.rel $0x88, $3  }
0x1: {  	(tag) =	ssettag $0x0;
	lr =	simm.s32 $0x1  }
0x2: {  	[smem:$0x3F9B] =	sst lr;
	_ =	strace $0xD0000000  }
0x3: {  	_ = 	snop  }
0x4: {  	_ = 	snop  }
0x5: {  	_ = 	snop  }
0x6: {  	_ = 	snop  }
0x7: {  	_ = 	snop  }
__scs_overlays_trampoline_lowered:
0x8: {  	[smem:$0x3FAA] =	sst s0  }
0x9: {  	[smem:$0x3FAB] =	sst s1  }
0xa: {  	[smem:$0x3FAC] =	sst s2  }
0xb: {  	[smem:$0x3FAD] =	sst s3  }
0xc: {  	[smem:$0x3FAE] =	sst s4  }
0xd: {  	[smem:$0x3FAF] =	sst s5  }
0xe: {  	[smem:$0x3FB0] =	sst s6  }
0xf: {  	[smem:$0x3FB1] =	sst s7  }
0x10: {  	[smem:$0x3FB2] =	sst s8  }
0x11: {  	[smem:$0x3FB3] =	sst s9;
	s0 =	simm.s32 @!p0 $0x0  }
0x12: {  	s1 =	sld [smem:$0x3F99];
	s0 =	simm.s32 @p0 $0x1  }
0x13: {  	[smem:$0x3FB4] =	sst s0;
	s0 =	simm.s32 @!p1 $0x0  }
0x14: {  	s2 =	sld [smem:$0x3F98];
	s0 =	simm.s32 @p1 $0x1  }
0x15: {  	[smem:$0x3FB5] =	sst s0;
	s0 =	simm.s32 @!p2 $0x0  }
0x16: {  	s3 =	sld [smem:$0x3FDB];
	s0 =	simm.s32 @p2 $0x1  }
0x17: {  	s4 =	simm.s32 $0x1BF5;
	[smem:$0x3FB7] =	sst s0  }
0x18: {  	s0 =	sld [smem:$0x3F9A];
	_ =	swait.ge [sflag:s4], $0x0  }
0x19: {  	s7 =	sld [smem:$0x3F9B]  }
0x1a: {  	s8 =	sadd.s32 $0xFFFFE003, lr  }
0x1b: {  	s9 =	sadd.s32 $0xFFFFFEF7, lr;
	s5 =	simm.s32 $0xFFFFFFFF;
	p2 =	slt.u32 s8, $0xFFFFF086  }
0x1c: {  	p1 =	slt.u32 s9, $0xF7A;
	s5 =	simm.s32 @!p2 $0x0  }
0x1d: {  	s5 =	simm.s32 @p1 $0x1;
	p0 =	seq.s32 s7, s2  }
0x1e: {  	s7 =	smul.u32 @!p0 $0xF7A, s2;
	p2 =	seq.s32 @!p0 s5, $0x0  }
0x1f: {  	s9 =	smul.u32 $0xF7A, s1;
	s8 =	simm.s32 @!p0 $0x1BF5;
	p2 =	por !p2, p0  }
0x20: {  	[sflag:s8] =	ssyncset.s32 @!p0 $0xFFFFF086;
	s6 =	sadd.s32 @!p0 s3, s7;
	s7 =	simm.s32 @!p0 $0x108  }
0x21: {  	s3 =	sadd.s32 s3, s9;
	s6 =	sadd.s32 @!p0 $0x88, s6;
	s7 =	simm.s32 @p2 $0x1082  }
0x22: {  	[simem:s7], [sflag:s8] =	dma.local @!p0 [hbm:s6], $0xF7A  }
0x23: {  	s9 =	sor.u32 $0xD0000000, s2;
	s6 =	simm.s32 $0x108;
	_ =	swait.ge @!p0 [sflag:s8], $0x0  }
0x24: {  	s3 =	sadd.s32 $0x88, s3;
	s6 =	simm.s32 @!p1 $0x1082;
	[sflag:s4] =	ssyncset.s32 $0xFFFFF086  }
0x25: {  	[simem:s6], [sflag:s4] =	dma.local [hbm:s3], $0xF7A  }
0x26: {  	[smem:$0x3F9B] =	sst s1;
	(tag) =	ssettag s2;
	_ =	strace s9  }
0x27: {  	s1 =	sld [smem:$0x3FAB]  }
0x28: {  	s2 =	sld [smem:$0x3FAC]  }
0x29: {  	s4 =	sld [smem:$0x3FAE]  }
0x2a: {  	p0 =	seq.s32 s5, $0x0;
	s5 =	sld [smem:$0x3FAF]  }
0x2b: {  	s6 =	sld [smem:$0x3FB0]  }
0x2c: {  	s7 =	sld [smem:$0x3FB1]  }
0x2d: {  	s3 =	simm.s32 $0x108;
	s8 =	sld [smem:$0x3FB2]  }
0x2e: {  	s3 =	simm.s32 @!p0 $0x1082;
	s9 =	sld [smem:$0x3FB3]  }
0x2f: {  	lr =	sadd.s32 s0, s3;
	s0 =	sld [smem:$0x3FAA]  }
0x30: {  	s3 =	sld [smem:$0x3FAD]  }
0x31: {  	[smem:$0x3FB6] =	sst s10  }
0x32: {  	s10 =	sld [smem:$0x3FB4];
	_ =	sdelay $0x3  }
0x33: {  	p0 =	seq.s32 s10, $0x1;
	s10 =	sld [smem:$0x3FB6];
	_ =	sdelay $0x3  }
0x34: {  	[smem:$0x3FB6] =	sst s10  }
0x35: {  	s10 =	sld [smem:$0x3FB5];
	_ =	sdelay $0x3  }
0x36: {  	p1 =	seq.s32 s10, $0x1;
	s10 =	sld [smem:$0x3FB6];
	_ =	sdelay $0x3  }
0x37: {  	[smem:$0x3FB6] =	sst s10  }
0x38: {  	s10 =	sld [smem:$0x3FB7]  }
0x39: {  	_ = 	snop;
	(pc) =	sbr.ind lr, $3  }
0x3a: {  	_ = 	snop  }
0x3b: {  	_ = 	snop  }
0x3c: {  	p2 =	seq.s32 s10, $0x1;
	s10 =	sld [smem:$0x3FB6]  }
0x3d: {  	_ =	shalt  }
0x3e: {  	_ =	shalt  }
0x3f: {  	_ =	shalt  }
0x40: {  	_ =	shalt  }
0x41: {  	_ =	shalt  }
0x42: {  	_ =	shalt  }
0x43: {  	_ =	shalt  }
0x44: {  	_ =	shalt  }
0x45: {  	_ =	shalt  }
0x46: {  	_ =	shalt  }
0x47: {  	_ =	shalt  }
0x48: {  	_ =	shalt  }
0x49: {  	_ =	shalt  }
0x4a: {  	_ =	shalt  }
0x4b: {  	_ =	shalt  }
0x4c: {  	_ =	shalt  }
0x4d: {  	_ =	shalt  }
0x4e: {  	_ =	shalt  }
0x4f: {  	_ =	shalt  }
0x50: {  	_ =	shalt  }
0x51: {  	_ =	shalt  }
0x52: {  	_ =	shalt  }
0x53: {  	_ =	shalt  }
0x54: {  	_ =	shalt  }
0x55: {  	_ =	shalt  }
0x56: {  	_ =	shalt  }
0x57: {  	_ =	shalt  }
0x58: {  	_ =	shalt  }
0x59: {  	_ =	shalt  }
0x5a: {  	_ =	shalt  }
0x5b: {  	_ =	shalt  }
0x5c: {  	_ =	shalt  }
0x5d: {  	_ =	shalt  }
0x5e: {  	_ =	shalt  }
0x5f: {  	_ =	shalt  }
0x60: {  	_ =	shalt  }
0x61: {  	_ =	shalt  }
0x62: {  	_ =	shalt  }
0x63: {  	_ =	shalt  }
0x64: {  	_ =	shalt  }
0x65: {  	_ =	shalt  }
0x66: {  	_ =	shalt  }
0x67: {  	_ =	shalt  }
0x68: {  	_ =	shalt  }
0x69: {  	_ =	shalt  }
0x6a: {  	_ =	shalt  }
0x6b: {  	_ =	shalt  }
0x6c: {  	_ =	shalt  }
0x6d: {  	_ =	shalt  }
0x6e: {  	_ =	shalt  }
0x6f: {  	_ =	shalt  }
0x70: {  	_ =	shalt  }
0x71: {  	_ =	shalt  }
0x72: {  	_ =	shalt  }
0x73: {  	_ =	shalt  }
0x74: {  	_ =	shalt  }
0x75: {  	_ =	shalt  }
0x76: {  	_ =	shalt  }
0x77: {  	_ =	shalt  }
0x78: {  	_ =	shalt  }
0x79: {  	_ =	shalt  }
0x7a: {  	_ =	shalt  }
0x7b: {  	_ =	shalt  }
0x7c: {  	_ =	shalt  }
0x7d: {  	_ =	shalt  }
0x7e: {  	_ =	shalt  }
0x7f: {  	_ =	shalt  }
0x80: {  	_ =	shalt  }
0x81: {  	_ =	shalt  }
0x82: {  	_ =	shalt  }
0x83: {  	_ =	shalt  }
0x84: {  	_ =	shalt  }
0x85: {  	_ =	shalt  }
0x86: {  	_ =	shalt  }
0x87: {  	_ =	shalt  }
.Lfunc_end0:
.L_simem_size_0:
called_computation_lowered:
.L_overlay_start_0:
0x88: {  	s2 =	sld [smem:$0x3FD9]  }
0x89: {  	s3 =	sld [smem:$0x3FFE];
	_ =	sdelay $0x1  }
0x8a: {  	s1 =	srdreg.scid  }
0x8b: {  	s0 =	sand.u32 $0x1, s1  }
0x8c: {  	s16 =	sshll.u32 s0, $0xA;
	s2 =	sadd.s32 s3, s2  }
0x8d: {  	s2 =	sadd.s32 s2, s16  }
0x8e: {  	[smem:$0x3FC2] =	sst s2  }
0x8f: {  	_ = 	snop  }
0x90: {  	(tm) =	ssettm $0x1  }
0x91: {  	s17 =	sld [smem:$0x3FFB];
	_ =	sdelay $0x3  }
0x92: {  	_ =	strace s17  }
0x93: {  	s2 =	sld [smem:$0x3FFC];
	_ =	sdelay $0x3  }
0x94: {  	_ =	strace s2  }
0x95: {  	s2 =	sld [smem:$0x3FFD];
	_ =	sdelay $0x3  }
0x96: {  	_ =	strace s2  }
0x97: {  	_ =	strace $0x8FFFFFFF  }
0x98: {  	s18 =	sld [smem:$0x3FDB];
	_ =	sdelay $0x1  }
0x99: {  	s19 =	simm.s32 $_scs_section_size  }
0x9a: {  	s4 =	simm.s32 $_size__tile_overlayer_lowered;
	s5 =	simm.s32 $_tile_overlayer_lowered  }
0x9b: {  	s22 =	simm.s32 $0x1BFF;
	s21 =	sshll.u32 s5, $0x1;
	s2 =	sadd.s32 s19, s18  }
0x9c: {  	s6 =	simm.s32 $0x0;
	s20 =	sshll.u32 s4, $0x1;
	s4 =	sadd.s32 s21, s2  }
0x9d: {  	[timem:s6], [sflag:s22] =	dma.local [hbm:s4], s20  }
0x9e: {  	_ =	swait.ge [sflag:s22], s20  }
0x9f: {  	s3 =	ssub.s32 $0x0, s20;
	[sflag:s22] =	ssyncset.done $0x0  }
0xa0: {  	[sflag:s22] =	ssyncadd.s32 s3;
	_ =	sdelay $0x1  }
0xa1: {  	s23 =	simm.s32 $0x1B8B  }
0xa2: {  	_ =	swait.ge [sflag:s23], $0x1  }
0xa3: {  	[sflag:s23] =	ssyncset.done $0x0  }
0xa4: {  	s25 =	simm.s32 $0x1B8E;
	s24 =	sld [smem:$0x3FFE];
	[sflag:s23] =	ssyncadd.s32 $0xFFFFFFFF  }
0xa5: {  	s26 =	simm.s32 $execute0_lowered;
	[smem:$0x3FD2] =	sst s25  }
0xa6: {  	s4 =	sshll.u32 s26, $0x1;
	_ =	strace $0x80000046;
	[dreg:$0x1] =	wrdreg $0xFFFFFFFF  }
0xa7: {  	s28 =	simm.s32 $_size_execute0_lowered;
	s2 =	sadd.s32 s2, s4;
	[dreg:$0x0] =	wrdreg $0x0  }
0xa8: {  	s4 =	sshll.u32 s28, $0x1;
	[dreg:$0x2] =	wrdreg s2  }
0xa9: {  	[dreg:$0x3] =	wrdreg s4  }
0xaa: {  	[dreg:$0x4] =	wrdreg $0xC0  }
0xab: {  	_ =	task [dreg:s6], $0x5FFFF  }
0xac: {  	[dreg:$0x1] =	wrdreg $0xFFFFFFFF  }
0xad: {  	[dreg:$0x0] =	wrdreg $0x60  }
0xae: {  	[dreg:$0x2] =	wrdreg s24  }
0xaf: {  	[dreg:$0x3] =	wrdreg $0x7A800  }
0xb0: {  	[dreg:$0x4] =	wrdreg $0x9  }
0xb1: {  	_ =	task.clear_ibuf [dreg:s6], $0x5FFFF;
	_ =	strace $0x90000046  }
0xb2: {  	s29 =	simm.s32 $0x9;
	_ =	strace $0x80000048  }
0xb3: {  	_ =	swait.ge [sflag:s29], $0x1  }
0xb4: {  	[sflag:s29] =	ssyncadd.s32 $0xFFFFFFFF  }
0xb5: {  	_ =	strace $0x90000048  }
0xb6: {  	_ =	sfence  }
0xb7: {  	s30 =	sld [smem:$0x0];
	_ =	sdelay $0x2  }
0xb8: {  	s31 =	sshll.u32 s1, $0xD;
	s1 =	sshrl.u32 s1, $0x2  }
0xb9: {  	s3 =	sand.u32 $0x4000, s31;
	s1 =	sadd.s32 s1, s30  }
0xba: {  	s0 =	sor.u32 s3, s0;
	s1 =	sshll.u32 s1, $0x11  }
0xbb: {  	s0 =	sor.u32 s1, s0  }
0xbc: {  	s0 =	sadd.s32 $0x8F2B, s0  }
0xbd: {  	[sflag:s0] =	ssyncadd.remote.s32 $0x1  }
0xbe: {  	_ =	sfence.sel $0xFFFF  }
0xbf: {  	[dreg:$0x0] =	wrdreg $0xFFFFFFFF;
	(pc) =	sbr.abs _section_cstart, $3  }
0xc0: {  	[dreg:$0x1] =	wrdreg $0xFFFFFFFF  }
0xc1: {  	_ =	task.clear_ibuf [dreg:s6], $0x2FFFF;
	_ =	strace $0x9FFFFFFF  }
0xc2: {  	(tm) =	ssettm $0x7FFFFFFF  }
0xc3: {  	_ =	shalt  }
tec
execute0_lowered:
.L_overlay_start_1:
0x0: {  	(tag) =	ssettag $0x1  }
0x1: {  	s3 =	rddreg [dreg:$0x0]  }
0x2: {  	s5 =	rddreg [dreg:$0x1]  }
0x3: {  	s0 =	rddreg [dreg:$0x2];
	s2 =	simm.s32 $0x0  }
0x4: {  	s4 =	srdreg.scid;
	s1 =	stileid.u32;
	s12 =	simm.s32 $0x1400  }
0x5: {  	s13 =	simm.s32 $0x14000;
	s14 =	simm.s32 $0x5280;
	s15 =	simm.s32 $0x100  }
0x6: {  	s16 =	simm.s32 $0x5000;
	[smem:$0x7FF] =	sst s2;
	s4 =	sand.u32 $0x1, s4  }
0x7: {  	s6 =	sshll.u32 s1, $0x1;
	s7 =	smul.u32 $0x500, s1;
	s28 =	sshrl.u32 s1, $0x3  }
0x8: {  	s9 =	sshll.u32 s1, $0x7;
	s10 =	smul.u32 $0x5000, s1;
	_ =	strace $0x80000047  }
0x9: {  	s6 =	sor.u32 s4, s6;
	s8 =	sshll.u32 s4, $0x7;
	s4 =	ssub.s32 $0x2, s4  }
0xa: {  	s30 =	sand.u32 $0x380, s9;
	s9 =	simm.s32 $0x2800;
	s6 =	smul.u32 $0x500, s6  }
0xb: {  	s7 =	sor.u32 s8, s7;
	s8 =	smul.u32 $0x50000, s28;
	s29 =	sshrl.u32 s4, $0x1  }
0xc: {  	s31 =	sshrl.u32 s10, $0x2;
	s10 =	simm.s32 $0x80;
	s7 =	sshrl.u32 s7, $0x3  }
0xd: {  	s11 =	ssub.s32 s4, s29;
	s6 =	sadd.s32 s6, s3;
	s8 =	sshrl.u32 s8, $0x2  }
0xe: {  	s7 =	sadd.s32 s7, s3;
	s8 =	sadd.s32 s8, s5;
	s3 =	sadd.s32 $0xA00, s6  }
0xf: {  	s5 =	sadd.s32 s31, s5;
	s6 =	sadd.s32 $0x14A00, s7;
	s7 =	smax.u32 s11, $0x1  }
0x10: {  	v0 =	vimm.f32 $0.0e+00;
	v1 =	vimm.f32 $1.000000000e+00;
	s11 =	simm.s32 $0x400;
	s4 =	sadd.s32 s30, s8;
	s8 =	simm.s32 $0x1  }
.LBB2_1:
0x11: {  	s17 =	simm.s32 $0x40;
	s18 =	simm.s32 $0x0  }
.LBB2_2:
0x12: {  	p0 =	sne.s32 s17, $0x9FC0;
	[tilespmem:s18+$0x2800] =	vst v0;
	s18 =	smov.u32 s17;
	s17 =	sadd.s32 $0x40, s17  }
.Ltmp0:
0x13: {  	(pc) =	sbr.rel @p0 .LBB2_2-.Ltmp0, $2  }
0x14: {  	_ =	sdelay $0x2  }
0x15: {  	s18 =	sshra.s32 s18, $0x2  }
0x16: {  	[tilespmem:s18+$0x2800] =	vst v0;
	s17 =	simm.s32 $0x0  }
0x17: {  	[tilespmem:s17], [sflag:$0x1] =	stream.linear.gather [hbm4b:s3+s17], $0x2800, $0x38;
	[tilespmem:$0xA280] =	vst v63  }
0x18: {  	_ =	swait.ge [sflag:s8], $0x2800  }
0x19: {  	[sflag:s8] =	ssyncset.done $0x0  }
0x1a: {  	[sflag:s8] =	ssyncadd.s32 $0xFFFFD800  }
.LBB2_4:
0x1b: {  	s18 =	sshra.s32 s17, $0x2  }
0x1c: {  	v2 =	vld [tilespmem:s18+$0x0];
	_ =	sdelay $0x7  }
0x1d: {  	[tilespmem:v2+s9+$0x0] =	vst.idx.add.f32.msk $0xffff, v1  }
0x1e: {  	v2 =	vld [tilespmem:s18+$0x10];
	_ =	sdelay $0x7  }
0x1f: {  	[tilespmem:v2+s9+$0x0] =	vst.idx.add.f32.msk $0xffff, v1  }
0x20: {  	v2 =	vld [tilespmem:s18+$0x20];
	_ =	sdelay $0x7  }
0x21: {  	[tilespmem:v2+s9+$0x0] =	vst.idx.add.f32.msk $0xffff, v1  }
0x22: {  	v2 =	vld [tilespmem:s18+$0x30];
	_ =	sdelay $0x7  }
0x23: {  	[tilespmem:v2+s9+$0x0] =	vst.idx.add.f32.msk $0xffff, v1  }
0x24: {  	v2 =	vld [tilespmem:s18+$0x40];
	_ =	sdelay $0x7  }
0x25: {  	[tilespmem:v2+s9+$0x0] =	vst.idx.add.f32.msk $0xffff, v1  }
0x26: {  	v2 =	vld [tilespmem:s18+$0x50];
	_ =	sdelay $0x7  }
0x27: {  	[tilespmem:v2+s9+$0x0] =	vst.idx.add.f32.msk $0xffff, v1  }
0x28: {  	v2 =	vld [tilespmem:s18+$0x60];
	_ =	sdelay $0x7  }
0x29: {  	[tilespmem:v2+s9+$0x0] =	vst.idx.add.f32.msk $0xffff, v1  }
0x2a: {  	v2 =	vld [tilespmem:s18+$0x70];
	_ =	sdelay $0x2  }
0x2b: {  	p0 =	sne.s32 s17, $0x9E00  }
.Ltmp1:
0x2c: {  	_ = 	snop;
	(pc) =	sbr.rel @p0 .LBB2_4-.Ltmp1, $2  }
0x2d: {  	_ =	sdelay $0x2  }
0x2e: {  	s17 =	sadd.s32 $0x200, s17;
	[tilespmem:v2+s9+$0x0] =	vst.idx.add.f32.msk $0xffff, v1  }
0x2f: {  	[spmem:s4] =	stream.strided.scatter [tilespmem:s9], [sflag:$0x1], $0x2800, s11, s10, $0x38;
	[tilespmem:$0xA280] =	vst v63  }
0x30: {  	_ =	swait.ge [sflag:s8], $0x2800  }
0x31: {  	[sflag:s8] =	ssyncset.done $0x0  }
0x32: {  	[sflag:s8] =	ssyncadd.s32 $0xFFFFD800  }
0x33: {  	[bflag:$0x0] =	sbarrier.arrive $0xFFFF  }
0x34: {  	[tilespmem:s14], [sflag:$0x1] =	stream.strided.gather [spmem:s5], $0x2800, s13, s12, $0x38;
	[tilespmem:$0xA280] =	vst v63  }
0x35: {  	s17 =	simm.s32 $0x0;
	_ =	swait.ge [sflag:s8], $0x2800  }
0x36: {  	s18 =	sand.u32 $0x70, s17;
	s17 =	sand.u32 $0x1C00, s17;
	[sflag:s8] =	ssyncset.done $0x0  }
0x37: {  	s17 =	sor.u32 s18, s17;
	[sflag:s8] =	ssyncadd.s32 $0xFFFFD800  }
0x38: {  	v2 =	vld [tilespmem:s17+$0x5300]  }
0x39: {  	v3 =	vld [tilespmem:s17+$0x5280];
	_ =	sdelay $0x1  }
0x3a: {  	v4 =	vld [tilespmem:s17+$0x5380];
	_ =	sdelay $0x1  }
0x3b: {  	v5 =	vld [tilespmem:s17+$0x5400]  }
0x3c: {  	v2 =	vadd.f32 v2, v3  }
0x3d: {  	v3 =	vld [tilespmem:s17+$0x5480]  }
0x3e: {  	v2 =	vadd.f32 v4, v2  }
0x3f: {  	v56 =	vld [tilespmem:s17+$0x5500]  }
0x40: {  	v2 =	vadd.f32 v5, v2  }
0x41: {  	v57 =	vld [tilespmem:s17+$0x5580]  }
0x42: {  	v2 =	vadd.f32 v3, v2  }
0x43: {  	v3 =	vld [tilespmem:s17+$0x5600]  }
0x44: {  	v2 =	vadd.f32 v56, v2  }
0x45: {  	v58 =	vld [tilespmem:s17+$0x6680]  }
0x46: {  	v2 =	vadd.f32 v57, v2  }
0x47: {  	v59 =	vld [tilespmem:s17+$0x6700]  }
0x48: {  	v2 =	vadd.f32 v3, v2  }
0x49: {  	v3 =	vld [tilespmem:s17+$0x6780]  }
0x4a: {  	v2 =	vadd.f32 v58, v2  }
0x4b: {  	v60 =	vld [tilespmem:s17+$0x6800]  }
0x4c: {  	v2 =	vadd.f32 v59, v2  }
0x4d: {  	v61 =	vld [tilespmem:s17+$0x6880]  }
0x4e: {  	v2 =	vadd.f32 v3, v2  }
0x4f: {  	v3 =	vld [tilespmem:s17+$0x6900]  }
0x50: {  	v2 =	vadd.f32 v60, v2  }
0x51: {  	v62 =	vld [tilespmem:s17+$0x6980]  }
0x52: {  	v2 =	vadd.f32 v61, v2  }
0x53: {  	v63 =	vld [tilespmem:s17+$0x6A00]  }
0x54: {  	v2 =	vadd.f32 v3, v2;
	_ =	sdelay $0x1  }
0x55: {  	v2 =	vadd.f32 v62, v2;
	_ =	sdelay $0x1  }
0x56: {  	s31 =	simm.s32 $0x10;
	s19 =	simm.s32 $0x80;
	v2 =	vadd.f32 v63, v2  }
0x57: {  	s20 =	sand.u32 $0x1C00, s19;
	s18 =	sand.u32 $0x70, s31;
	s17 =	simm.s32 $0x5000  }
0x58: {  	s18 =	sor.u32 s18, s20;
	s20 =	simm.s32 $0x20;
	[tilespmem:s17+$0x0] =	vst v2  }
.LBB2_6:
0x59: {  	p0 =	sne.s32 s20, $0x270;
	v2 =	vld [tilespmem:s18+$0x5300]  }
0x5a: {  	v3 =	vld [tilespmem:s18+$0x5280];
	_ =	sdelay $0x1  }
0x5b: {  	v4 =	vld [tilespmem:s18+$0x5380];
	_ =	sdelay $0x1  }
0x5c: {  	v5 =	vld [tilespmem:s18+$0x5400]  }
0x5d: {  	v2 =	vadd.f32 v2, v3  }
0x5e: {  	v3 =	vld [tilespmem:s18+$0x5480]  }
0x5f: {  	v2 =	vadd.f32 v4, v2  }
0x60: {  	v4 =	vld [tilespmem:s18+$0x5500]  }
0x61: {  	v2 =	vadd.f32 v5, v2  }
0x62: {  	v5 =	vld [tilespmem:s18+$0x5580]  }
0x63: {  	v2 =	vadd.f32 v3, v2  }
0x64: {  	v3 =	vld [tilespmem:s18+$0x5600]  }
0x65: {  	v2 =	vadd.f32 v4, v2  }
0x66: {  	v4 =	vld [tilespmem:s18+$0x6680]  }
0x67: {  	v2 =	vadd.f32 v5, v2  }
0x68: {  	v5 =	vld [tilespmem:s18+$0x6700]  }
0x69: {  	v2 =	vadd.f32 v3, v2  }
0x6a: {  	v3 =	vld [tilespmem:s18+$0x6780]  }
0x6b: {  	v2 =	vadd.f32 v4, v2  }
0x6c: {  	v4 =	vld [tilespmem:s18+$0x6800]  }
0x6d: {  	v2 =	vadd.f32 v5, v2  }
0x6e: {  	v5 =	vld [tilespmem:s18+$0x6880]  }
0x6f: {  	v2 =	vadd.f32 v3, v2  }
0x70: {  	v3 =	vld [tilespmem:s18+$0x6900]  }
0x71: {  	v2 =	vadd.f32 v4, v2  }
0x72: {  	v4 =	vld [tilespmem:s18+$0x6980]  }
0x73: {  	v2 =	vadd.f32 v5, v2  }
0x74: {  	v5 =	vld [tilespmem:s18+$0x6A00]  }
0x75: {  	v2 =	vadd.f32 v3, v2;
	_ =	sdelay $0x1  }
.Ltmp2:
0x76: {  	v2 =	vadd.f32 v4, v2;
	(pc) =	sbr.rel @p0 .LBB2_6-.Ltmp2, $4  }
0x77: {  	_ = 	snop  }
0x78: {  	s19 =	sadd.s32 $0x80, s19;
	v2 =	vadd.f32 v5, v2  }
0x79: {  	s17 =	sadd.s32 $0x10, s17;
	s21 =	sand.u32 $0x1C00, s19;
	s18 =	sand.u32 $0x70, s20  }
0x7a: {  	s20 =	sadd.s32 $0x10, s20;
	s18 =	sor.u32 s18, s21;
	[tilespmem:s17+$0x0] =	vst v2  }
0x7b: {  	v2 =	vld [tilespmem:s18+$0x5300]  }
0x7c: {  	v3 =	vld [tilespmem:s18+$0x5280];
	_ =	sdelay $0x1  }
0x7d: {  	v4 =	vld [tilespmem:s18+$0x5380];
	_ =	sdelay $0x1  }
0x7e: {  	v5 =	vld [tilespmem:s18+$0x5400]  }
0x7f: {  	v2 =	vadd.f32 v2, v3  }
0x80: {  	v3 =	vld [tilespmem:s18+$0x5480]  }
0x81: {  	v2 =	vadd.f32 v4, v2  }
0x82: {  	v56 =	vld [tilespmem:s18+$0x5500]  }
0x83: {  	v2 =	vadd.f32 v5, v2  }
0x84: {  	v57 =	vld [tilespmem:s18+$0x5580]  }
0x85: {  	v2 =	vadd.f32 v3, v2  }
0x86: {  	v3 =	vld [tilespmem:s18+$0x5600]  }
0x87: {  	v2 =	vadd.f32 v56, v2  }
0x88: {  	v58 =	vld [tilespmem:s18+$0x6680]  }
0x89: {  	v2 =	vadd.f32 v57, v2  }
0x8a: {  	v59 =	vld [tilespmem:s18+$0x6700]  }
0x8b: {  	v2 =	vadd.f32 v3, v2  }
0x8c: {  	v3 =	vld [tilespmem:s18+$0x6780]  }
0x8d: {  	v2 =	vadd.f32 v58, v2  }
0x8e: {  	v60 =	vld [tilespmem:s18+$0x6800]  }
0x8f: {  	v2 =	vadd.f32 v59, v2  }
0x90: {  	v61 =	vld [tilespmem:s18+$0x6880]  }
0x91: {  	v2 =	vadd.f32 v3, v2  }
0x92: {  	v3 =	vld [tilespmem:s18+$0x6900]  }
0x93: {  	v2 =	vadd.f32 v60, v2  }
0x94: {  	v62 =	vld [tilespmem:s18+$0x6980]  }
0x95: {  	v2 =	vadd.f32 v61, v2  }
0x96: {  	v63 =	vld [tilespmem:s18+$0x6A00]  }
0x97: {  	v2 =	vadd.f32 v3, v2;
	_ =	sdelay $0x1  }
0x98: {  	v2 =	vadd.f32 v62, v2;
	_ =	sdelay $0x1  }
0x99: {  	s2 =	sadd.s32 $0x1, s2;
	v2 =	vadd.f32 v63, v2  }
0x9a: {  	s17 =	sadd.s32 $0x10, s17;
	p0 =	sne.s32 s2, s7  }
.Ltmp3:
0x9b: {  	[tilespmem:s17+$0x0] =	vst v2;
	(pc) =	sbr.rel @p0 .LBB2_1-.Ltmp3, $4  }
0x9c: {  	[hbm4b:s6+s10] =	stream.strided.scatter [tilespmem:s16], [sflag:$0x1], $0x280, s15, s10, $0x38;
	[tilespmem:$0xA280] =	vst v63  }
0x9d: {  	_ =	swait.ge [sflag:s8], $0x280  }
0x9e: {  	[sflag:s8] =	ssyncset.done $0x0  }
0x9f: {  	[sflag:s8] =	ssyncadd.s32 $0xFFFFFD80  }
0xa0: {  	_ =	sfence.sel $0x180000  }
0xa1: {  	[bflag:$0x0] =	sbarrier.arrive $0xFFFF  }
0xa2: {  	p0 =	sne.s32 s1, $0x0;
	_ =	strace $0x90000047  }
0xa3: {  	s0 =	sadd.s32 @!p0 $0x100000, s0;
	[bflag:$0x2] =	sbarrier.arrive $0xFFFF  }
0xa4: {  	[sflag:s0] =	ssyncadd.tile.s32 @!p0 $0x1;
	_ =	shalt  }
.Lfunc_end2:
_tile_overlayer_lowered:
.L_overlay_start_2:
0xa5: {  	(tag) =	ssettag $0x2  }
0xa6: {  	s0 =	rddreg [dreg:$0x0];
	s2 =	stileid.u32  }
0xa7: {  	s1 =	rddreg [dreg:$0x1];
	p0 =	sne.s32 s2, $0x0  }
0xa8: {  	s3 =	rddreg [dreg:$0x2];
	[bflag:$0x3] =	sbarrier.arrive $0xFFFF;
	s2 =	simm.s32 @!p0 $0x1C01  }
0xa9: {  	[timem:s3], [sflag:s2] =	dma.local @!p0 [hbm:s0], s1  }
0xaa: {  	s0 =	simm.s32 @!p0 $0x1  }
0xab: {  	_ =	swait.ge @!p0 [sflag:s0], s1  }
0xac: {  	s1 =	ssub.s32 @!p0 $0x0, s1;
	[sflag:s0] =	ssyncset.done @!p0 $0x0  }
0xad: {  	[sflag:s0] =	ssyncadd.s32 @!p0 s1  }
0xae: {  	[bflag:$0x3] =	sbarrier.arrive $0xFFFF  }
0xaf: {  	_ =	shalt  }

</sc_bundles>
